<compile_context>
chip_gen: v7x
topology: tpu7x:2x2x1
jax: 0.10.2.dev20260603
libtpu: 0.0.44.dev20260713+nightly
codegen_flags: <defaults>
</compile_context>

<pallas_src>
import functools

import jax
import jax.numpy as jnp
from jax import lax
from jax.experimental import pallas as pl
from jax.experimental.pallas import tpu as pltpu
from jax.experimental.pallas import tpu_sc as plsc

N = 10000
E = 320000
D = 128
G = 64

NC = 2
NS = 16
NW = NC * NS
EPW = E // NW
C = 80
NCHUNK = EPW // C
NBUF = 2
RPT = 624
RTAIL = N - NS * RPT
DEGW = 16


def _sc_agg_body(with_deg, h_hbm, src_hbm, dst_hbm, *refs):
    if with_deg:
        (acc_out, deg_out, acc_sh, sidx_v, didx_v, rows_v, zbuf,
         zsem, isem, gsem, ssem) = refs
    else:
        (acc_out, acc_sh, sidx_v, didx_v, rows_v, zbuf,
         zsem, isem, gsem, ssem) = refs

    cid = lax.axis_index("c")
    sid = lax.axis_index("s")
    wid = sid * NC + cid

    def zero_my_acc_slice():
        def za(j, _):
            pltpu.async_copy(zbuf,
                             acc_sh.at[pl.ds(sid * RPT + j * 16, 16)], zsem)
            return _

        lax.fori_loop(0, RPT // 16, za, 0)

        @pl.when(sid == NS - 1)
        def _():
            pltpu.async_copy(zbuf.at[pl.ds(0, RTAIL)],
                             acc_sh.at[pl.ds(NS * RPT, RTAIL)], zsem)

        def zw(j, _):
            pltpu.make_async_copy(
                zbuf, acc_sh.at[pl.ds(sid * RPT + j * 16, 16)], zsem).wait()
            return _

        lax.fori_loop(0, RPT // 16, zw, 0)

        @pl.when(sid == NS - 1)
        def _():
            pltpu.make_async_copy(
                zbuf.at[pl.ds(0, RTAIL)],
                acc_sh.at[pl.ds(NS * RPT, RTAIL)], zsem).wait()

    def copy_my_acc_slice(out_ref):
        pltpu.sync_copy(acc_sh.at[pl.ds(sid * RPT, RPT)],
                        out_ref.at[cid, pl.ds(sid * RPT, RPT)])

        @pl.when(sid == NS - 1)
        def _():
            pltpu.sync_copy(acc_sh.at[pl.ds(NS * RPT, RTAIL)],
                            out_ref.at[cid, pl.ds(NS * RPT, RTAIL)])

    zeros16 = jnp.zeros((16,), jnp.float32)

    def zb(i, _):
        zbuf[i // (D // 16), pl.ds((i % (D // 16)) * 16, 16)] = zeros16
        return _

    lax.fori_loop(0, 16 * (D // 16), zb, 0)

    zero_my_acc_slice()

    base = wid * EPW
    pltpu.sync_copy(dst_hbm.at[1, wid], didx_v)

    def start_sidx(g, b):
        pltpu.async_copy(src_hbm.at[pl.ds(base + g * C, C)], sidx_v[b],
                         isem[b])

    def wait_sidx(g, b):
        pltpu.make_async_copy(src_hbm.at[pl.ds(base + g * C, C)], sidx_v[b],
                              isem[b]).wait()

    def start_gather(g, b):
        return pltpu.async_copy(h_hbm.at[sidx_v[b]], rows_v[b], gsem[b])

    def wait_gather(g, b):
        pltpu.make_async_copy(h_hbm.at[sidx_v[b]], rows_v[b],
                              gsem[b]).wait()

    def scatter(g, b):
        pltpu.sync_copy(rows_v[b], acc_sh.at[didx_v.at[g]], add=True)

    def start_scatter(g, b):
        pltpu.async_copy(rows_v[b], acc_sh.at[didx_v.at[g]], ssem[b],
                         add=True)

    def wait_scatter(g, b):
        pltpu.make_async_copy(rows_v[b], acc_sh.at[didx_v.at[g]],
                              ssem[b]).wait()

    if with_deg:
        ones16 = jnp.ones((16,), jnp.float32)

        def ob(i, _):
            rows_v[0][i // (D // 16), pl.ds((i % (D // 16)) * 16, 16)] = ones16
            return _

        lax.fori_loop(0, C * (D // 16), ob, 0)

        plsc.subcore_barrier()

        def dgroup(j, carry):
            for k in range(5):
                pltpu.async_copy(rows_v[0], acc_sh.at[didx_v.at[j * 5 + k]],
                                 ssem[0], add=True)
            for k in range(5):
                pltpu.make_async_copy(rows_v[0],
                                      acc_sh.at[didx_v.at[j * 5 + k]],
                                      ssem[0]).wait()
            return carry

        lax.fori_loop(0, NCHUNK // 5, dgroup, 0)

        plsc.subcore_barrier()
        copy_my_acc_slice(deg_out)
        zero_my_acc_slice()

    plsc.subcore_barrier()

    start_sidx(0, 0)
    wait_sidx(0, 0)
    start_gather(0, 0)
    start_sidx(1, 1)

    def mpair(i, carry):
        g = i * 2

        @pl.when(g > 0)
        def _():
            wait_scatter(g - 1, 1)

        wait_sidx(g + 1, 1)
        start_gather(g + 1, 1)
        wait_gather(g, 0)

        @pl.when(g + 2 < NCHUNK)
        def _():
            start_sidx(g + 2, 0)

        start_scatter(g, 0)
        wait_scatter(g, 0)

        @pl.when(g + 2 < NCHUNK)
        def _():
            wait_sidx(g + 2, 0)
            start_gather(g + 2, 0)

        wait_gather(g + 1, 1)

        @pl.when(g + 3 < NCHUNK)
        def _():
            start_sidx(g + 3, 1)

        start_scatter(g + 1, 1)
        return carry

    lax.fori_loop(0, NCHUNK // 2, mpair, 0)

    wait_scatter(NCHUNK - 2, 1)
    wait_gather(NCHUNK - 1, 0)
    scatter(NCHUNK - 1, 0)

    plsc.subcore_barrier()
    copy_my_acc_slice(acc_out)


def _make_sc_agg(with_deg):
    mesh = plsc.VectorSubcoreMesh(core_axis_name="c", subcore_axis_name="s")
    out_type = [jax.ShapeDtypeStruct((NC, N, D), jnp.float32)]
    scratch = [
        pltpu.VMEM_SHARED((N, D), jnp.float32),
    ]
    if with_deg:
        out_type.append(jax.ShapeDtypeStruct((NC, N, D), jnp.float32))
    scratch += [
        [pltpu.VMEM((C,), jnp.int32) for _ in range(NBUF)],
        pltpu.VMEM((NCHUNK, C), jnp.int32),
        [pltpu.VMEM((C, D), jnp.float32) for _ in range(NBUF)],
        pltpu.VMEM((16, D), jnp.float32),
        pltpu.SemaphoreType.DMA,
        [pltpu.SemaphoreType.DMA for _ in range(NBUF)],
        [pltpu.SemaphoreType.DMA for _ in range(NBUF)],
        [pltpu.SemaphoreType.DMA for _ in range(NBUF)],
    ]

    return pl.kernel(
        functools.partial(_sc_agg_body, with_deg),
        out_type=tuple(out_type) if with_deg else out_type[0],
        mesh=mesh,
        scratch_types=scratch,
    )


_sc_agg_deg = _make_sc_agg(True)
_sc_agg = _make_sc_agg(False)



BN = 2000
BW = 16


def _tc_layer_body(x_ref, accp_ref, degp_ref, wl_ref, bl_ref, wr_ref, o_ref):
    acc = accp_ref[0] + accp_ref[1]
    dsum = degp_ref[0] + degp_ref[1]
    deg = jnp.maximum(dsum[:, 0:1], 1.0)
    mean = acc / deg
    h = (lax.dot_general(mean, wl_ref[...], (((1,), (1,)), ((), ())),
                         preferred_element_type=jnp.float32)
         + bl_ref[...]
         + lax.dot_general(x_ref[...], wr_ref[...], (((1,), (1,)), ((), ())),
                           preferred_element_type=jnp.float32))
    o_ref[...] = jnp.maximum(h, 0.0)


def _tc_layer(x, accp, degp, wl, bl, wr):
    grid = (N // BN,)
    return pl.pallas_call(
        _tc_layer_body,
        grid=grid,
        in_specs=[
            pl.BlockSpec((BN, D), lambda i: (i, 0)),
            pl.BlockSpec((NC, BN, D), lambda i: (0, i, 0)),
            pl.BlockSpec((NC, BN, DEGW), lambda i: (0, i, 0)),
            pl.BlockSpec((D, D), lambda i: (0, 0)),
            pl.BlockSpec((1, D), lambda i: (0, 0)),
            pl.BlockSpec((D, D), lambda i: (0, 0)),
        ],
        out_specs=pl.BlockSpec((BN, D), lambda i: (i, 0)),
        out_shape=jax.ShapeDtypeStruct((N, D), jnp.float32),
    )(x, accp, degp, wl, bl, wr)


def _tc_final_body(h1_ref, accp_ref, degp_ref, batch_ref, wl_ref, bl_ref,
                   wr_ref, wout_ref, bout_ref, o_ref, ps_ref, pc_ref):
    i = pl.program_id(0)
    acc = accp_ref[0] + accp_ref[1]
    dsum = degp_ref[0] + degp_ref[1]
    deg = jnp.maximum(dsum[:, 0:1], 1.0)
    mean = acc / deg
    h = (lax.dot_general(mean, wl_ref[...], (((1,), (1,)), ((), ())),
                         preferred_element_type=jnp.float32)
         + bl_ref[...]
         + lax.dot_general(h1_ref[...], wr_ref[...], (((1,), (1,)), ((), ())),
                           preferred_element_type=jnp.float32))
    h2 = jnp.maximum(h, 0.0)

    bvals = batch_ref[0]
    gids = lax.broadcasted_iota(jnp.int32, (G, BN), 0)
    oh = (bvals == gids).astype(jnp.float32)

    ps = lax.dot_general(oh, h2, (((1,), (0,)), ((), ())),
                         preferred_element_type=jnp.float32)
    ones_b = jnp.ones((BN, D), jnp.float32)
    pc = lax.dot_general(oh, ones_b, (((1,), (0,)), ((), ())),
                         preferred_element_type=jnp.float32)

    @pl.when(i == 0)
    def _():
        ps_ref[...] = ps
        pc_ref[...] = pc

    @pl.when(i != 0)
    def _():
        ps_ref[...] = ps_ref[...] + ps
        pc_ref[...] = pc_ref[...] + pc

    @pl.when(i == pl.num_programs(0) - 1)
    def _():
        pooled = ps_ref[...] / jnp.maximum(pc_ref[...], 1.0)
        o_ref[...] = (
            lax.dot_general(pooled, wout_ref[...], (((1,), (1,)), ((), ())),
                            preferred_element_type=jnp.float32)
            + bout_ref[...])


def _tc_final(h1, accp, degp, batchb, wl, bl, wr, wout, bout):
    grid = (N // BN,)
    return pl.pallas_call(
        _tc_final_body,
        grid=grid,
        in_specs=[
            pl.BlockSpec((BN, D), lambda i: (i, 0)),
            pl.BlockSpec((NC, BN, D), lambda i: (0, i, 0)),
            pl.BlockSpec((NC, BN, DEGW), lambda i: (0, i, 0)),
            pl.BlockSpec((1, 1, BN), lambda i: (i, 0, 0)),
            pl.BlockSpec((D, D), lambda i: (0, 0)),
            pl.BlockSpec((1, D), lambda i: (0, 0)),
            pl.BlockSpec((D, D), lambda i: (0, 0)),
            pl.BlockSpec((D, D), lambda i: (0, 0)),
            pl.BlockSpec((1, D), lambda i: (0, 0)),
        ],
        out_specs=pl.BlockSpec((G, D), lambda i: (0, 0)),
        out_shape=jax.ShapeDtypeStruct((G, D), jnp.float32),
        scratch_shapes=[
            pltpu.VMEM((G, D), jnp.float32),
            pltpu.VMEM((G, D), jnp.float32),
        ],
    )(h1, accp, degp, batchb, wl, bl, wr, wout, bout)


def kernel(x, edge_index, batch, Wl1, bl1, Wr1, Wl2, bl2, Wr2, Wout, bout):
    ei = edge_index.astype(jnp.int32)
    src = ei.reshape(2 * E)
    dst = ei.reshape(2, NW, NCHUNK, C)
    batchr = batch.astype(jnp.int32).reshape(N // BN, 1, BN)

    accp1, degp = _sc_agg_deg(x, src, dst)
    degp16 = degp[:, :, :DEGW]
    h1 = _tc_layer(x, accp1, degp16, Wl1, bl1.reshape(1, D), Wr1)
    accp2 = _sc_agg(h1, src, dst)
    out = _tc_final(h1, accp2, degp16, batchr, Wl2, bl2.reshape(1, D), Wr2,
                    Wout, bout.reshape(1, D))
    return out

# --- scband reference (transcript-rebuilt; emitter-appended) ---
"""Pipeline reference for scband-gnn-6339371728976 (READ-ONLY COPY).

The authoritative reference and input builder live on the scoring server;
editing this copy changes nothing except your own understanding.
"""

import jax, jax.numpy as jnp
import numpy as np

N = 10000
E = 320000
D = 128
H = 128
O = 128
G = 64


def setup_inputs(seed: int = 0) -> dict:
    key = jax.random.key(seed)
    ks = jax.random.split(key, 12)
    x = jax.random.normal(ks[0], (N, D), dtype=jnp.float32)
    edge_index = jax.random.randint(ks[1], (2, E), 0, N, dtype=jnp.int64)
    batch = jnp.sort(jax.random.randint(ks[2], (N,), 0, G, dtype=jnp.int64))
    s = 0.05
    # SAGEConv layer 1: lin_l (aggregated, with bias), lin_r (root, no bias)
    Wl1 = jax.random.normal(ks[3], (H, D), dtype=jnp.float32) * s
    bl1 = jnp.zeros((H,), dtype=jnp.float32)
    Wr1 = jax.random.normal(ks[4], (H, D), dtype=jnp.float32) * s
    # SAGEConv layer 2
    Wl2 = jax.random.normal(ks[5], (H, H), dtype=jnp.float32) * s
    bl2 = jnp.zeros((H,), dtype=jnp.float32)
    Wr2 = jax.random.normal(ks[6], (H, H), dtype=jnp.float32) * s
    # final linear
    Wout = jax.random.normal(ks[7], (O, H), dtype=jnp.float32) * s
    bout = jnp.zeros((O,), dtype=jnp.float32)
    return {
        "x": x, "edge_index": edge_index, "batch": batch,
        "Wl1": Wl1, "bl1": bl1, "Wr1": Wr1,
        "Wl2": Wl2, "bl2": bl2, "Wr2": Wr2,
        "Wout": Wout, "bout": bout,
    }


def _sage_conv(h, edge_index, W_l, b_l, W_r, num_nodes):
    # PyG SAGEConv (aggr='mean'): out_i = lin_l(mean_{j in N(i)} h_j) + lin_r(h_i)
    src = edge_index[0]
    dst = edge_index[1]
    msgs = jnp.take(h, src, axis=0)                                  # gather [E, d]
    summed = jax.ops.segment_sum(msgs, dst, num_segments=num_nodes)  # scatter-add
    ones = jnp.ones((msgs.shape[0], 1), dtype=h.dtype)
    cnt = jax.ops.segment_sum(ones, dst, num_segments=num_nodes)
    mean = summed / jnp.maximum(cnt, 1.0)
    return mean @ W_l.T + b_l + h @ W_r.T


def reference(x, edge_index, batch, Wl1, bl1, Wr1, Wl2, bl2, Wr2, Wout, bout):
    h = jax.nn.relu(_sage_conv(x, edge_index, Wl1, bl1, Wr1, N))
    h = jax.nn.relu(_sage_conv(h, edge_index, Wl2, bl2, Wr2, N))
    # global_mean_pool over batch ids
    ps = jax.ops.segment_sum(h, batch, num_segments=G)
    pc = jax.ops.segment_sum(jnp.ones((N, 1), dtype=h.dtype), batch, num_segments=G)
    pooled = ps / jnp.maximum(pc, 1.0)
    return pooled @ Wout.T + bout

if __name__ == "__main__":
    import jax
    _d = setup_inputs()
    print(jax.jit(kernel)(*tuple(_d.values())))

</pallas_src>

<mosaic_0001>
#map = affine_map<(d0, d1) -> (0, 0)>
#map1 = affine_map<(d0, d1) -> (0)>
#map2 = affine_map<(d0, d1) -> (0, 0, 0, 0)>
#map3 = affine_map<(d0, d1) -> (0, 0, 0)>
module attributes {stable_mosaic.version = 14 : i64} {
  func.func @_sc_agg_body(%arg0: i32, %arg1: i32, %arg2: memref<10000x128xf32, #tpu.memory_space<hbm>>, %arg3: memref<640000xi32, #tpu.memory_space<hbm>>, %arg4: memref<2x32x125x80xi32, #tpu.memory_space<hbm>>, %arg5: memref<2x10000x128xf32, #tpu.memory_space<hbm>>, %arg6: memref<10000x128xf32, #tpu.memory_space<vmem_shared>>, %arg7: memref<80xi32, #tpu.memory_space<vmem>>, %arg8: memref<80xi32, #tpu.memory_space<vmem>>, %arg9: memref<125x80xi32, #tpu.memory_space<vmem>>, %arg10: memref<80x128xf32, #tpu.memory_space<vmem>>, %arg11: memref<80x128xf32, #tpu.memory_space<vmem>>, %arg12: memref<16x128xf32, #tpu.memory_space<vmem>>, %arg13: memref<!tpu.dma_semaphore, #tpu.memory_space<semaphore_mem>>, %arg14: memref<!tpu.dma_semaphore, #tpu.memory_space<semaphore_mem>>, %arg15: memref<!tpu.dma_semaphore, #tpu.memory_space<semaphore_mem>>, %arg16: memref<!tpu.dma_semaphore, #tpu.memory_space<semaphore_mem>>, %arg17: memref<!tpu.dma_semaphore, #tpu.memory_space<semaphore_mem>>, %arg18: memref<!tpu.dma_semaphore, #tpu.memory_space<semaphore_mem>>, %arg19: memref<!tpu.dma_semaphore, #tpu.memory_space<semaphore_mem>>) attributes {dimension_semantics = [#tpu.dimension_semantics<core_parallel>, #tpu.dimension_semantics<subcore_parallel>], iteration_bounds = array<i64: 2, 16>, scalar_prefetch = 0 : i64, scratch_operands = 14 : i64, tpu.core_type = #tpu.core_type<sc_vector_subcore>, window_params = [{transform_indices = #map}, {transform_indices = #map1}, {transform_indices = #map2}, {transform_indices = #map3}]} {
    %mul3A = arith.constant 2 : i32
    %mul3A_0 = arith.muli %arg1, %mul3A : i32
    %add3A = arith.addi %mul3A_0, %arg0 : i32
    %broadcast_in_dim3A = arith.constant 0.000000e+00 : f32
    %broadcast_in_dim3A_1 = vector.broadcast %broadcast_in_dim3A : f32 to vector<16xf32>
    %scan3A = arith.constant 0 : i32
    %scan3A_2 = arith.constant 0 : i32
    %scan3A_3 = arith.constant 128 : i32
    %scan3A_4 = arith.addi %scan3A_2, %scan3A_3 : i32
    %scan3A_5 = arith.constant 1 : i32
    scf.for %scan3A_68 = %scan3A_2 to %scan3A_4 step %scan3A_5  : i32 {
      %jit3A = arith.constant 8 : i32
      %div3A = arith.divsi %scan3A_68, %jit3A : i32
      %sign3A = arith.constant 0 : i32
      %sign3A_69 = arith.cmpi sgt, %scan3A_68, %sign3A : i32
      %sign3A_70 = arith.extui %sign3A_69 : i1 to i32
      %sign3A_71 = arith.constant 0 : i32
      %sign3A_72 = arith.cmpi slt, %scan3A_68, %sign3A_71 : i32
      %sign3A_73 = arith.extui %sign3A_72 : i1 to i32
      %sign3A_74 = arith.subi %sign3A_70, %sign3A_73 : i32
      %sign3A_75 = arith.constant 0 : i32
      %sign3A_76 = arith.cmpi sgt, %jit3A, %sign3A_75 : i32
      %sign3A_77 = arith.extui %sign3A_76 : i1 to i32
      %sign3A_78 = arith.constant 0 : i32
      %sign3A_79 = arith.cmpi slt, %jit3A, %sign3A_78 : i32
      %sign3A_80 = arith.extui %sign3A_79 : i1 to i32
      %sign3A_81 = arith.subi %sign3A_77, %sign3A_80 : i32
      %ne3A = arith.cmpi ne, %sign3A_74, %sign3A_81 : i32
      %rem3A = arith.remsi %scan3A_68, %jit3A : i32
      %ne3A_82 = arith.constant 0 : i32
      %ne3A_83 = arith.cmpi ne, %rem3A, %ne3A_82 : i32
      %and3A = arith.andi %ne3A, %ne3A_83 : i1
      %sub3A = arith.constant 1 : i32
      %sub3A_84 = arith.subi %div3A, %sub3A : i32
      %select_n3A = arith.select %and3A, %sub3A_84, %div3A : i32
      %jit3A_85 = arith.constant 8 : i32
      %eq3A_86 = arith.constant 0 : i32
      %eq3A_87 = arith.cmpi eq, %jit3A_85, %eq3A_86 : i32
      %jit3A_88 = arith.constant 1 : i32
      %select_n3A_89 = arith.select %eq3A_87, %jit3A_88, %jit3A_85 : i32
      %rem3A_90 = arith.remsi %scan3A_68, %select_n3A_89 : i32
      %ne3A_91 = arith.constant 0 : i32
      %ne3A_92 = arith.cmpi ne, %rem3A_90, %ne3A_91 : i32
      %lt3A = arith.constant 0 : i32
      %lt3A_93 = arith.cmpi slt, %rem3A_90, %lt3A : i32
      %lt3A_94 = arith.constant 0 : i32
      %lt3A_95 = arith.cmpi slt, %select_n3A_89, %lt3A_94 : i32
      %ne3A_96 = arith.xori %lt3A_93, %lt3A_95 : i1
      %and3A_97 = arith.andi %ne3A_96, %ne3A_92 : i1
      %add3A_98 = arith.addi %rem3A_90, %select_n3A_89 : i32
      %select_n3A_99 = arith.select %and3A_97, %add3A_98, %rem3A_90 : i32
      %mul3A_100 = arith.constant 16 : i32
      %mul3A_101 = arith.muli %select_n3A_99, %mul3A_100 : i32
      %swap3A = arith.index_cast %select_n3A : i32 to index
      %swap3A_102 = arith.index_cast %mul3A_101 : i32 to index
      %swap3A_103 = tpu.vector_load %arg12[%swap3A, %swap3A_102] {strides = array<i32>} : memref<16x128xf32, #tpu.memory_space<vmem>>, vector<1x16xf32>,
      %swap3A_104 = vector.shape_cast %swap3A_103 : vector<1x16xf32> to vector<16xf32>
      %swap3A_105 = vector.shape_cast %broadcast_in_dim3A_1 : vector<16xf32> to vector<1x16xf32>
      tpu.vector_store %arg12[%swap3A, %swap3A_102], %swap3A_105 {strides = array<i32>} : memref<16x128xf32, #tpu.memory_space<vmem>>, vector<1x16xf32>,
    }
    %scan3A_6 = arith.constant 128 : i32
    %scan3A_7 = arith.constant 0 : i32
    %scan3A_8 = arith.constant 0 : i32
    %scan3A_9 = arith.constant 39 : i32
    %scan3A_10 = arith.addi %scan3A_8, %scan3A_9 : i32
    %scan3A_11 = arith.constant 1 : i32
    scf.for %scan3A_68 = %scan3A_8 to %scan3A_10 step %scan3A_11  : i32 {
      %mul3A_69 = arith.constant 624 : i32
      %mul3A_70 = arith.muli %arg1, %mul3A_69 : i32
      %mul3A_71 = arith.constant 16 : i32
      %mul3A_72 = arith.muli %scan3A_68, %mul3A_71 : i32
      %add3A_73 = arith.addi %mul3A_70, %mul3A_72 : i32
      %dma_start3A_74 = arith.constant 0 : i32
      %dma_start3A_75 = tpu.memref_slice %arg6[%add3A_73, %dma_start3A_74] : memref<10000x128xf32, #tpu.memory_space<vmem_shared>> -> memref<16x128xf32, #tpu.memory_space<vmem_shared>>
      %dma_start3A_76 = arith.constant 0 : i32
      %dma_start3A_77 = tpu.memref_slice %arg6[%add3A_73, %dma_start3A_76] : memref<10000x128xf32, #tpu.memory_space<vmem_shared>> -> memref<16x128xf32, #tpu.memory_space<vmem_shared>>
      tpu.enqueue_dma source(%arg12 : memref<16x128xf32, #tpu.memory_space<vmem>>) target(%dma_start3A_77 : memref<16x128xf32, #tpu.memory_space<vmem_shared>>) target_semaphore(%arg13 : memref<!tpu.dma_semaphore, #tpu.memory_space<semaphore_mem>>)
    }
    %scan3A_12 = arith.constant 39 : i32
    %eq3A = arith.constant 15 : i32
    %eq3A_13 = arith.cmpi eq, %arg1, %eq3A : i32
    %convert_element_type3A = arith.extui %eq3A_13 : i1 to i32
    %cond3A = arith.constant 0 : i32
    %cond3A_14 = arith.cmpi ne, %convert_element_type3A, %cond3A : i32
    scf.if %cond3A_14 {
      %dma_start3A_68 = arith.constant 0 : i32
      %dma_start3A_69 = arith.constant 0 : i32
      %dma_start3A_70 = tpu.memref_slice %arg12[%dma_start3A_68, %dma_start3A_69] : memref<16x128xf32, #tpu.memory_space<vmem>> -> memref<16x128xf32, #tpu.memory_space<vmem>>
      %dma_start3A_71 = arith.constant 9984 : i32
      %dma_start3A_72 = arith.constant 0 : i32
      %dma_start3A_73 = tpu.memref_slice %arg6[%dma_start3A_71, %dma_start3A_72] : memref<10000x128xf32, #tpu.memory_space<vmem_shared>> -> memref<16x128xf32, #tpu.memory_space<vmem_shared>>
      %dma_start3A_74 = arith.constant 9984 : i32
      %dma_start3A_75 = arith.constant 0 : i32
      %dma_start3A_76 = tpu.memref_slice %arg6[%dma_start3A_74, %dma_start3A_75] : memref<10000x128xf32, #tpu.memory_space<vmem_shared>> -> memref<16x128xf32, #tpu.memory_space<vmem_shared>>
      %dma_start3A_77 = arith.constant 0 : i32
      %dma_start3A_78 = arith.constant 0 : i32
      %dma_start3A_79 = tpu.memref_slice %arg12[%dma_start3A_77, %dma_start3A_78] : memref<16x128xf32, #tpu.memory_space<vmem>> -> memref<16x128xf32, #tpu.memory_space<vmem>>
      tpu.enqueue_dma source(%dma_start3A_79 : memref<16x128xf32, #tpu.memory_space<vmem>>) target(%dma_start3A_76 : memref<16x128xf32, #tpu.memory_space<vmem_shared>>) target_semaphore(%arg13 : memref<!tpu.dma_semaphore, #tpu.memory_space<semaphore_mem>>)
    } else {
    }
    %scan3A_15 = arith.constant 0 : i32
    %scan3A_16 = arith.constant 0 : i32
    %scan3A_17 = arith.constant 39 : i32
    %scan3A_18 = arith.addi %scan3A_16, %scan3A_17 : i32
    %scan3A_19 = arith.constant 1 : i32
    scf.for %scan3A_68 = %scan3A_16 to %scan3A_18 step %scan3A_19  : i32 {
      %mul3A_69 = arith.constant 624 : i32
      %mul3A_70 = arith.muli %arg1, %mul3A_69 : i32
      %mul3A_71 = arith.constant 16 : i32
      %mul3A_72 = arith.muli %scan3A_68, %mul3A_71 : i32
      %add3A_73 = arith.addi %mul3A_70, %mul3A_72 : i32
      %dma_wait3A_74 = arith.constant 0 : i32
      %dma_wait3A_75 = tpu.memref_slice %arg6[%add3A_73, %dma_wait3A_74] : memref<10000x128xf32, #tpu.memory_space<vmem_shared>> -> memref<16x128xf32, #tpu.memory_space<vmem_shared>>
      %dma_wait3A_76 = arith.constant 0 : i32
      %dma_wait3A_77 = tpu.memref_slice %arg6[%add3A_73, %dma_wait3A_76] : memref<10000x128xf32, #tpu.memory_space<vmem_shared>> -> memref<16x128xf32, #tpu.memory_space<vmem_shared>>
      tpu.wait_dma2 semaphore(%arg13 : memref<!tpu.dma_semaphore, #tpu.memory_space<semaphore_mem>>) src(%arg12 : memref<16x128xf32, #tpu.memory_space<vmem>>) dst(%dma_wait3A_77 : memref<16x128xf32, #tpu.memory_space<vmem_shared>>)
    }
    %scan3A_20 = arith.constant 39 : i32
    %eq3A_21 = arith.constant 15 : i32
    %eq3A_22 = arith.cmpi eq, %arg1, %eq3A_21 : i32
    %convert_element_type3A_23 = arith.extui %eq3A_22 : i1 to i32
    %cond3A_24 = arith.constant 0 : i32
    %cond3A_25 = arith.cmpi ne, %convert_element_type3A_23, %cond3A_24 : i32
    scf.if %cond3A_25 {
      %dma_wait3A_68 = arith.constant 0 : i32
      %dma_wait3A_69 = arith.constant 0 : i32
      %dma_wait3A_70 = tpu.memref_slice %arg12[%dma_wait3A_68, %dma_wait3A_69] : memref<16x128xf32, #tpu.memory_space<vmem>> -> memref<16x128xf32, #tpu.memory_space<vmem>>
      %dma_wait3A_71 = arith.constant 9984 : i32
      %dma_wait3A_72 = arith.constant 0 : i32
      %dma_wait3A_73 = tpu.memref_slice %arg6[%dma_wait3A_71, %dma_wait3A_72] : memref<10000x128xf32, #tpu.memory_space<vmem_shared>> -> memref<16x128xf32, #tpu.memory_space<vmem_shared>>
      %dma_wait3A_74 = arith.constant 9984 : i32
      %dma_wait3A_75 = arith.constant 0 : i32
      %dma_wait3A_76 = tpu.memref_slice %arg6[%dma_wait3A_74, %dma_wait3A_75] : memref<10000x128xf32, #tpu.memory_space<vmem_shared>> -> memref<16x128xf32, #tpu.memory_space<vmem_shared>>
      %dma_wait3A_77 = arith.constant 0 : i32
      %dma_wait3A_78 = arith.constant 0 : i32
      %dma_wait3A_79 = tpu.memref_slice %arg12[%dma_wait3A_77, %dma_wait3A_78] : memref<16x128xf32, #tpu.memory_space<vmem>> -> memref<16x128xf32, #tpu.memory_space<vmem>>
      tpu.wait_dma2 semaphore(%arg13 : memref<!tpu.dma_semaphore, #tpu.memory_space<semaphore_mem>>) src(%dma_wait3A_79 : memref<16x128xf32, #tpu.memory_space<vmem>>) dst(%dma_wait3A_76 : memref<16x128xf32, #tpu.memory_space<vmem_shared>>)
    } else {
    }
    %mul3A_26 = arith.constant 10000 : i32
    %mul3A_27 = arith.muli %add3A, %mul3A_26 : i32
    %run_scoped3A = arith.constant 1 : i32
    "tpu.region"() ({
      %run_scoped3A_68 = tpu.sem_alloc : memref<!tpu.dma_semaphore, #tpu.memory_space<semaphore_mem>>
      %dma_start3A_69 = arith.constant 0 : i32
      %dma_start3A_70 = arith.constant 0 : i32
      %dma_start3A_71 = tpu.memref_slice %arg4[%run_scoped3A, %add3A, %dma_start3A_69, %dma_start3A_70] : memref<2x32x125x80xi32, #tpu.memory_space<hbm>> -> memref<1x1x125x80xi32, #tpu.memory_space<hbm>>
      %dma_start3A_72 = tpu.memref_squeeze %dma_start3A_71 : memref<1x1x125x80xi32, #tpu.memory_space<hbm>> -> memref<125x80xi32, #tpu.memory_space<hbm>>
      %dma_start3A_73 = arith.constant 0 : i32
      %dma_start3A_74 = arith.constant 0 : i32
      %dma_start3A_75 = tpu.memref_slice %arg4[%run_scoped3A, %add3A, %dma_start3A_73, %dma_start3A_74] : memref<2x32x125x80xi32, #tpu.memory_space<hbm>> -> memref<1x1x125x80xi32, #tpu.memory_space<hbm>>
      %dma_start3A_76 = tpu.memref_squeeze %dma_start3A_75 : memref<1x1x125x80xi32, #tpu.memory_space<hbm>> -> memref<125x80xi32, #tpu.memory_space<hbm>>
      tpu.enqueue_dma source(%dma_start3A_76 : memref<125x80xi32, #tpu.memory_space<hbm>>) target(%arg9 : memref<125x80xi32, #tpu.memory_space<vmem>>) target_semaphore(%run_scoped3A_68 : memref<!tpu.dma_semaphore, #tpu.memory_space<semaphore_mem>>)
      %dma_wait3A_77 = arith.constant 0 : i32
      %dma_wait3A_78 = arith.constant 0 : i32
      %dma_wait3A_79 = tpu.memref_slice %arg4[%run_scoped3A, %add3A, %dma_wait3A_77, %dma_wait3A_78] : memref<2x32x125x80xi32, #tpu.memory_space<hbm>> -> memref<1x1x125x80xi32, #tpu.memory_space<hbm>>
      %dma_wait3A_80 = tpu.memref_squeeze %dma_wait3A_79 : memref<1x1x125x80xi32, #tpu.memory_space<hbm>> -> memref<125x80xi32, #tpu.memory_space<hbm>>
      %dma_wait3A_81 = arith.constant 0 : i32
      %dma_wait3A_82 = arith.constant 0 : i32
      %dma_wait3A_83 = tpu.memref_slice %arg4[%run_scoped3A, %add3A, %dma_wait3A_81, %dma_wait3A_82] : memref<2x32x125x80xi32, #tpu.memory_space<hbm>> -> memref<1x1x125x80xi32, #tpu.memory_space<hbm>>
      %dma_wait3A_84 = tpu.memref_squeeze %dma_wait3A_83 : memref<1x1x125x80xi32, #tpu.memory_space<hbm>> -> memref<125x80xi32, #tpu.memory_space<hbm>>
      tpu.wait_dma2 semaphore(%run_scoped3A_68 : memref<!tpu.dma_semaphore, #tpu.memory_space<semaphore_mem>>) src(%dma_wait3A_84 : memref<125x80xi32, #tpu.memory_space<hbm>>) dst(%arg9 : memref<125x80xi32, #tpu.memory_space<vmem>>)
      tpu.yield
    }) : () -> ()
    %barrier3A = arith.constant 0 : index
    tpu.barrier barrier_id(%barrier3A)
    %add3A_28 = arith.constant 0 : i32
    %add3A_29 = arith.addi %mul3A_27, %add3A_28 : i32
    %dma_start3A = tpu.memref_slice %arg3[%add3A_29] : memref<640000xi32, #tpu.memory_space<hbm>> -> memref<80xi32, #tpu.memory_space<hbm>>
    %dma_start3A_30 = tpu.memref_slice %arg3[%add3A_29] : memref<640000xi32, #tpu.memory_space<hbm>> -> memref<80xi32, #tpu.memory_space<hbm>>
    tpu.enqueue_dma source(%dma_start3A_30 : memref<80xi32, #tpu.memory_space<hbm>>) target(%arg7 : memref<80xi32, #tpu.memory_space<vmem>>) target_semaphore(%arg14 : memref<!tpu.dma_semaphore, #tpu.memory_space<semaphore_mem>>)
    %add3A_31 = arith.constant 0 : i32
    %add3A_32 = arith.addi %mul3A_27, %add3A_31 : i32
    %dma_wait3A = tpu.memref_slice %arg3[%add3A_32] : memref<640000xi32, #tpu.memory_space<hbm>> -> memref<80xi32, #tpu.memory_space<hbm>>
    %dma_wait3A_33 = tpu.memref_slice %arg3[%add3A_32] : memref<640000xi32, #tpu.memory_space<hbm>> -> memref<80xi32, #tpu.memory_space<hbm>>
    tpu.wait_dma2 semaphore(%arg14 : memref<!tpu.dma_semaphore, #tpu.memory_space<semaphore_mem>>) src(%dma_wait3A_33 : memref<80xi32, #tpu.memory_space<hbm>>) dst(%arg7 : memref<80xi32, #tpu.memory_space<vmem>>)
    %dma_start3A_34 = arith.constant 0 : i32
    %dma_start3A_35 = arith.constant 0 : i32
    %dma_start3A_36 = tpu.memref_slice %arg2[%dma_start3A_34, %dma_start3A_35] : memref<10000x128xf32, #tpu.memory_space<hbm>> -> memref<10000x128xf32, #tpu.memory_space<hbm>>
    tpu.enqueue_indirect_dma source(%dma_start3A_36 : memref<10000x128xf32, #tpu.memory_space<hbm>>) target(%arg10 : memref<80x128xf32, #tpu.memory_space<vmem>>) offsets(%arg7 : memref<80xi32, #tpu.memory_space<vmem>>) semaphore(%arg16 : memref<!tpu.dma_semaphore, #tpu.memory_space<semaphore_mem>>)
    %add3A_37 = arith.constant 80 : i32
    %add3A_38 = arith.addi %mul3A_27, %add3A_37 : i32
    %dma_start3A_39 = tpu.memref_slice %arg3[%add3A_38] : memref<640000xi32, #tpu.memory_space<hbm>> -> memref<80xi32, #tpu.memory_space<hbm>>
    %dma_start3A_40 = tpu.memref_slice %arg3[%add3A_38] : memref<640000xi32, #tpu.memory_space<hbm>> -> memref<80xi32, #tpu.memory_space<hbm>>
    tpu.enqueue_dma source(%dma_start3A_40 : memref<80xi32, #tpu.memory_space<hbm>>) target(%arg8 : memref<80xi32, #tpu.memory_space<vmem>>) target_semaphore(%arg15 : memref<!tpu.dma_semaphore, #tpu.memory_space<semaphore_mem>>)
    %scan3A_41 = arith.constant 0 : i32
    %scan3A_42 = arith.constant 0 : i32
    %scan3A_43 = arith.constant 62 : i32
    %scan3A_44 = arith.addi %scan3A_42, %scan3A_43 : i32
    %scan3A_45 = arith.constant 1 : i32
    scf.for %scan3A_68 = %scan3A_42 to %scan3A_44 step %scan3A_45  : i32 {
      %mul3A_69 = arith.constant 2 : i32
      %mul3A_70 = arith.muli %scan3A_68, %mul3A_69 : i32
      %gt3A = arith.constant 0 : i32
      %gt3A_71 = arith.cmpi sgt, %mul3A_70, %gt3A : i32
      %convert_element_type3A_72 = arith.extui %gt3A_71 : i1 to i32
      %cond3A_73 = arith.constant 0 : i32
      %cond3A_74 = arith.cmpi ne, %convert_element_type3A_72, %cond3A_73 : i32
      scf.if %cond3A_74 {
        %sub3A = arith.constant 1 : i32
        %sub3A_135 = arith.subi %mul3A_70, %sub3A : i32
        %dma_wait3A_136 = arith.constant 0 : i32
        %dma_wait3A_137 = tpu.memref_slice %arg9[%sub3A_135, %dma_wait3A_136] : memref<125x80xi32, #tpu.memory_space<vmem>> -> memref<1x80xi32, #tpu.memory_space<vmem>>
        %dma_wait3A_138 = tpu.memref_squeeze %dma_wait3A_137 : memref<1x80xi32, #tpu.memory_space<vmem>> -> memref<80xi32, #tpu.memory_space<vmem>>
        %dma_wait3A_139 = arith.constant 0 : i32
        %dma_wait3A_140 = arith.constant 0 : i32
        %dma_wait3A_141 = tpu.memref_slice %arg6[%dma_wait3A_139, %dma_wait3A_140] : memref<10000x128xf32, #tpu.memory_space<vmem_shared>> -> memref<10000x128xf32, #tpu.memory_space<vmem_shared>>
        tpu.wait_indirect_dma semaphore(%arg19 : memref<!tpu.dma_semaphore, #tpu.memory_space<semaphore_mem>>) src(%arg11 : memref<80x128xf32, #tpu.memory_space<vmem>>) dst(%dma_wait3A_141 : memref<10000x128xf32, #tpu.memory_space<vmem_shared>>)
      } else {
      }
      %add3A_75 = arith.constant 1 : i32
      %add3A_76 = arith.addi %mul3A_70, %add3A_75 : i32
      %mul3A_77 = arith.constant 80 : i32
      %mul3A_78 = arith.muli %add3A_76, %mul3A_77 : i32
      %add3A_79 = arith.addi %mul3A_27, %mul3A_78 : i32
      %dma_wait3A_80 = tpu.memref_slice %arg3[%add3A_79] : memref<640000xi32, #tpu.memory_space<hbm>> -> memref<80xi32, #tpu.memory_space<hbm>>
      %dma_wait3A_81 = tpu.memref_slice %arg3[%add3A_79] : memref<640000xi32, #tpu.memory_space<hbm>> -> memref<80xi32, #tpu.memory_space<hbm>>
      tpu.wait_dma2 semaphore(%arg15 : memref<!tpu.dma_semaphore, #tpu.memory_space<semaphore_mem>>) src(%dma_wait3A_81 : memref<80xi32, #tpu.memory_space<hbm>>) dst(%arg8 : memref<80xi32, #tpu.memory_space<vmem>>)
      %add3A_82 = arith.constant 1 : i32
      %add3A_83 = arith.addi %mul3A_70, %add3A_82 : i32
      %dma_start3A_84 = arith.constant 0 : i32
      %dma_start3A_85 = arith.constant 0 : i32
      %dma_start3A_86 = tpu.memref_slice %arg2[%dma_start3A_84, %dma_start3A_85] : memref<10000x128xf32, #tpu.memory_space<hbm>> -> memref<10000x128xf32, #tpu.memory_space<hbm>>
      tpu.enqueue_indirect_dma source(%dma_start3A_86 : memref<10000x128xf32, #tpu.memory_space<hbm>>) target(%arg11 : memref<80x128xf32, #tpu.memory_space<vmem>>) offsets(%arg8 : memref<80xi32, #tpu.memory_space<vmem>>) semaphore(%arg17 : memref<!tpu.dma_semaphore, #tpu.memory_space<semaphore_mem>>)
      %dma_wait3A_87 = arith.constant 0 : i32
      %dma_wait3A_88 = arith.constant 0 : i32
      %dma_wait3A_89 = tpu.memref_slice %arg2[%dma_wait3A_87, %dma_wait3A_88] : memref<10000x128xf32, #tpu.memory_space<hbm>> -> memref<10000x128xf32, #tpu.memory_space<hbm>>
      tpu.wait_indirect_dma semaphore(%arg16 : memref<!tpu.dma_semaphore, #tpu.memory_space<semaphore_mem>>) src(%dma_wait3A_89 : memref<10000x128xf32, #tpu.memory_space<hbm>>) dst(%arg10 : memref<80x128xf32, #tpu.memory_space<vmem>>)
      %add3A_90 = arith.constant 2 : i32
      %add3A_91 = arith.addi %mul3A_70, %add3A_90 : i32
      %lt3A = arith.constant 125 : i32
      %lt3A_92 = arith.cmpi slt, %add3A_91, %lt3A : i32
      %convert_element_type3A_93 = arith.extui %lt3A_92 : i1 to i32
      %cond3A_94 = arith.constant 0 : i32
      %cond3A_95 = arith.cmpi ne, %convert_element_type3A_93, %cond3A_94 : i32
      scf.if %cond3A_95 {
        %add3A_135 = arith.constant 2 : i32
        %add3A_136 = arith.addi %mul3A_70, %add3A_135 : i32
        %mul3A_137 = arith.constant 80 : i32
        %mul3A_138 = arith.muli %add3A_136, %mul3A_137 : i32
        %add3A_139 = arith.addi %mul3A_27, %mul3A_138 : i32
        %dma_start3A_140 = tpu.memref_slice %arg3[%add3A_139] : memref<640000xi32, #tpu.memory_space<hbm>> -> memref<80xi32, #tpu.memory_space<hbm>>
        %dma_start3A_141 = tpu.memref_slice %arg3[%add3A_139] : memref<640000xi32, #tpu.memory_space<hbm>> -> memref<80xi32, #tpu.memory_space<hbm>>
        tpu.enqueue_dma source(%dma_start3A_141 : memref<80xi32, #tpu.memory_space<hbm>>) target(%arg7 : memref<80xi32, #tpu.memory_space<vmem>>) target_semaphore(%arg14 : memref<!tpu.dma_semaphore, #tpu.memory_space<semaphore_mem>>)
      } else {
      }
      %dma_start3A_96 = arith.constant 0 : i32
      %dma_start3A_97 = tpu.memref_slice %arg9[%mul3A_70, %dma_start3A_96] : memref<125x80xi32, #tpu.memory_space<vmem>> -> memref<1x80xi32, #tpu.memory_space<vmem>>
      %dma_start3A_98 = tpu.memref_squeeze %dma_start3A_97 : memref<1x80xi32, #tpu.memory_space<vmem>> -> memref<80xi32, #tpu.memory_space<vmem>>
      %dma_start3A_99 = arith.constant 0 : i32
      %dma_start3A_100 = arith.constant 0 : i32
      %dma_start3A_101 = tpu.memref_slice %arg6[%dma_start3A_99, %dma_start3A_100] : memref<10000x128xf32, #tpu.memory_space<vmem_shared>> -> memref<10000x128xf32, #tpu.memory_space<vmem_shared>>
      tpu.enqueue_indirect_dma source(%arg10 : memref<80x128xf32, #tpu.memory_space<vmem>>) target(%dma_start3A_101 : memref<10000x128xf32, #tpu.memory_space<vmem_shared>>) offsets(%dma_start3A_98 : memref<80xi32, #tpu.memory_space<vmem>>) semaphore(%arg18 : memref<!tpu.dma_semaphore, #tpu.memory_space<semaphore_mem>>) {add = true}
      %dma_wait3A_102 = arith.constant 0 : i32
      %dma_wait3A_103 = tpu.memref_slice %arg9[%mul3A_70, %dma_wait3A_102] : memref<125x80xi32, #tpu.memory_space<vmem>> -> memref<1x80xi32, #tpu.memory_space<vmem>>
      %dma_wait3A_104 = tpu.memref_squeeze %dma_wait3A_103 : memref<1x80xi32, #tpu.memory_space<vmem>> -> memref<80xi32, #tpu.memory_space<vmem>>
      %dma_wait3A_105 = arith.constant 0 : i32
      %dma_wait3A_106 = arith.constant 0 : i32
      %dma_wait3A_107 = tpu.memref_slice %arg6[%dma_wait3A_105, %dma_wait3A_106] : memref<10000x128xf32, #tpu.memory_space<vmem_shared>> -> memref<10000x128xf32, #tpu.memory_space<vmem_shared>>
      tpu.wait_indirect_dma semaphore(%arg18 : memref<!tpu.dma_semaphore, #tpu.memory_space<semaphore_mem>>) src(%arg10 : memref<80x128xf32, #tpu.memory_space<vmem>>) dst(%dma_wait3A_107 : memref<10000x128xf32, #tpu.memory_space<vmem_shared>>)
      %add3A_108 = arith.constant 2 : i32
      %add3A_109 = arith.addi %mul3A_70, %add3A_108 : i32
      %lt3A_110 = arith.constant 125 : i32
      %lt3A_111 = arith.cmpi slt, %add3A_109, %lt3A_110 : i32
      %convert_element_type3A_112 = arith.extui %lt3A_111 : i1 to i32
      %cond3A_113 = arith.constant 0 : i32
      %cond3A_114 = arith.cmpi ne, %convert_element_type3A_112, %cond3A_113 : i32
      scf.if %cond3A_114 {
        %add3A_135 = arith.constant 2 : i32
        %add3A_136 = arith.addi %mul3A_70, %add3A_135 : i32
        %mul3A_137 = arith.constant 80 : i32
        %mul3A_138 = arith.muli %add3A_136, %mul3A_137 : i32
        %add3A_139 = arith.addi %mul3A_27, %mul3A_138 : i32
        %dma_wait3A_140 = tpu.memref_slice %arg3[%add3A_139] : memref<640000xi32, #tpu.memory_space<hbm>> -> memref<80xi32, #tpu.memory_space<hbm>>
        %dma_wait3A_141 = tpu.memref_slice %arg3[%add3A_139] : memref<640000xi32, #tpu.memory_space<hbm>> -> memref<80xi32, #tpu.memory_space<hbm>>
        tpu.wait_dma2 semaphore(%arg14 : memref<!tpu.dma_semaphore, #tpu.memory_space<semaphore_mem>>) src(%dma_wait3A_141 : memref<80xi32, #tpu.memory_space<hbm>>) dst(%arg7 : memref<80xi32, #tpu.memory_space<vmem>>)
        %add3A_142 = arith.constant 2 : i32
        %add3A_143 = arith.addi %mul3A_70, %add3A_142 : i32
        %dma_start3A_144 = arith.constant 0 : i32
        %dma_start3A_145 = arith.constant 0 : i32
        %dma_start3A_146 = tpu.memref_slice %arg2[%dma_start3A_144, %dma_start3A_145] : memref<10000x128xf32, #tpu.memory_space<hbm>> -> memref<10000x128xf32, #tpu.memory_space<hbm>>
        tpu.enqueue_indirect_dma source(%dma_start3A_146 : memref<10000x128xf32, #tpu.memory_space<hbm>>) target(%arg10 : memref<80x128xf32, #tpu.memory_space<vmem>>) offsets(%arg7 : memref<80xi32, #tpu.memory_space<vmem>>) semaphore(%arg16 : memref<!tpu.dma_semaphore, #tpu.memory_space<semaphore_mem>>)
      } else {
      }
      %add3A_115 = arith.constant 1 : i32
      %add3A_116 = arith.addi %mul3A_70, %add3A_115 : i32
      %dma_wait3A_117 = arith.constant 0 : i32
      %dma_wait3A_118 = arith.constant 0 : i32
      %dma_wait3A_119 = tpu.memref_slice %arg2[%dma_wait3A_117, %dma_wait3A_118] : memref<10000x128xf32, #tpu.memory_space<hbm>> -> memref<10000x128xf32, #tpu.memory_space<hbm>>
      tpu.wait_indirect_dma semaphore(%arg17 : memref<!tpu.dma_semaphore, #tpu.memory_space<semaphore_mem>>) src(%dma_wait3A_119 : memref<10000x128xf32, #tpu.memory_space<hbm>>) dst(%arg11 : memref<80x128xf32, #tpu.memory_space<vmem>>)
      %add3A_120 = arith.constant 3 : i32
      %add3A_121 = arith.addi %mul3A_70, %add3A_120 : i32
      %lt3A_122 = arith.constant 125 : i32
      %lt3A_123 = arith.cmpi slt, %add3A_121, %lt3A_122 : i32
      %convert_element_type3A_124 = arith.extui %lt3A_123 : i1 to i32
      %cond3A_125 = arith.constant 0 : i32
      %cond3A_126 = arith.cmpi ne, %convert_element_type3A_124, %cond3A_125 : i32
      scf.if %cond3A_126 {
        %add3A_135 = arith.constant 3 : i32
        %add3A_136 = arith.addi %mul3A_70, %add3A_135 : i32
        %mul3A_137 = arith.constant 80 : i32
        %mul3A_138 = arith.muli %add3A_136, %mul3A_137 : i32
        %add3A_139 = arith.addi %mul3A_27, %mul3A_138 : i32
        %dma_start3A_140 = tpu.memref_slice %arg3[%add3A_139] : memref<640000xi32, #tpu.memory_space<hbm>> -> memref<80xi32, #tpu.memory_space<hbm>>
        %dma_start3A_141 = tpu.memref_slice %arg3[%add3A_139] : memref<640000xi32, #tpu.memory_space<hbm>> -> memref<80xi32, #tpu.memory_space<hbm>>
        tpu.enqueue_dma source(%dma_start3A_141 : memref<80xi32, #tpu.memory_space<hbm>>) target(%arg8 : memref<80xi32, #tpu.memory_space<vmem>>) target_semaphore(%arg15 : memref<!tpu.dma_semaphore, #tpu.memory_space<semaphore_mem>>)
      } else {
      }
      %add3A_127 = arith.constant 1 : i32
      %add3A_128 = arith.addi %mul3A_70, %add3A_127 : i32
      %dma_start3A_129 = arith.constant 0 : i32
      %dma_start3A_130 = tpu.memref_slice %arg9[%add3A_128, %dma_start3A_129] : memref<125x80xi32, #tpu.memory_space<vmem>> -> memref<1x80xi32, #tpu.memory_space<vmem>>
      %dma_start3A_131 = tpu.memref_squeeze %dma_start3A_130 : memref<1x80xi32, #tpu.memory_space<vmem>> -> memref<80xi32, #tpu.memory_space<vmem>>
      %dma_start3A_132 = arith.constant 0 : i32
      %dma_start3A_133 = arith.constant 0 : i32
      %dma_start3A_134 = tpu.memref_slice %arg6[%dma_start3A_132, %dma_start3A_133] : memref<10000x128xf32, #tpu.memory_space<vmem_shared>> -> memref<10000x128xf32, #tpu.memory_space<vmem_shared>>
      tpu.enqueue_indirect_dma source(%arg11 : memref<80x128xf32, #tpu.memory_space<vmem>>) target(%dma_start3A_134 : memref<10000x128xf32, #tpu.memory_space<vmem_shared>>) offsets(%dma_start3A_131 : memref<80xi32, #tpu.memory_space<vmem>>) semaphore(%arg19 : memref<!tpu.dma_semaphore, #tpu.memory_space<semaphore_mem>>) {add = true}
    }
    %scan3A_46 = arith.constant 62 : i32
    %dma_wait3A_47 = arith.constant 123 : i32
    %dma_wait3A_48 = arith.constant 0 : i32
    %dma_wait3A_49 = tpu.memref_slice %arg9[%dma_wait3A_47, %dma_wait3A_48] : memref<125x80xi32, #tpu.memory_space<vmem>> -> memref<1x80xi32, #tpu.memory_space<vmem>>
    %dma_wait3A_50 = tpu.memref_squeeze %dma_wait3A_49 : memref<1x80xi32, #tpu.memory_space<vmem>> -> memref<80xi32, #tpu.memory_space<vmem>>
    %dma_wait3A_51 = arith.constant 0 : i32
    %dma_wait3A_52 = arith.constant 0 : i32
    %dma_wait3A_53 = tpu.memref_slice %arg6[%dma_wait3A_51, %dma_wait3A_52] : memref<10000x128xf32, #tpu.memory_space<vmem_shared>> -> memref<10000x128xf32, #tpu.memory_space<vmem_shared>>
    tpu.wait_indirect_dma semaphore(%arg19 : memref<!tpu.dma_semaphore, #tpu.memory_space<semaphore_mem>>) src(%arg11 : memref<80x128xf32, #tpu.memory_space<vmem>>) dst(%dma_wait3A_53 : memref<10000x128xf32, #tpu.memory_space<vmem_shared>>)
    %dma_wait3A_54 = arith.constant 0 : i32
    %dma_wait3A_55 = arith.constant 0 : i32
    %dma_wait3A_56 = tpu.memref_slice %arg2[%dma_wait3A_54, %dma_wait3A_55] : memref<10000x128xf32, #tpu.memory_space<hbm>> -> memref<10000x128xf32, #tpu.memory_space<hbm>>
    tpu.wait_indirect_dma semaphore(%arg16 : memref<!tpu.dma_semaphore, #tpu.memory_space<semaphore_mem>>) src(%dma_wait3A_56 : memref<10000x128xf32, #tpu.memory_space<hbm>>) dst(%arg10 : memref<80x128xf32, #tpu.memory_space<vmem>>)
    %run_scoped3A_57 = arith.constant 124 : i32
    "tpu.region"() ({
      %run_scoped3A_68 = tpu.sem_alloc : memref<!tpu.dma_semaphore, #tpu.memory_space<semaphore_mem>>
      %dma_start3A_69 = arith.constant 0 : i32
      %dma_start3A_70 = tpu.memref_slice %arg9[%run_scoped3A_57, %dma_start3A_69] : memref<125x80xi32, #tpu.memory_space<vmem>> -> memref<1x80xi32, #tpu.memory_space<vmem>>
      %dma_start3A_71 = tpu.memref_squeeze %dma_start3A_70 : memref<1x80xi32, #tpu.memory_space<vmem>> -> memref<80xi32, #tpu.memory_space<vmem>>
      %dma_start3A_72 = arith.constant 0 : i32
      %dma_start3A_73 = arith.constant 0 : i32
      %dma_start3A_74 = tpu.memref_slice %arg6[%dma_start3A_72, %dma_start3A_73] : memref<10000x128xf32, #tpu.memory_space<vmem_shared>> -> memref<10000x128xf32, #tpu.memory_space<vmem_shared>>
      tpu.enqueue_indirect_dma source(%arg10 : memref<80x128xf32, #tpu.memory_space<vmem>>) target(%dma_start3A_74 : memref<10000x128xf32, #tpu.memory_space<vmem_shared>>) offsets(%dma_start3A_71 : memref<80xi32, #tpu.memory_space<vmem>>) semaphore(%run_scoped3A_68 : memref<!tpu.dma_semaphore, #tpu.memory_space<semaphore_mem>>) {add = true}
      %dma_wait3A_75 = arith.constant 0 : i32
      %dma_wait3A_76 = tpu.memref_slice %arg9[%run_scoped3A_57, %dma_wait3A_75] : memref<125x80xi32, #tpu.memory_space<vmem>> -> memref<1x80xi32, #tpu.memory_space<vmem>>
      %dma_wait3A_77 = tpu.memref_squeeze %dma_wait3A_76 : memref<1x80xi32, #tpu.memory_space<vmem>> -> memref<80xi32, #tpu.memory_space<vmem>>
      %dma_wait3A_78 = arith.constant 0 : i32
      %dma_wait3A_79 = arith.constant 0 : i32
      %dma_wait3A_80 = tpu.memref_slice %arg6[%dma_wait3A_78, %dma_wait3A_79] : memref<10000x128xf32, #tpu.memory_space<vmem_shared>> -> memref<10000x128xf32, #tpu.memory_space<vmem_shared>>
      tpu.wait_indirect_dma semaphore(%run_scoped3A_68 : memref<!tpu.dma_semaphore, #tpu.memory_space<semaphore_mem>>) src(%arg10 : memref<80x128xf32, #tpu.memory_space<vmem>>) dst(%dma_wait3A_80 : memref<10000x128xf32, #tpu.memory_space<vmem_shared>>)
      tpu.yield
    }) : () -> ()
    %barrier3A_58 = arith.constant 0 : index
    tpu.barrier barrier_id(%barrier3A_58)
    %mul3A_59 = arith.constant 624 : i32
    %mul3A_60 = arith.muli %arg1, %mul3A_59 : i32
    %mul3A_61 = arith.constant 624 : i32
    %mul3A_62 = arith.muli %arg1, %mul3A_61 : i32
    "tpu.region"() ({
      %run_scoped3A_68 = tpu.sem_alloc : memref<!tpu.dma_semaphore, #tpu.memory_space<semaphore_mem>>
      %dma_start3A_69 = arith.constant 0 : i32
      %dma_start3A_70 = tpu.memref_slice %arg5[%arg0, %mul3A_62, %dma_start3A_69] : memref<2x10000x128xf32, #tpu.memory_space<hbm>> -> memref<1x624x128xf32, #tpu.memory_space<hbm>>
      %dma_start3A_71 = tpu.memref_squeeze %dma_start3A_70 : memref<1x624x128xf32, #tpu.memory_space<hbm>> -> memref<624x128xf32, #tpu.memory_space<hbm>>
      %dma_start3A_72 = arith.constant 0 : i32
      %dma_start3A_73 = tpu.memref_slice %arg6[%mul3A_60, %dma_start3A_72] : memref<10000x128xf32, #tpu.memory_space<vmem_shared>> -> memref<624x128xf32, #tpu.memory_space<vmem_shared>>
      tpu.enqueue_dma source(%dma_start3A_73 : memref<624x128xf32, #tpu.memory_space<vmem_shared>>) target(%dma_start3A_71 : memref<624x128xf32, #tpu.memory_space<hbm>>) target_semaphore(%run_scoped3A_68 : memref<!tpu.dma_semaphore, #tpu.memory_space<semaphore_mem>>)
      %dma_wait3A_74 = arith.constant 0 : i32
      %dma_wait3A_75 = tpu.memref_slice %arg5[%arg0, %mul3A_62, %dma_wait3A_74] : memref<2x10000x128xf32, #tpu.memory_space<hbm>> -> memref<1x624x128xf32, #tpu.memory_space<hbm>>
      %dma_wait3A_76 = tpu.memref_squeeze %dma_wait3A_75 : memref<1x624x128xf32, #tpu.memory_space<hbm>> -> memref<624x128xf32, #tpu.memory_space<hbm>>
      %dma_wait3A_77 = arith.constant 0 : i32
      %dma_wait3A_78 = tpu.memref_slice %arg6[%mul3A_60, %dma_wait3A_77] : memref<10000x128xf32, #tpu.memory_space<vmem_shared>> -> memref<624x128xf32, #tpu.memory_space<vmem_shared>>
      tpu.wait_dma2 semaphore(%run_scoped3A_68 : memref<!tpu.dma_semaphore, #tpu.memory_space<semaphore_mem>>) src(%dma_wait3A_78 : memref<624x128xf32, #tpu.memory_space<vmem_shared>>) dst(%dma_wait3A_76 : memref<624x128xf32, #tpu.memory_space<hbm>>)
      tpu.yield
    }) : () -> ()
    %eq3A_63 = arith.constant 15 : i32
    %eq3A_64 = arith.cmpi eq, %arg1, %eq3A_63 : i32
    %convert_element_type3A_65 = arith.extui %eq3A_64 : i1 to i32
    %cond3A_66 = arith.constant 0 : i32
    %cond3A_67 = arith.cmpi ne, %convert_element_type3A_65, %cond3A_66 : i32
    scf.if %cond3A_67 {
      "tpu.region"() ({
        %run_scoped3A_68 = tpu.sem_alloc : memref<!tpu.dma_semaphore, #tpu.memory_space<semaphore_mem>>
        %dma_start3A_69 = arith.constant 9984 : i32
        %dma_start3A_70 = arith.constant 0 : i32
        %dma_start3A_71 = tpu.memref_slice %arg5[%arg0, %dma_start3A_69, %dma_start3A_70] : memref<2x10000x128xf32, #tpu.memory_space<hbm>> -> memref<1x16x128xf32, #tpu.memory_space<hbm>>
        %dma_start3A_72 = tpu.memref_squeeze %dma_start3A_71 : memref<1x16x128xf32, #tpu.memory_space<hbm>> -> memref<16x128xf32, #tpu.memory_space<hbm>>
        %dma_start3A_73 = arith.constant 9984 : i32
        %dma_start3A_74 = arith.constant 0 : i32
        %dma_start3A_75 = tpu.memref_slice %arg6[%dma_start3A_73, %dma_start3A_74] : memref<10000x128xf32, #tpu.memory_space<vmem_shared>> -> memref<16x128xf32, #tpu.memory_space<vmem_shared>>
        tpu.enqueue_dma source(%dma_start3A_75 : memref<16x128xf32, #tpu.memory_space<vmem_shared>>) target(%dma_start3A_72 : memref<16x128xf32, #tpu.memory_space<hbm>>) target_semaphore(%run_scoped3A_68 : memref<!tpu.dma_semaphore, #tpu.memory_space<semaphore_mem>>)
        %dma_wait3A_76 = arith.constant 9984 : i32
        %dma_wait3A_77 = arith.constant 0 : i32
        %dma_wait3A_78 = tpu.memref_slice %arg5[%arg0, %dma_wait3A_76, %dma_wait3A_77] : memref<2x10000x128xf32, #tpu.memory_space<hbm>> -> memref<1x16x128xf32, #tpu.memory_space<hbm>>
        %dma_wait3A_79 = tpu.memref_squeeze %dma_wait3A_78 : memref<1x16x128xf32, #tpu.memory_space<hbm>> -> memref<16x128xf32, #tpu.memory_space<hbm>>
        %dma_wait3A_80 = arith.constant 9984 : i32
        %dma_wait3A_81 = arith.constant 0 : i32
        %dma_wait3A_82 = tpu.memref_slice %arg6[%dma_wait3A_80, %dma_wait3A_81] : memref<10000x128xf32, #tpu.memory_space<vmem_shared>> -> memref<16x128xf32, #tpu.memory_space<vmem_shared>>
        tpu.wait_dma2 semaphore(%run_scoped3A_68 : memref<!tpu.dma_semaphore, #tpu.memory_space<semaphore_mem>>) src(%dma_wait3A_82 : memref<16x128xf32, #tpu.memory_space<vmem_shared>>) dst(%dma_wait3A_79 : memref<16x128xf32, #tpu.memory_space<hbm>>)
        tpu.yield
      }) : () -> ()
    } else {
    }
    return
  }
}

#map = affine_map<(d0, d1) -> (0, 0)>
#map1 = affine_map<(d0, d1) -> (0)>
#map2 = affine_map<(d0, d1) -> (0, 0, 0, 0)>
#map3 = affine_map<(d0, d1) -> (0, 0, 0)>
module attributes {stable_mosaic.version = 14 : i64} {
  func.func @_sc_agg_body(%arg0: i32, %arg1: i32, %arg2: memref<10000x128xf32, #tpu.memory_space<hbm>>, %arg3: memref<640000xi32, #tpu.memory_space<hbm>>, %arg4: memref<2x32x125x80xi32, #tpu.memory_space<hbm>>, %arg5: memref<2x10000x128xf32, #tpu.memory_space<hbm>>, %arg6: memref<2x10000x128xf32, #tpu.memory_space<hbm>>, %arg7: memref<10000x128xf32, #tpu.memory_space<vmem_shared>>, %arg8: memref<80xi32, #tpu.memory_space<vmem>>, %arg9: memref<80xi32, #tpu.memory_space<vmem>>, %arg10: memref<125x80xi32, #tpu.memory_space<vmem>>, %arg11: memref<80x128xf32, #tpu.memory_space<vmem>>, %arg12: memref<80x128xf32, #tpu.memory_space<vmem>>, %arg13: memref<16x128xf32, #tpu.memory_space<vmem>>, %arg14: memref<!tpu.dma_semaphore, #tpu.memory_space<semaphore_mem>>, %arg15: memref<!tpu.dma_semaphore, #tpu.memory_space<semaphore_mem>>, %arg16: memref<!tpu.dma_semaphore, #tpu.memory_space<semaphore_mem>>, %arg17: memref<!tpu.dma_semaphore, #tpu.memory_space<semaphore_mem>>, %arg18: memref<!tpu.dma_semaphore, #tpu.memory_space<semaphore_mem>>, %arg19: memref<!tpu.dma_semaphore, #tpu.memory_space<semaphore_mem>>, %arg20: memref<!tpu.dma_semaphore, #tpu.memory_space<semaphore_mem>>) attributes {dimension_semantics = [#tpu.dimension_semantics<core_parallel>, #tpu.dimension_semantics<subcore_parallel>], iteration_bounds = array<i64: 2, 16>, scalar_prefetch = 0 : i64, scratch_operands = 14 : i64, tpu.core_type = #tpu.core_type<sc_vector_subcore>, window_params = [{transform_indices = #map}, {transform_indices = #map1}, {transform_indices = #map2}, {transform_indices = #map3}, {transform_indices = #map3}]} {
    %mul3A = arith.constant 2 : i32
    %mul3A_0 = arith.muli %arg1, %mul3A : i32
    %add3A = arith.addi %mul3A_0, %arg0 : i32
    %broadcast_in_dim3A = arith.constant 0.000000e+00 : f32
    %broadcast_in_dim3A_1 = vector.broadcast %broadcast_in_dim3A : f32 to vector<16xf32>
    %scan3A = arith.constant 0 : i32
    %scan3A_2 = arith.constant 0 : i32
    %scan3A_3 = arith.constant 128 : i32
    %scan3A_4 = arith.addi %scan3A_2, %scan3A_3 : i32
    %scan3A_5 = arith.constant 1 : i32
    scf.for %scan3A_115 = %scan3A_2 to %scan3A_4 step %scan3A_5  : i32 {
      %jit3A = arith.constant 8 : i32
      %div3A = arith.divsi %scan3A_115, %jit3A : i32
      %sign3A = arith.constant 0 : i32
      %sign3A_116 = arith.cmpi sgt, %scan3A_115, %sign3A : i32
      %sign3A_117 = arith.extui %sign3A_116 : i1 to i32
      %sign3A_118 = arith.constant 0 : i32
      %sign3A_119 = arith.cmpi slt, %scan3A_115, %sign3A_118 : i32
      %sign3A_120 = arith.extui %sign3A_119 : i1 to i32
      %sign3A_121 = arith.subi %sign3A_117, %sign3A_120 : i32
      %sign3A_122 = arith.constant 0 : i32
      %sign3A_123 = arith.cmpi sgt, %jit3A, %sign3A_122 : i32
      %sign3A_124 = arith.extui %sign3A_123 : i1 to i32
      %sign3A_125 = arith.constant 0 : i32
      %sign3A_126 = arith.cmpi slt, %jit3A, %sign3A_125 : i32
      %sign3A_127 = arith.extui %sign3A_126 : i1 to i32
      %sign3A_128 = arith.subi %sign3A_124, %sign3A_127 : i32
      %ne3A = arith.cmpi ne, %sign3A_121, %sign3A_128 : i32
      %rem3A = arith.remsi %scan3A_115, %jit3A : i32
      %ne3A_129 = arith.constant 0 : i32
      %ne3A_130 = arith.cmpi ne, %rem3A, %ne3A_129 : i32
      %and3A = arith.andi %ne3A, %ne3A_130 : i1
      %sub3A = arith.constant 1 : i32
      %sub3A_131 = arith.subi %div3A, %sub3A : i32
      %select_n3A = arith.select %and3A, %sub3A_131, %div3A : i32
      %jit3A_132 = arith.constant 8 : i32
      %eq3A_133 = arith.constant 0 : i32
      %eq3A_134 = arith.cmpi eq, %jit3A_132, %eq3A_133 : i32
      %jit3A_135 = arith.constant 1 : i32
      %select_n3A_136 = arith.select %eq3A_134, %jit3A_135, %jit3A_132 : i32
      %rem3A_137 = arith.remsi %scan3A_115, %select_n3A_136 : i32
      %ne3A_138 = arith.constant 0 : i32
      %ne3A_139 = arith.cmpi ne, %rem3A_137, %ne3A_138 : i32
      %lt3A = arith.constant 0 : i32
      %lt3A_140 = arith.cmpi slt, %rem3A_137, %lt3A : i32
      %lt3A_141 = arith.constant 0 : i32
      %lt3A_142 = arith.cmpi slt, %select_n3A_136, %lt3A_141 : i32
      %ne3A_143 = arith.xori %lt3A_140, %lt3A_142 : i1
      %and3A_144 = arith.andi %ne3A_143, %ne3A_139 : i1
      %add3A_145 = arith.addi %rem3A_137, %select_n3A_136 : i32
      %select_n3A_146 = arith.select %and3A_144, %add3A_145, %rem3A_137 : i32
      %mul3A_147 = arith.constant 16 : i32
      %mul3A_148 = arith.muli %select_n3A_146, %mul3A_147 : i32
      %swap3A = arith.index_cast %select_n3A : i32 to index
      %swap3A_149 = arith.index_cast %mul3A_148 : i32 to index
      %swap3A_150 = tpu.vector_load %arg13[%swap3A, %swap3A_149] {strides = array<i32>} : memref<16x128xf32, #tpu.memory_space<vmem>>, vector<1x16xf32>,
      %swap3A_151 = vector.shape_cast %swap3A_150 : vector<1x16xf32> to vector<16xf32>
      %swap3A_152 = vector.shape_cast %broadcast_in_dim3A_1 : vector<16xf32> to vector<1x16xf32>
      tpu.vector_store %arg13[%swap3A, %swap3A_149], %swap3A_152 {strides = array<i32>} : memref<16x128xf32, #tpu.memory_space<vmem>>, vector<1x16xf32>,
    }
    %scan3A_6 = arith.constant 128 : i32
    %scan3A_7 = arith.constant 0 : i32
    %scan3A_8 = arith.constant 0 : i32
    %scan3A_9 = arith.constant 39 : i32
    %scan3A_10 = arith.addi %scan3A_8, %scan3A_9 : i32
    %scan3A_11 = arith.constant 1 : i32
    scf.for %scan3A_115 = %scan3A_8 to %scan3A_10 step %scan3A_11  : i32 {
      %mul3A_116 = arith.constant 624 : i32
      %mul3A_117 = arith.muli %arg1, %mul3A_116 : i32
      %mul3A_118 = arith.constant 16 : i32
      %mul3A_119 = arith.muli %scan3A_115, %mul3A_118 : i32
      %add3A_120 = arith.addi %mul3A_117, %mul3A_119 : i32
      %dma_start3A_121 = arith.constant 0 : i32
      %dma_start3A_122 = tpu.memref_slice %arg7[%add3A_120, %dma_start3A_121] : memref<10000x128xf32, #tpu.memory_space<vmem_shared>> -> memref<16x128xf32, #tpu.memory_space<vmem_shared>>
      %dma_start3A_123 = arith.constant 0 : i32
      %dma_start3A_124 = tpu.memref_slice %arg7[%add3A_120, %dma_start3A_123] : memref<10000x128xf32, #tpu.memory_space<vmem_shared>> -> memref<16x128xf32, #tpu.memory_space<vmem_shared>>
      tpu.enqueue_dma source(%arg13 : memref<16x128xf32, #tpu.memory_space<vmem>>) target(%dma_start3A_124 : memref<16x128xf32, #tpu.memory_space<vmem_shared>>) target_semaphore(%arg14 : memref<!tpu.dma_semaphore, #tpu.memory_space<semaphore_mem>>)
    }
    %scan3A_12 = arith.constant 39 : i32
    %eq3A = arith.constant 15 : i32
    %eq3A_13 = arith.cmpi eq, %arg1, %eq3A : i32
    %convert_element_type3A = arith.extui %eq3A_13 : i1 to i32
    %cond3A = arith.constant 0 : i32
    %cond3A_14 = arith.cmpi ne, %convert_element_type3A, %cond3A : i32
    scf.if %cond3A_14 {
      %dma_start3A_115 = arith.constant 0 : i32
      %dma_start3A_116 = arith.constant 0 : i32
      %dma_start3A_117 = tpu.memref_slice %arg13[%dma_start3A_115, %dma_start3A_116] : memref<16x128xf32, #tpu.memory_space<vmem>> -> memref<16x128xf32, #tpu.memory_space<vmem>>
      %dma_start3A_118 = arith.constant 9984 : i32
      %dma_start3A_119 = arith.constant 0 : i32
      %dma_start3A_120 = tpu.memref_slice %arg7[%dma_start3A_118, %dma_start3A_119] : memref<10000x128xf32, #tpu.memory_space<vmem_shared>> -> memref<16x128xf32, #tpu.memory_space<vmem_shared>>
      %dma_start3A_121 = arith.constant 9984 : i32
      %dma_start3A_122 = arith.constant 0 : i32
      %dma_start3A_123 = tpu.memref_slice %arg7[%dma_start3A_121, %dma_start3A_122] : memref<10000x128xf32, #tpu.memory_space<vmem_shared>> -> memref<16x128xf32, #tpu.memory_space<vmem_shared>>
      %dma_start3A_124 = arith.constant 0 : i32
      %dma_start3A_125 = arith.constant 0 : i32
      %dma_start3A_126 = tpu.memref_slice %arg13[%dma_start3A_124, %dma_start3A_125] : memref<16x128xf32, #tpu.memory_space<vmem>> -> memref<16x128xf32, #tpu.memory_space<vmem>>
      tpu.enqueue_dma source(%dma_start3A_126 : memref<16x128xf32, #tpu.memory_space<vmem>>) target(%dma_start3A_123 : memref<16x128xf32, #tpu.memory_space<vmem_shared>>) target_semaphore(%arg14 : memref<!tpu.dma_semaphore, #tpu.memory_space<semaphore_mem>>)
    } else {
    }
    %scan3A_15 = arith.constant 0 : i32
    %scan3A_16 = arith.constant 0 : i32
    %scan3A_17 = arith.constant 39 : i32
    %scan3A_18 = arith.addi %scan3A_16, %scan3A_17 : i32
    %scan3A_19 = arith.constant 1 : i32
    scf.for %scan3A_115 = %scan3A_16 to %scan3A_18 step %scan3A_19  : i32 {
      %mul3A_116 = arith.constant 624 : i32
      %mul3A_117 = arith.muli %arg1, %mul3A_116 : i32
      %mul3A_118 = arith.constant 16 : i32
      %mul3A_119 = arith.muli %scan3A_115, %mul3A_118 : i32
      %add3A_120 = arith.addi %mul3A_117, %mul3A_119 : i32
      %dma_wait3A_121 = arith.constant 0 : i32
      %dma_wait3A_122 = tpu.memref_slice %arg7[%add3A_120, %dma_wait3A_121] : memref<10000x128xf32, #tpu.memory_space<vmem_shared>> -> memref<16x128xf32, #tpu.memory_space<vmem_shared>>
      %dma_wait3A_123 = arith.constant 0 : i32
      %dma_wait3A_124 = tpu.memref_slice %arg7[%add3A_120, %dma_wait3A_123] : memref<10000x128xf32, #tpu.memory_space<vmem_shared>> -> memref<16x128xf32, #tpu.memory_space<vmem_shared>>
      tpu.wait_dma2 semaphore(%arg14 : memref<!tpu.dma_semaphore, #tpu.memory_space<semaphore_mem>>) src(%arg13 : memref<16x128xf32, #tpu.memory_space<vmem>>) dst(%dma_wait3A_124 : memref<16x128xf32, #tpu.memory_space<vmem_shared>>)
    }
    %scan3A_20 = arith.constant 39 : i32
    %eq3A_21 = arith.constant 15 : i32
    %eq3A_22 = arith.cmpi eq, %arg1, %eq3A_21 : i32
    %convert_element_type3A_23 = arith.extui %eq3A_22 : i1 to i32
    %cond3A_24 = arith.constant 0 : i32
    %cond3A_25 = arith.cmpi ne, %convert_element_type3A_23, %cond3A_24 : i32
    scf.if %cond3A_25 {
      %dma_wait3A_115 = arith.constant 0 : i32
      %dma_wait3A_116 = arith.constant 0 : i32
      %dma_wait3A_117 = tpu.memref_slice %arg13[%dma_wait3A_115, %dma_wait3A_116] : memref<16x128xf32, #tpu.memory_space<vmem>> -> memref<16x128xf32, #tpu.memory_space<vmem>>
      %dma_wait3A_118 = arith.constant 9984 : i32
      %dma_wait3A_119 = arith.constant 0 : i32
      %dma_wait3A_120 = tpu.memref_slice %arg7[%dma_wait3A_118, %dma_wait3A_119] : memref<10000x128xf32, #tpu.memory_space<vmem_shared>> -> memref<16x128xf32, #tpu.memory_space<vmem_shared>>
      %dma_wait3A_121 = arith.constant 9984 : i32
      %dma_wait3A_122 = arith.constant 0 : i32
      %dma_wait3A_123 = tpu.memref_slice %arg7[%dma_wait3A_121, %dma_wait3A_122] : memref<10000x128xf32, #tpu.memory_space<vmem_shared>> -> memref<16x128xf32, #tpu.memory_space<vmem_shared>>
      %dma_wait3A_124 = arith.constant 0 : i32
      %dma_wait3A_125 = arith.constant 0 : i32
      %dma_wait3A_126 = tpu.memref_slice %arg13[%dma_wait3A_124, %dma_wait3A_125] : memref<16x128xf32, #tpu.memory_space<vmem>> -> memref<16x128xf32, #tpu.memory_space<vmem>>
      tpu.wait_dma2 semaphore(%arg14 : memref<!tpu.dma_semaphore, #tpu.memory_space<semaphore_mem>>) src(%dma_wait3A_126 : memref<16x128xf32, #tpu.memory_space<vmem>>) dst(%dma_wait3A_123 : memref<16x128xf32, #tpu.memory_space<vmem_shared>>)
    } else {
    }
    %mul3A_26 = arith.constant 10000 : i32
    %mul3A_27 = arith.muli %add3A, %mul3A_26 : i32
    %run_scoped3A = arith.constant 1 : i32
    "tpu.region"() ({
      %run_scoped3A_115 = tpu.sem_alloc : memref<!tpu.dma_semaphore, #tpu.memory_space<semaphore_mem>>
      %dma_start3A_116 = arith.constant 0 : i32
      %dma_start3A_117 = arith.constant 0 : i32
      %dma_start3A_118 = tpu.memref_slice %arg4[%run_scoped3A, %add3A, %dma_start3A_116, %dma_start3A_117] : memref<2x32x125x80xi32, #tpu.memory_space<hbm>> -> memref<1x1x125x80xi32, #tpu.memory_space<hbm>>
      %dma_start3A_119 = tpu.memref_squeeze %dma_start3A_118 : memref<1x1x125x80xi32, #tpu.memory_space<hbm>> -> memref<125x80xi32, #tpu.memory_space<hbm>>
      %dma_start3A_120 = arith.constant 0 : i32
      %dma_start3A_121 = arith.constant 0 : i32
      %dma_start3A_122 = tpu.memref_slice %arg4[%run_scoped3A, %add3A, %dma_start3A_120, %dma_start3A_121] : memref<2x32x125x80xi32, #tpu.memory_space<hbm>> -> memref<1x1x125x80xi32, #tpu.memory_space<hbm>>
      %dma_start3A_123 = tpu.memref_squeeze %dma_start3A_122 : memref<1x1x125x80xi32, #tpu.memory_space<hbm>> -> memref<125x80xi32, #tpu.memory_space<hbm>>
      tpu.enqueue_dma source(%dma_start3A_123 : memref<125x80xi32, #tpu.memory_space<hbm>>) target(%arg10 : memref<125x80xi32, #tpu.memory_space<vmem>>) target_semaphore(%run_scoped3A_115 : memref<!tpu.dma_semaphore, #tpu.memory_space<semaphore_mem>>)
      %dma_wait3A_124 = arith.constant 0 : i32
      %dma_wait3A_125 = arith.constant 0 : i32
      %dma_wait3A_126 = tpu.memref_slice %arg4[%run_scoped3A, %add3A, %dma_wait3A_124, %dma_wait3A_125] : memref<2x32x125x80xi32, #tpu.memory_space<hbm>> -> memref<1x1x125x80xi32, #tpu.memory_space<hbm>>
      %dma_wait3A_127 = tpu.memref_squeeze %dma_wait3A_126 : memref<1x1x125x80xi32, #tpu.memory_space<hbm>> -> memref<125x80xi32, #tpu.memory_space<hbm>>
      %dma_wait3A_128 = arith.constant 0 : i32
      %dma_wait3A_129 = arith.constant 0 : i32
      %dma_wait3A_130 = tpu.memref_slice %arg4[%run_scoped3A, %add3A, %dma_wait3A_128, %dma_wait3A_129] : memref<2x32x125x80xi32, #tpu.memory_space<hbm>> -> memref<1x1x125x80xi32, #tpu.memory_space<hbm>>
      %dma_wait3A_131 = tpu.memref_squeeze %dma_wait3A_130 : memref<1x1x125x80xi32, #tpu.memory_space<hbm>> -> memref<125x80xi32, #tpu.memory_space<hbm>>
      tpu.wait_dma2 semaphore(%run_scoped3A_115 : memref<!tpu.dma_semaphore, #tpu.memory_space<semaphore_mem>>) src(%dma_wait3A_131 : memref<125x80xi32, #tpu.memory_space<hbm>>) dst(%arg10 : memref<125x80xi32, #tpu.memory_space<vmem>>)
      tpu.yield
    }) : () -> ()
    %broadcast_in_dim3A_28 = arith.constant 1.000000e+00 : f32
    %broadcast_in_dim3A_29 = vector.broadcast %broadcast_in_dim3A_28 : f32 to vector<16xf32>
    %scan3A_30 = arith.constant 0 : i32
    %scan3A_31 = arith.constant 0 : i32
    %scan3A_32 = arith.constant 640 : i32
    %scan3A_33 = arith.addi %scan3A_31, %scan3A_32 : i32
    %scan3A_34 = arith.constant 1 : i32
    scf.for %scan3A_115 = %scan3A_31 to %scan3A_33 step %scan3A_34  : i32 {
      %jit3A = arith.constant 8 : i32
      %div3A = arith.divsi %scan3A_115, %jit3A : i32
      %sign3A = arith.constant 0 : i32
      %sign3A_116 = arith.cmpi sgt, %scan3A_115, %sign3A : i32
      %sign3A_117 = arith.extui %sign3A_116 : i1 to i32
      %sign3A_118 = arith.constant 0 : i32
      %sign3A_119 = arith.cmpi slt, %scan3A_115, %sign3A_118 : i32
      %sign3A_120 = arith.extui %sign3A_119 : i1 to i32
      %sign3A_121 = arith.subi %sign3A_117, %sign3A_120 : i32
      %sign3A_122 = arith.constant 0 : i32
      %sign3A_123 = arith.cmpi sgt, %jit3A, %sign3A_122 : i32
      %sign3A_124 = arith.extui %sign3A_123 : i1 to i32
      %sign3A_125 = arith.constant 0 : i32
      %sign3A_126 = arith.cmpi slt, %jit3A, %sign3A_125 : i32
      %sign3A_127 = arith.extui %sign3A_126 : i1 to i32
      %sign3A_128 = arith.subi %sign3A_124, %sign3A_127 : i32
      %ne3A = arith.cmpi ne, %sign3A_121, %sign3A_128 : i32
      %rem3A = arith.remsi %scan3A_115, %jit3A : i32
      %ne3A_129 = arith.constant 0 : i32
      %ne3A_130 = arith.cmpi ne, %rem3A, %ne3A_129 : i32
      %and3A = arith.andi %ne3A, %ne3A_130 : i1
      %sub3A = arith.constant 1 : i32
      %sub3A_131 = arith.subi %div3A, %sub3A : i32
      %select_n3A = arith.select %and3A, %sub3A_131, %div3A : i32
      %jit3A_132 = arith.constant 8 : i32
      %eq3A_133 = arith.constant 0 : i32
      %eq3A_134 = arith.cmpi eq, %jit3A_132, %eq3A_133 : i32
      %jit3A_135 = arith.constant 1 : i32
      %select_n3A_136 = arith.select %eq3A_134, %jit3A_135, %jit3A_132 : i32
      %rem3A_137 = arith.remsi %scan3A_115, %select_n3A_136 : i32
      %ne3A_138 = arith.constant 0 : i32
      %ne3A_139 = arith.cmpi ne, %rem3A_137, %ne3A_138 : i32
      %lt3A = arith.constant 0 : i32
      %lt3A_140 = arith.cmpi slt, %rem3A_137, %lt3A : i32
      %lt3A_141 = arith.constant 0 : i32
      %lt3A_142 = arith.cmpi slt, %select_n3A_136, %lt3A_141 : i32
      %ne3A_143 = arith.xori %lt3A_140, %lt3A_142 : i1
      %and3A_144 = arith.andi %ne3A_143, %ne3A_139 : i1
      %add3A_145 = arith.addi %rem3A_137, %select_n3A_136 : i32
      %select_n3A_146 = arith.select %and3A_144, %add3A_145, %rem3A_137 : i32
      %mul3A_147 = arith.constant 16 : i32
      %mul3A_148 = arith.muli %select_n3A_146, %mul3A_147 : i32
      %swap3A = arith.index_cast %select_n3A : i32 to index
      %swap3A_149 = arith.index_cast %mul3A_148 : i32 to index
      %swap3A_150 = tpu.vector_load %arg11[%swap3A, %swap3A_149] {strides = array<i32>} : memref<80x128xf32, #tpu.memory_space<vmem>>, vector<1x16xf32>,
      %swap3A_151 = vector.shape_cast %swap3A_150 : vector<1x16xf32> to vector<16xf32>
      %swap3A_152 = vector.shape_cast %broadcast_in_dim3A_29 : vector<16xf32> to vector<1x16xf32>
      tpu.vector_store %arg11[%swap3A, %swap3A_149], %swap3A_152 {strides = array<i32>} : memref<80x128xf32, #tpu.memory_space<vmem>>, vector<1x16xf32>,
    }
    %scan3A_35 = arith.constant 640 : i32
    %barrier3A = arith.constant 0 : index
    tpu.barrier barrier_id(%barrier3A)
    %scan3A_36 = arith.constant 0 : i32
    %scan3A_37 = arith.constant 0 : i32
    %scan3A_38 = arith.constant 25 : i32
    %scan3A_39 = arith.addi %scan3A_37, %scan3A_38 : i32
    %scan3A_40 = arith.constant 1 : i32
    scf.for %scan3A_115 = %scan3A_37 to %scan3A_39 step %scan3A_40  : i32 {
      %mul3A_116 = arith.constant 5 : i32
      %mul3A_117 = arith.muli %scan3A_115, %mul3A_116 : i32
      %add3A_118 = arith.constant 0 : i32
      %add3A_119 = arith.addi %mul3A_117, %add3A_118 : i32
      %dma_start3A_120 = arith.constant 0 : i32
      %dma_start3A_121 = tpu.memref_slice %arg10[%add3A_119, %dma_start3A_120] : memref<125x80xi32, #tpu.memory_space<vmem>> -> memref<1x80xi32, #tpu.memory_space<vmem>>
      %dma_start3A_122 = tpu.memref_squeeze %dma_start3A_121 : memref<1x80xi32, #tpu.memory_space<vmem>> -> memref<80xi32, #tpu.memory_space<vmem>>
      %dma_start3A_123 = arith.constant 0 : i32
      %dma_start3A_124 = arith.constant 0 : i32
      %dma_start3A_125 = tpu.memref_slice %arg7[%dma_start3A_123, %dma_start3A_124] : memref<10000x128xf32, #tpu.memory_space<vmem_shared>> -> memref<10000x128xf32, #tpu.memory_space<vmem_shared>>
      tpu.enqueue_indirect_dma source(%arg11 : memref<80x128xf32, #tpu.memory_space<vmem>>) target(%dma_start3A_125 : memref<10000x128xf32, #tpu.memory_space<vmem_shared>>) offsets(%dma_start3A_122 : memref<80xi32, #tpu.memory_space<vmem>>) semaphore(%arg19 : memref<!tpu.dma_semaphore, #tpu.memory_space<semaphore_mem>>) {add = true}
      %mul3A_126 = arith.constant 5 : i32
      %mul3A_127 = arith.muli %scan3A_115, %mul3A_126 : i32
      %add3A_128 = arith.constant 1 : i32
      %add3A_129 = arith.addi %mul3A_127, %add3A_128 : i32
      %dma_start3A_130 = arith.constant 0 : i32
      %dma_start3A_131 = tpu.memref_slice %arg10[%add3A_129, %dma_start3A_130] : memref<125x80xi32, #tpu.memory_space<vmem>> -> memref<1x80xi32, #tpu.memory_space<vmem>>
      %dma_start3A_132 = tpu.memref_squeeze %dma_start3A_131 : memref<1x80xi32, #tpu.memory_space<vmem>> -> memref<80xi32, #tpu.memory_space<vmem>>
      %dma_start3A_133 = arith.constant 0 : i32
      %dma_start3A_134 = arith.constant 0 : i32
      %dma_start3A_135 = tpu.memref_slice %arg7[%dma_start3A_133, %dma_start3A_134] : memref<10000x128xf32, #tpu.memory_space<vmem_shared>> -> memref<10000x128xf32, #tpu.memory_space<vmem_shared>>
      tpu.enqueue_indirect_dma source(%arg11 : memref<80x128xf32, #tpu.memory_space<vmem>>) target(%dma_start3A_135 : memref<10000x128xf32, #tpu.memory_space<vmem_shared>>) offsets(%dma_start3A_132 : memref<80xi32, #tpu.memory_space<vmem>>) semaphore(%arg19 : memref<!tpu.dma_semaphore, #tpu.memory_space<semaphore_mem>>) {add = true}
      %mul3A_136 = arith.constant 5 : i32
      %mul3A_137 = arith.muli %scan3A_115, %mul3A_136 : i32
      %add3A_138 = arith.constant 2 : i32
      %add3A_139 = arith.addi %mul3A_137, %add3A_138 : i32
      %dma_start3A_140 = arith.constant 0 : i32
      %dma_start3A_141 = tpu.memref_slice %arg10[%add3A_139, %dma_start3A_140] : memref<125x80xi32, #tpu.memory_space<vmem>> -> memref<1x80xi32, #tpu.memory_space<vmem>>
      %dma_start3A_142 = tpu.memref_squeeze %dma_start3A_141 : memref<1x80xi32, #tpu.memory_space<vmem>> -> memref<80xi32, #tpu.memory_space<vmem>>
      %dma_start3A_143 = arith.constant 0 : i32
      %dma_start3A_144 = arith.constant 0 : i32
      %dma_start3A_145 = tpu.memref_slice %arg7[%dma_start3A_143, %dma_start3A_144] : memref<10000x128xf32, #tpu.memory_space<vmem_shared>> -> memref<10000x128xf32, #tpu.memory_space<vmem_shared>>
      tpu.enqueue_indirect_dma source(%arg11 : memref<80x128xf32, #tpu.memory_space<vmem>>) target(%dma_start3A_145 : memref<10000x128xf32, #tpu.memory_space<vmem_shared>>) offsets(%dma_start3A_142 : memref<80xi32, #tpu.memory_space<vmem>>) semaphore(%arg19 : memref<!tpu.dma_semaphore, #tpu.memory_space<semaphore_mem>>) {add = true}
      %mul3A_146 = arith.constant 5 : i32
      %mul3A_147 = arith.muli %scan3A_115, %mul3A_146 : i32
      %add3A_148 = arith.constant 3 : i32
      %add3A_149 = arith.addi %mul3A_147, %add3A_148 : i32
      %dma_start3A_150 = arith.constant 0 : i32
      %dma_start3A_151 = tpu.memref_slice %arg10[%add3A_149, %dma_start3A_150] : memref<125x80xi32, #tpu.memory_space<vmem>> -> memref<1x80xi32, #tpu.memory_space<vmem>>
      %dma_start3A_152 = tpu.memref_squeeze %dma_start3A_151 : memref<1x80xi32, #tpu.memory_space<vmem>> -> memref<80xi32, #tpu.memory_space<vmem>>
      %dma_start3A_153 = arith.constant 0 : i32
      %dma_start3A_154 = arith.constant 0 : i32
      %dma_start3A_155 = tpu.memref_slice %arg7[%dma_start3A_153, %dma_start3A_154] : memref<10000x128xf32, #tpu.memory_space<vmem_shared>> -> memref<10000x128xf32, #tpu.memory_space<vmem_shared>>
      tpu.enqueue_indirect_dma source(%arg11 : memref<80x128xf32, #tpu.memory_space<vmem>>) target(%dma_start3A_155 : memref<10000x128xf32, #tpu.memory_space<vmem_shared>>) offsets(%dma_start3A_152 : memref<80xi32, #tpu.memory_space<vmem>>) semaphore(%arg19 : memref<!tpu.dma_semaphore, #tpu.memory_space<semaphore_mem>>) {add = true}
      %mul3A_156 = arith.constant 5 : i32
      %mul3A_157 = arith.muli %scan3A_115, %mul3A_156 : i32
      %add3A_158 = arith.constant 4 : i32
      %add3A_159 = arith.addi %mul3A_157, %add3A_158 : i32
      %dma_start3A_160 = arith.constant 0 : i32
      %dma_start3A_161 = tpu.memref_slice %arg10[%add3A_159, %dma_start3A_160] : memref<125x80xi32, #tpu.memory_space<vmem>> -> memref<1x80xi32, #tpu.memory_space<vmem>>
      %dma_start3A_162 = tpu.memref_squeeze %dma_start3A_161 : memref<1x80xi32, #tpu.memory_space<vmem>> -> memref<80xi32, #tpu.memory_space<vmem>>
      %dma_start3A_163 = arith.constant 0 : i32
      %dma_start3A_164 = arith.constant 0 : i32
      %dma_start3A_165 = tpu.memref_slice %arg7[%dma_start3A_163, %dma_start3A_164] : memref<10000x128xf32, #tpu.memory_space<vmem_shared>> -> memref<10000x128xf32, #tpu.memory_space<vmem_shared>>
      tpu.enqueue_indirect_dma source(%arg11 : memref<80x128xf32, #tpu.memory_space<vmem>>) target(%dma_start3A_165 : memref<10000x128xf32, #tpu.memory_space<vmem_shared>>) offsets(%dma_start3A_162 : memref<80xi32, #tpu.memory_space<vmem>>) semaphore(%arg19 : memref<!tpu.dma_semaphore, #tpu.memory_space<semaphore_mem>>) {add = true}
      %mul3A_166 = arith.constant 5 : i32
      %mul3A_167 = arith.muli %scan3A_115, %mul3A_166 : i32
      %add3A_168 = arith.constant 0 : i32
      %add3A_169 = arith.addi %mul3A_167, %add3A_168 : i32
      %dma_wait3A_170 = arith.constant 0 : i32
      %dma_wait3A_171 = tpu.memref_slice %arg10[%add3A_169, %dma_wait3A_170] : memref<125x80xi32, #tpu.memory_space<vmem>> -> memref<1x80xi32, #tpu.memory_space<vmem>>
      %dma_wait3A_172 = tpu.memref_squeeze %dma_wait3A_171 : memref<1x80xi32, #tpu.memory_space<vmem>> -> memref<80xi32, #tpu.memory_space<vmem>>
      %dma_wait3A_173 = arith.constant 0 : i32
      %dma_wait3A_174 = arith.constant 0 : i32
      %dma_wait3A_175 = tpu.memref_slice %arg7[%dma_wait3A_173, %dma_wait3A_174] : memref<10000x128xf32, #tpu.memory_space<vmem_shared>> -> memref<10000x128xf32, #tpu.memory_space<vmem_shared>>
      tpu.wait_indirect_dma semaphore(%arg19 : memref<!tpu.dma_semaphore, #tpu.memory_space<semaphore_mem>>) src(%arg11 : memref<80x128xf32, #tpu.memory_space<vmem>>) dst(%dma_wait3A_175 : memref<10000x128xf32, #tpu.memory_space<vmem_shared>>)
      %mul3A_176 = arith.constant 5 : i32
      %mul3A_177 = arith.muli %scan3A_115, %mul3A_176 : i32
      %add3A_178 = arith.constant 1 : i32
      %add3A_179 = arith.addi %mul3A_177, %add3A_178 : i32
      %dma_wait3A_180 = arith.constant 0 : i32
      %dma_wait3A_181 = tpu.memref_slice %arg10[%add3A_179, %dma_wait3A_180] : memref<125x80xi32, #tpu.memory_space<vmem>> -> memref<1x80xi32, #tpu.memory_space<vmem>>
      %dma_wait3A_182 = tpu.memref_squeeze %dma_wait3A_181 : memref<1x80xi32, #tpu.memory_space<vmem>> -> memref<80xi32, #tpu.memory_space<vmem>>
      %dma_wait3A_183 = arith.constant 0 : i32
      %dma_wait3A_184 = arith.constant 0 : i32
      %dma_wait3A_185 = tpu.memref_slice %arg7[%dma_wait3A_183, %dma_wait3A_184] : memref<10000x128xf32, #tpu.memory_space<vmem_shared>> -> memref<10000x128xf32, #tpu.memory_space<vmem_shared>>
      tpu.wait_indirect_dma semaphore(%arg19 : memref<!tpu.dma_semaphore, #tpu.memory_space<semaphore_mem>>) src(%arg11 : memref<80x128xf32, #tpu.memory_space<vmem>>) dst(%dma_wait3A_185 : memref<10000x128xf32, #tpu.memory_space<vmem_shared>>)
      %mul3A_186 = arith.constant 5 : i32
      %mul3A_187 = arith.muli %scan3A_115, %mul3A_186 : i32
      %add3A_188 = arith.constant 2 : i32
      %add3A_189 = arith.addi %mul3A_187, %add3A_188 : i32
      %dma_wait3A_190 = arith.constant 0 : i32
      %dma_wait3A_191 = tpu.memref_slice %arg10[%add3A_189, %dma_wait3A_190] : memref<125x80xi32, #tpu.memory_space<vmem>> -> memref<1x80xi32, #tpu.memory_space<vmem>>
      %dma_wait3A_192 = tpu.memref_squeeze %dma_wait3A_191 : memref<1x80xi32, #tpu.memory_space<vmem>> -> memref<80xi32, #tpu.memory_space<vmem>>
      %dma_wait3A_193 = arith.constant 0 : i32
      %dma_wait3A_194 = arith.constant 0 : i32
      %dma_wait3A_195 = tpu.memref_slice %arg7[%dma_wait3A_193, %dma_wait3A_194] : memref<10000x128xf32, #tpu.memory_space<vmem_shared>> -> memref<10000x128xf32, #tpu.memory_space<vmem_shared>>
      tpu.wait_indirect_dma semaphore(%arg19 : memref<!tpu.dma_semaphore, #tpu.memory_space<semaphore_mem>>) src(%arg11 : memref<80x128xf32, #tpu.memory_space<vmem>>) dst(%dma_wait3A_195 : memref<10000x128xf32, #tpu.memory_space<vmem_shared>>)
      %mul3A_196 = arith.constant 5 : i32
      %mul3A_197 = arith.muli %scan3A_115, %mul3A_196 : i32
      %add3A_198 = arith.constant 3 : i32
      %add3A_199 = arith.addi %mul3A_197, %add3A_198 : i32
      %dma_wait3A_200 = arith.constant 0 : i32
      %dma_wait3A_201 = tpu.memref_slice %arg10[%add3A_199, %dma_wait3A_200] : memref<125x80xi32, #tpu.memory_space<vmem>> -> memref<1x80xi32, #tpu.memory_space<vmem>>
      %dma_wait3A_202 = tpu.memref_squeeze %dma_wait3A_201 : memref<1x80xi32, #tpu.memory_space<vmem>> -> memref<80xi32, #tpu.memory_space<vmem>>
      %dma_wait3A_203 = arith.constant 0 : i32
      %dma_wait3A_204 = arith.constant 0 : i32
      %dma_wait3A_205 = tpu.memref_slice %arg7[%dma_wait3A_203, %dma_wait3A_204] : memref<10000x128xf32, #tpu.memory_space<vmem_shared>> -> memref<10000x128xf32, #tpu.memory_space<vmem_shared>>
      tpu.wait_indirect_dma semaphore(%arg19 : memref<!tpu.dma_semaphore, #tpu.memory_space<semaphore_mem>>) src(%arg11 : memref<80x128xf32, #tpu.memory_space<vmem>>) dst(%dma_wait3A_205 : memref<10000x128xf32, #tpu.memory_space<vmem_shared>>)
      %mul3A_206 = arith.constant 5 : i32
      %mul3A_207 = arith.muli %scan3A_115, %mul3A_206 : i32
      %add3A_208 = arith.constant 4 : i32
      %add3A_209 = arith.addi %mul3A_207, %add3A_208 : i32
      %dma_wait3A_210 = arith.constant 0 : i32
      %dma_wait3A_211 = tpu.memref_slice %arg10[%add3A_209, %dma_wait3A_210] : memref<125x80xi32, #tpu.memory_space<vmem>> -> memref<1x80xi32, #tpu.memory_space<vmem>>
      %dma_wait3A_212 = tpu.memref_squeeze %dma_wait3A_211 : memref<1x80xi32, #tpu.memory_space<vmem>> -> memref<80xi32, #tpu.memory_space<vmem>>
      %dma_wait3A_213 = arith.constant 0 : i32
      %dma_wait3A_214 = arith.constant 0 : i32
      %dma_wait3A_215 = tpu.memref_slice %arg7[%dma_wait3A_213, %dma_wait3A_214] : memref<10000x128xf32, #tpu.memory_space<vmem_shared>> -> memref<10000x128xf32, #tpu.memory_space<vmem_shared>>
      tpu.wait_indirect_dma semaphore(%arg19 : memref<!tpu.dma_semaphore, #tpu.memory_space<semaphore_mem>>) src(%arg11 : memref<80x128xf32, #tpu.memory_space<vmem>>) dst(%dma_wait3A_215 : memref<10000x128xf32, #tpu.memory_space<vmem_shared>>)
    }
    %scan3A_41 = arith.constant 25 : i32
    %barrier3A_42 = arith.constant 0 : index
    tpu.barrier barrier_id(%barrier3A_42)
    %mul3A_43 = arith.constant 624 : i32
    %mul3A_44 = arith.muli %arg1, %mul3A_43 : i32
    %mul3A_45 = arith.constant 624 : i32
    %mul3A_46 = arith.muli %arg1, %mul3A_45 : i32
    "tpu.region"() ({
      %run_scoped3A_115 = tpu.sem_alloc : memref<!tpu.dma_semaphore, #tpu.memory_space<semaphore_mem>>
      %dma_start3A_116 = arith.constant 0 : i32
      %dma_start3A_117 = tpu.memref_slice %arg6[%arg0, %mul3A_46, %dma_start3A_116] : memref<2x10000x128xf32, #tpu.memory_space<hbm>> -> memref<1x624x128xf32, #tpu.memory_space<hbm>>
      %dma_start3A_118 = tpu.memref_squeeze %dma_start3A_117 : memref<1x624x128xf32, #tpu.memory_space<hbm>> -> memref<624x128xf32, #tpu.memory_space<hbm>>
      %dma_start3A_119 = arith.constant 0 : i32
      %dma_start3A_120 = tpu.memref_slice %arg7[%mul3A_44, %dma_start3A_119] : memref<10000x128xf32, #tpu.memory_space<vmem_shared>> -> memref<624x128xf32, #tpu.memory_space<vmem_shared>>
      tpu.enqueue_dma source(%dma_start3A_120 : memref<624x128xf32, #tpu.memory_space<vmem_shared>>) target(%dma_start3A_118 : memref<624x128xf32, #tpu.memory_space<hbm>>) target_semaphore(%run_scoped3A_115 : memref<!tpu.dma_semaphore, #tpu.memory_space<semaphore_mem>>)
      %dma_wait3A_121 = arith.constant 0 : i32
      %dma_wait3A_122 = tpu.memref_slice %arg6[%arg0, %mul3A_46, %dma_wait3A_121] : memref<2x10000x128xf32, #tpu.memory_space<hbm>> -> memref<1x624x128xf32, #tpu.memory_space<hbm>>
      %dma_wait3A_123 = tpu.memref_squeeze %dma_wait3A_122 : memref<1x624x128xf32, #tpu.memory_space<hbm>> -> memref<624x128xf32, #tpu.memory_space<hbm>>
      %dma_wait3A_124 = arith.constant 0 : i32
      %dma_wait3A_125 = tpu.memref_slice %arg7[%mul3A_44, %dma_wait3A_124] : memref<10000x128xf32, #tpu.memory_space<vmem_shared>> -> memref<624x128xf32, #tpu.memory_space<vmem_shared>>
      tpu.wait_dma2 semaphore(%run_scoped3A_115 : memref<!tpu.dma_semaphore, #tpu.memory_space<semaphore_mem>>) src(%dma_wait3A_125 : memref<624x128xf32, #tpu.memory_space<vmem_shared>>) dst(%dma_wait3A_123 : memref<624x128xf32, #tpu.memory_space<hbm>>)
      tpu.yield
    }) : () -> ()
    %eq3A_47 = arith.constant 15 : i32
    %eq3A_48 = arith.cmpi eq, %arg1, %eq3A_47 : i32
    %convert_element_type3A_49 = arith.extui %eq3A_48 : i1 to i32
    %cond3A_50 = arith.constant 0 : i32
    %cond3A_51 = arith.cmpi ne, %convert_element_type3A_49, %cond3A_50 : i32
    scf.if %cond3A_51 {
      "tpu.region"() ({
        %run_scoped3A_115 = tpu.sem_alloc : memref<!tpu.dma_semaphore, #tpu.memory_space<semaphore_mem>>
        %dma_start3A_116 = arith.constant 9984 : i32
        %dma_start3A_117 = arith.constant 0 : i32
        %dma_start3A_118 = tpu.memref_slice %arg6[%arg0, %dma_start3A_116, %dma_start3A_117] : memref<2x10000x128xf32, #tpu.memory_space<hbm>> -> memref<1x16x128xf32, #tpu.memory_space<hbm>>
        %dma_start3A_119 = tpu.memref_squeeze %dma_start3A_118 : memref<1x16x128xf32, #tpu.memory_space<hbm>> -> memref<16x128xf32, #tpu.memory_space<hbm>>
        %dma_start3A_120 = arith.constant 9984 : i32
        %dma_start3A_121 = arith.constant 0 : i32
        %dma_start3A_122 = tpu.memref_slice %arg7[%dma_start3A_120, %dma_start3A_121] : memref<10000x128xf32, #tpu.memory_space<vmem_shared>> -> memref<16x128xf32, #tpu.memory_space<vmem_shared>>
        tpu.enqueue_dma source(%dma_start3A_122 : memref<16x128xf32, #tpu.memory_space<vmem_shared>>) target(%dma_start3A_119 : memref<16x128xf32, #tpu.memory_space<hbm>>) target_semaphore(%run_scoped3A_115 : memref<!tpu.dma_semaphore, #tpu.memory_space<semaphore_mem>>)
        %dma_wait3A_123 = arith.constant 9984 : i32
        %dma_wait3A_124 = arith.constant 0 : i32
        %dma_wait3A_125 = tpu.memref_slice %arg6[%arg0, %dma_wait3A_123, %dma_wait3A_124] : memref<2x10000x128xf32, #tpu.memory_space<hbm>> -> memref<1x16x128xf32, #tpu.memory_space<hbm>>
        %dma_wait3A_126 = tpu.memref_squeeze %dma_wait3A_125 : memref<1x16x128xf32, #tpu.memory_space<hbm>> -> memref<16x128xf32, #tpu.memory_space<hbm>>
        %dma_wait3A_127 = arith.constant 9984 : i32
        %dma_wait3A_128 = arith.constant 0 : i32
        %dma_wait3A_129 = tpu.memref_slice %arg7[%dma_wait3A_127, %dma_wait3A_128] : memref<10000x128xf32, #tpu.memory_space<vmem_shared>> -> memref<16x128xf32, #tpu.memory_space<vmem_shared>>
        tpu.wait_dma2 semaphore(%run_scoped3A_115 : memref<!tpu.dma_semaphore, #tpu.memory_space<semaphore_mem>>) src(%dma_wait3A_129 : memref<16x128xf32, #tpu.memory_space<vmem_shared>>) dst(%dma_wait3A_126 : memref<16x128xf32, #tpu.memory_space<hbm>>)
        tpu.yield
      }) : () -> ()
    } else {
    }
    %scan3A_52 = arith.constant 0 : i32
    %scan3A_53 = arith.constant 0 : i32
    %scan3A_54 = arith.constant 39 : i32
    %scan3A_55 = arith.addi %scan3A_53, %scan3A_54 : i32
    %scan3A_56 = arith.constant 1 : i32
    scf.for %scan3A_115 = %scan3A_53 to %scan3A_55 step %scan3A_56  : i32 {
      %mul3A_116 = arith.constant 624 : i32
      %mul3A_117 = arith.muli %arg1, %mul3A_116 : i32
      %mul3A_118 = arith.constant 16 : i32
      %mul3A_119 = arith.muli %scan3A_115, %mul3A_118 : i32
      %add3A_120 = arith.addi %mul3A_117, %mul3A_119 : i32
      %dma_start3A_121 = arith.constant 0 : i32
      %dma_start3A_122 = tpu.memref_slice %arg7[%add3A_120, %dma_start3A_121] : memref<10000x128xf32, #tpu.memory_space<vmem_shared>> -> memref<16x128xf32, #tpu.memory_space<vmem_shared>>
      %dma_start3A_123 = arith.constant 0 : i32
      %dma_start3A_124 = tpu.memref_slice %arg7[%add3A_120, %dma_start3A_123] : memref<10000x128xf32, #tpu.memory_space<vmem_shared>> -> memref<16x128xf32, #tpu.memory_space<vmem_shared>>
      tpu.enqueue_dma source(%arg13 : memref<16x128xf32, #tpu.memory_space<vmem>>) target(%dma_start3A_124 : memref<16x128xf32, #tpu.memory_space<vmem_shared>>) target_semaphore(%arg14 : memref<!tpu.dma_semaphore, #tpu.memory_space<semaphore_mem>>)
    }
    %scan3A_57 = arith.constant 39 : i32
    %eq3A_58 = arith.constant 15 : i32
    %eq3A_59 = arith.cmpi eq, %arg1, %eq3A_58 : i32
    %convert_element_type3A_60 = arith.extui %eq3A_59 : i1 to i32
    %cond3A_61 = arith.constant 0 : i32
    %cond3A_62 = arith.cmpi ne, %convert_element_type3A_60, %cond3A_61 : i32
    scf.if %cond3A_62 {
      %dma_start3A_115 = arith.constant 0 : i32
      %dma_start3A_116 = arith.constant 0 : i32
      %dma_start3A_117 = tpu.memref_slice %arg13[%dma_start3A_115, %dma_start3A_116] : memref<16x128xf32, #tpu.memory_space<vmem>> -> memref<16x128xf32, #tpu.memory_space<vmem>>
      %dma_start3A_118 = arith.constant 9984 : i32
      %dma_start3A_119 = arith.constant 0 : i32
      %dma_start3A_120 = tpu.memref_slice %arg7[%dma_start3A_118, %dma_start3A_119] : memref<10000x128xf32, #tpu.memory_space<vmem_shared>> -> memref<16x128xf32, #tpu.memory_space<vmem_shared>>
      %dma_start3A_121 = arith.constant 9984 : i32
      %dma_start3A_122 = arith.constant 0 : i32
      %dma_start3A_123 = tpu.memref_slice %arg7[%dma_start3A_121, %dma_start3A_122] : memref<10000x128xf32, #tpu.memory_space<vmem_shared>> -> memref<16x128xf32, #tpu.memory_space<vmem_shared>>
      %dma_start3A_124 = arith.constant 0 : i32
      %dma_start3A_125 = arith.constant 0 : i32
      %dma_start3A_126 = tpu.memref_slice %arg13[%dma_start3A_124, %dma_start3A_125] : memref<16x128xf32, #tpu.memory_space<vmem>> -> memref<16x128xf32, #tpu.memory_space<vmem>>
      tpu.enqueue_dma source(%dma_start3A_126 : memref<16x128xf32, #tpu.memory_space<vmem>>) target(%dma_start3A_123 : memref<16x128xf32, #tpu.memory_space<vmem_shared>>) target_semaphore(%arg14 : memref<!tpu.dma_semaphore, #tpu.memory_space<semaphore_mem>>)
    } else {
    }
    %scan3A_63 = arith.constant 0 : i32
    %scan3A_64 = arith.constant 0 : i32
    %scan3A_65 = arith.constant 39 : i32
    %scan3A_66 = arith.addi %scan3A_64, %scan3A_65 : i32
    %scan3A_67 = arith.constant 1 : i32
    scf.for %scan3A_115 = %scan3A_64 to %scan3A_66 step %scan3A_67  : i32 {
      %mul3A_116 = arith.constant 624 : i32
      %mul3A_117 = arith.muli %arg1, %mul3A_116 : i32
      %mul3A_118 = arith.constant 16 : i32
      %mul3A_119 = arith.muli %scan3A_115, %mul3A_118 : i32
      %add3A_120 = arith.addi %mul3A_117, %mul3A_119 : i32
      %dma_wait3A_121 = arith.constant 0 : i32
      %dma_wait3A_122 = tpu.memref_slice %arg7[%add3A_120, %dma_wait3A_121] : memref<10000x128xf32, #tpu.memory_space<vmem_shared>> -> memref<16x128xf32, #tpu.memory_space<vmem_shared>>
      %dma_wait3A_123 = arith.constant 0 : i32
      %dma_wait3A_124 = tpu.memref_slice %arg7[%add3A_120, %dma_wait3A_123] : memref<10000x128xf32, #tpu.memory_space<vmem_shared>> -> memref<16x128xf32, #tpu.memory_space<vmem_shared>>
      tpu.wait_dma2 semaphore(%arg14 : memref<!tpu.dma_semaphore, #tpu.memory_space<semaphore_mem>>) src(%arg13 : memref<16x128xf32, #tpu.memory_space<vmem>>) dst(%dma_wait3A_124 : memref<16x128xf32, #tpu.memory_space<vmem_shared>>)
    }
    %scan3A_68 = arith.constant 39 : i32
    %eq3A_69 = arith.constant 15 : i32
    %eq3A_70 = arith.cmpi eq, %arg1, %eq3A_69 : i32
    %convert_element_type3A_71 = arith.extui %eq3A_70 : i1 to i32
    %cond3A_72 = arith.constant 0 : i32
    %cond3A_73 = arith.cmpi ne, %convert_element_type3A_71, %cond3A_72 : i32
    scf.if %cond3A_73 {
      %dma_wait3A_115 = arith.constant 0 : i32
      %dma_wait3A_116 = arith.constant 0 : i32
      %dma_wait3A_117 = tpu.memref_slice %arg13[%dma_wait3A_115, %dma_wait3A_116] : memref<16x128xf32, #tpu.memory_space<vmem>> -> memref<16x128xf32, #tpu.memory_space<vmem>>
      %dma_wait3A_118 = arith.constant 9984 : i32
      %dma_wait3A_119 = arith.constant 0 : i32
      %dma_wait3A_120 = tpu.memref_slice %arg7[%dma_wait3A_118, %dma_wait3A_119] : memref<10000x128xf32, #tpu.memory_space<vmem_shared>> -> memref<16x128xf32, #tpu.memory_space<vmem_shared>>
      %dma_wait3A_121 = arith.constant 9984 : i32
      %dma_wait3A_122 = arith.constant 0 : i32
      %dma_wait3A_123 = tpu.memref_slice %arg7[%dma_wait3A_121, %dma_wait3A_122] : memref<10000x128xf32, #tpu.memory_space<vmem_shared>> -> memref<16x128xf32, #tpu.memory_space<vmem_shared>>
      %dma_wait3A_124 = arith.constant 0 : i32
      %dma_wait3A_125 = arith.constant 0 : i32
      %dma_wait3A_126 = tpu.memref_slice %arg13[%dma_wait3A_124, %dma_wait3A_125] : memref<16x128xf32, #tpu.memory_space<vmem>> -> memref<16x128xf32, #tpu.memory_space<vmem>>
      tpu.wait_dma2 semaphore(%arg14 : memref<!tpu.dma_semaphore, #tpu.memory_space<semaphore_mem>>) src(%dma_wait3A_126 : memref<16x128xf32, #tpu.memory_space<vmem>>) dst(%dma_wait3A_123 : memref<16x128xf32, #tpu.memory_space<vmem_shared>>)
    } else {
    }
    %barrier3A_74 = arith.constant 0 : index
    tpu.barrier barrier_id(%barrier3A_74)
    %add3A_75 = arith.constant 0 : i32
    %add3A_76 = arith.addi %mul3A_27, %add3A_75 : i32
    %dma_start3A = tpu.memref_slice %arg3[%add3A_76] : memref<640000xi32, #tpu.memory_space<hbm>> -> memref<80xi32, #tpu.memory_space<hbm>>
    %dma_start3A_77 = tpu.memref_slice %arg3[%add3A_76] : memref<640000xi32, #tpu.memory_space<hbm>> -> memref<80xi32, #tpu.memory_space<hbm>>
    tpu.enqueue_dma source(%dma_start3A_77 : memref<80xi32, #tpu.memory_space<hbm>>) target(%arg8 : memref<80xi32, #tpu.memory_space<vmem>>) target_semaphore(%arg15 : memref<!tpu.dma_semaphore, #tpu.memory_space<semaphore_mem>>)
    %add3A_78 = arith.constant 0 : i32
    %add3A_79 = arith.addi %mul3A_27, %add3A_78 : i32
    %dma_wait3A = tpu.memref_slice %arg3[%add3A_79] : memref<640000xi32, #tpu.memory_space<hbm>> -> memref<80xi32, #tpu.memory_space<hbm>>
    %dma_wait3A_80 = tpu.memref_slice %arg3[%add3A_79] : memref<640000xi32, #tpu.memory_space<hbm>> -> memref<80xi32, #tpu.memory_space<hbm>>
    tpu.wait_dma2 semaphore(%arg15 : memref<!tpu.dma_semaphore, #tpu.memory_space<semaphore_mem>>) src(%dma_wait3A_80 : memref<80xi32, #tpu.memory_space<hbm>>) dst(%arg8 : memref<80xi32, #tpu.memory_space<vmem>>)
    %dma_start3A_81 = arith.constant 0 : i32
    %dma_start3A_82 = arith.constant 0 : i32
    %dma_start3A_83 = tpu.memref_slice %arg2[%dma_start3A_81, %dma_start3A_82] : memref<10000x128xf32, #tpu.memory_space<hbm>> -> memref<10000x128xf32, #tpu.memory_space<hbm>>
    tpu.enqueue_indirect_dma source(%dma_start3A_83 : memref<10000x128xf32, #tpu.memory_space<hbm>>) target(%arg11 : memref<80x128xf32, #tpu.memory_space<vmem>>) offsets(%arg8 : memref<80xi32, #tpu.memory_space<vmem>>) semaphore(%arg17 : memref<!tpu.dma_semaphore, #tpu.memory_space<semaphore_mem>>)
    %add3A_84 = arith.constant 80 : i32
    %add3A_85 = arith.addi %mul3A_27, %add3A_84 : i32
    %dma_start3A_86 = tpu.memref_slice %arg3[%add3A_85] : memref<640000xi32, #tpu.memory_space<hbm>> -> memref<80xi32, #tpu.memory_space<hbm>>
    %dma_start3A_87 = tpu.memref_slice %arg3[%add3A_85] : memref<640000xi32, #tpu.memory_space<hbm>> -> memref<80xi32, #tpu.memory_space<hbm>>
    tpu.enqueue_dma source(%dma_start3A_87 : memref<80xi32, #tpu.memory_space<hbm>>) target(%arg9 : memref<80xi32, #tpu.memory_space<vmem>>) target_semaphore(%arg16 : memref<!tpu.dma_semaphore, #tpu.memory_space<semaphore_mem>>)
    %scan3A_88 = arith.constant 0 : i32
    %scan3A_89 = arith.constant 0 : i32
    %scan3A_90 = arith.constant 62 : i32
    %scan3A_91 = arith.addi %scan3A_89, %scan3A_90 : i32
    %scan3A_92 = arith.constant 1 : i32
    scf.for %scan3A_115 = %scan3A_89 to %scan3A_91 step %scan3A_92  : i32 {
      %mul3A_116 = arith.constant 2 : i32
      %mul3A_117 = arith.muli %scan3A_115, %mul3A_116 : i32
      %gt3A = arith.constant 0 : i32
      %gt3A_118 = arith.cmpi sgt, %mul3A_117, %gt3A : i32
      %convert_element_type3A_119 = arith.extui %gt3A_118 : i1 to i32
      %cond3A_120 = arith.constant 0 : i32
      %cond3A_121 = arith.cmpi ne, %convert_element_type3A_119, %cond3A_120 : i32
      scf.if %cond3A_121 {
        %sub3A = arith.constant 1 : i32
        %sub3A_182 = arith.subi %mul3A_117, %sub3A : i32
        %dma_wait3A_183 = arith.constant 0 : i32
        %dma_wait3A_184 = tpu.memref_slice %arg10[%sub3A_182, %dma_wait3A_183] : memref<125x80xi32, #tpu.memory_space<vmem>> -> memref<1x80xi32, #tpu.memory_space<vmem>>
        %dma_wait3A_185 = tpu.memref_squeeze %dma_wait3A_184 : memref<1x80xi32, #tpu.memory_space<vmem>> -> memref<80xi32, #tpu.memory_space<vmem>>
        %dma_wait3A_186 = arith.constant 0 : i32
        %dma_wait3A_187 = arith.constant 0 : i32
        %dma_wait3A_188 = tpu.memref_slice %arg7[%dma_wait3A_186, %dma_wait3A_187] : memref<10000x128xf32, #tpu.memory_space<vmem_shared>> -> memref<10000x128xf32, #tpu.memory_space<vmem_shared>>
        tpu.wait_indirect_dma semaphore(%arg20 : memref<!tpu.dma_semaphore, #tpu.memory_space<semaphore_mem>>) src(%arg12 : memref<80x128xf32, #tpu.memory_space<vmem>>) dst(%dma_wait3A_188 : memref<10000x128xf32, #tpu.memory_space<vmem_shared>>)
      } else {
      }
      %add3A_122 = arith.constant 1 : i32
      %add3A_123 = arith.addi %mul3A_117, %add3A_122 : i32
      %mul3A_124 = arith.constant 80 : i32
      %mul3A_125 = arith.muli %add3A_123, %mul3A_124 : i32
      %add3A_126 = arith.addi %mul3A_27, %mul3A_125 : i32
      %dma_wait3A_127 = tpu.memref_slice %arg3[%add3A_126] : memref<640000xi32, #tpu.memory_space<hbm>> -> memref<80xi32, #tpu.memory_space<hbm>>
      %dma_wait3A_128 = tpu.memref_slice %arg3[%add3A_126] : memref<640000xi32, #tpu.memory_space<hbm>> -> memref<80xi32, #tpu.memory_space<hbm>>
      tpu.wait_dma2 semaphore(%arg16 : memref<!tpu.dma_semaphore, #tpu.memory_space<semaphore_mem>>) src(%dma_wait3A_128 : memref<80xi32, #tpu.memory_space<hbm>>) dst(%arg9 : memref<80xi32, #tpu.memory_space<vmem>>)
      %add3A_129 = arith.constant 1 : i32
      %add3A_130 = arith.addi %mul3A_117, %add3A_129 : i32
      %dma_start3A_131 = arith.constant 0 : i32
      %dma_start3A_132 = arith.constant 0 : i32
      %dma_start3A_133 = tpu.memref_slice %arg2[%dma_start3A_131, %dma_start3A_132] : memref<10000x128xf32, #tpu.memory_space<hbm>> -> memref<10000x128xf32, #tpu.memory_space<hbm>>
      tpu.enqueue_indirect_dma source(%dma_start3A_133 : memref<10000x128xf32, #tpu.memory_space<hbm>>) target(%arg12 : memref<80x128xf32, #tpu.memory_space<vmem>>) offsets(%arg9 : memref<80xi32, #tpu.memory_space<vmem>>) semaphore(%arg18 : memref<!tpu.dma_semaphore, #tpu.memory_space<semaphore_mem>>)
      %dma_wait3A_134 = arith.constant 0 : i32
      %dma_wait3A_135 = arith.constant 0 : i32
      %dma_wait3A_136 = tpu.memref_slice %arg2[%dma_wait3A_134, %dma_wait3A_135] : memref<10000x128xf32, #tpu.memory_space<hbm>> -> memref<10000x128xf32, #tpu.memory_space<hbm>>
      tpu.wait_indirect_dma semaphore(%arg17 : memref<!tpu.dma_semaphore, #tpu.memory_space<semaphore_mem>>) src(%dma_wait3A_136 : memref<10000x128xf32, #tpu.memory_space<hbm>>) dst(%arg11 : memref<80x128xf32, #tpu.memory_space<vmem>>)
      %add3A_137 = arith.constant 2 : i32
      %add3A_138 = arith.addi %mul3A_117, %add3A_137 : i32
      %lt3A = arith.constant 125 : i32
      %lt3A_139 = arith.cmpi slt, %add3A_138, %lt3A : i32
      %convert_element_type3A_140 = arith.extui %lt3A_139 : i1 to i32
      %cond3A_141 = arith.constant 0 : i32
      %cond3A_142 = arith.cmpi ne, %convert_element_type3A_140, %cond3A_141 : i32
      scf.if %cond3A_142 {
        %add3A_182 = arith.constant 2 : i32
        %add3A_183 = arith.addi %mul3A_117, %add3A_182 : i32
        %mul3A_184 = arith.constant 80 : i32
        %mul3A_185 = arith.muli %add3A_183, %mul3A_184 : i32
        %add3A_186 = arith.addi %mul3A_27, %mul3A_185 : i32
        %dma_start3A_187 = tpu.memref_slice %arg3[%add3A_186] : memref<640000xi32, #tpu.memory_space<hbm>> -> memref<80xi32, #tpu.memory_space<hbm>>
        %dma_start3A_188 = tpu.memref_slice %arg3[%add3A_186] : memref<640000xi32, #tpu.memory_space<hbm>> -> memref<80xi32, #tpu.memory_space<hbm>>
        tpu.enqueue_dma source(%dma_start3A_188 : memref<80xi32, #tpu.memory_space<hbm>>) target(%arg8 : memref<80xi32, #tpu.memory_space<vmem>>) target_semaphore(%arg15 : memref<!tpu.dma_semaphore, #tpu.memory_space<semaphore_mem>>)
      } else {
      }
      %dma_start3A_143 = arith.constant 0 : i32
      %dma_start3A_144 = tpu.memref_slice %arg10[%mul3A_117, %dma_start3A_143] : memref<125x80xi32, #tpu.memory_space<vmem>> -> memref<1x80xi32, #tpu.memory_space<vmem>>
      %dma_start3A_145 = tpu.memref_squeeze %dma_start3A_144 : memref<1x80xi32, #tpu.memory_space<vmem>> -> memref<80xi32, #tpu.memory_space<vmem>>
      %dma_start3A_146 = arith.constant 0 : i32
      %dma_start3A_147 = arith.constant 0 : i32
      %dma_start3A_148 = tpu.memref_slice %arg7[%dma_start3A_146, %dma_start3A_147] : memref<10000x128xf32, #tpu.memory_space<vmem_shared>> -> memref<10000x128xf32, #tpu.memory_space<vmem_shared>>
      tpu.enqueue_indirect_dma source(%arg11 : memref<80x128xf32, #tpu.memory_space<vmem>>) target(%dma_start3A_148 : memref<10000x128xf32, #tpu.memory_space<vmem_shared>>) offsets(%dma_start3A_145 : memref<80xi32, #tpu.memory_space<vmem>>) semaphore(%arg19 : memref<!tpu.dma_semaphore, #tpu.memory_space<semaphore_mem>>) {add = true}
      %dma_wait3A_149 = arith.constant 0 : i32
      %dma_wait3A_150 = tpu.memref_slice %arg10[%mul3A_117, %dma_wait3A_149] : memref<125x80xi32, #tpu.memory_space<vmem>> -> memref<1x80xi32, #tpu.memory_space<vmem>>
      %dma_wait3A_151 = tpu.memref_squeeze %dma_wait3A_150 : memref<1x80xi32, #tpu.memory_space<vmem>> -> memref<80xi32, #tpu.memory_space<vmem>>
      %dma_wait3A_152 = arith.constant 0 : i32
      %dma_wait3A_153 = arith.constant 0 : i32
      %dma_wait3A_154 = tpu.memref_slice %arg7[%dma_wait3A_152, %dma_wait3A_153] : memref<10000x128xf32, #tpu.memory_space<vmem_shared>> -> memref<10000x128xf32, #tpu.memory_space<vmem_shared>>
      tpu.wait_indirect_dma semaphore(%arg19 : memref<!tpu.dma_semaphore, #tpu.memory_space<semaphore_mem>>) src(%arg11 : memref<80x128xf32, #tpu.memory_space<vmem>>) dst(%dma_wait3A_154 : memref<10000x128xf32, #tpu.memory_space<vmem_shared>>)
      %add3A_155 = arith.constant 2 : i32
      %add3A_156 = arith.addi %mul3A_117, %add3A_155 : i32
      %lt3A_157 = arith.constant 125 : i32
      %lt3A_158 = arith.cmpi slt, %add3A_156, %lt3A_157 : i32
      %convert_element_type3A_159 = arith.extui %lt3A_158 : i1 to i32
      %cond3A_160 = arith.constant 0 : i32
      %cond3A_161 = arith.cmpi ne, %convert_element_type3A_159, %cond3A_160 : i32
      scf.if %cond3A_161 {
        %add3A_182 = arith.constant 2 : i32
        %add3A_183 = arith.addi %mul3A_117, %add3A_182 : i32
        %mul3A_184 = arith.constant 80 : i32
        %mul3A_185 = arith.muli %add3A_183, %mul3A_184 : i32
        %add3A_186 = arith.addi %mul3A_27, %mul3A_185 : i32
        %dma_wait3A_187 = tpu.memref_slice %arg3[%add3A_186] : memref<640000xi32, #tpu.memory_space<hbm>> -> memref<80xi32, #tpu.memory_space<hbm>>
        %dma_wait3A_188 = tpu.memref_slice %arg3[%add3A_186] : memref<640000xi32, #tpu.memory_space<hbm>> -> memref<80xi32, #tpu.memory_space<hbm>>
        tpu.wait_dma2 semaphore(%arg15 : memref<!tpu.dma_semaphore, #tpu.memory_space<semaphore_mem>>) src(%dma_wait3A_188 : memref<80xi32, #tpu.memory_space<hbm>>) dst(%arg8 : memref<80xi32, #tpu.memory_space<vmem>>)
        %add3A_189 = arith.constant 2 : i32
        %add3A_190 = arith.addi %mul3A_117, %add3A_189 : i32
        %dma_start3A_191 = arith.constant 0 : i32
        %dma_start3A_192 = arith.constant 0 : i32
        %dma_start3A_193 = tpu.memref_slice %arg2[%dma_start3A_191, %dma_start3A_192] : memref<10000x128xf32, #tpu.memory_space<hbm>> -> memref<10000x128xf32, #tpu.memory_space<hbm>>
        tpu.enqueue_indirect_dma source(%dma_start3A_193 : memref<10000x128xf32, #tpu.memory_space<hbm>>) target(%arg11 : memref<80x128xf32, #tpu.memory_space<vmem>>) offsets(%arg8 : memref<80xi32, #tpu.memory_space<vmem>>) semaphore(%arg17 : memref<!tpu.dma_semaphore, #tpu.memory_space<semaphore_mem>>)
      } else {
      }
      %add3A_162 = arith.constant 1 : i32
      %add3A_163 = arith.addi %mul3A_117, %add3A_162 : i32
      %dma_wait3A_164 = arith.constant 0 : i32
      %dma_wait3A_165 = arith.constant 0 : i32
      %dma_wait3A_166 = tpu.memref_slice %arg2[%dma_wait3A_164, %dma_wait3A_165] : memref<10000x128xf32, #tpu.memory_space<hbm>> -> memref<10000x128xf32, #tpu.memory_space<hbm>>
      tpu.wait_indirect_dma semaphore(%arg18 : memref<!tpu.dma_semaphore, #tpu.memory_space<semaphore_mem>>) src(%dma_wait3A_166 : memref<10000x128xf32, #tpu.memory_space<hbm>>) dst(%arg12 : memref<80x128xf32, #tpu.memory_space<vmem>>)
      %add3A_167 = arith.constant 3 : i32
      %add3A_168 = arith.addi %mul3A_117, %add3A_167 : i32
      %lt3A_169 = arith.constant 125 : i32
      %lt3A_170 = arith.cmpi slt, %add3A_168, %lt3A_169 : i32
      %convert_element_type3A_171 = arith.extui %lt3A_170 : i1 to i32
      %cond3A_172 = arith.constant 0 : i32
      %cond3A_173 = arith.cmpi ne, %convert_element_type3A_171, %cond3A_172 : i32
      scf.if %cond3A_173 {
        %add3A_182 = arith.constant 3 : i32
        %add3A_183 = arith.addi %mul3A_117, %add3A_182 : i32
        %mul3A_184 = arith.constant 80 : i32
        %mul3A_185 = arith.muli %add3A_183, %mul3A_184 : i32
        %add3A_186 = arith.addi %mul3A_27, %mul3A_185 : i32
        %dma_start3A_187 = tpu.memref_slice %arg3[%add3A_186] : memref<640000xi32, #tpu.memory_space<hbm>> -> memref<80xi32, #tpu.memory_space<hbm>>
        %dma_start3A_188 = tpu.memref_slice %arg3[%add3A_186] : memref<640000xi32, #tpu.memory_space<hbm>> -> memref<80xi32, #tpu.memory_space<hbm>>
        tpu.enqueue_dma source(%dma_start3A_188 : memref<80xi32, #tpu.memory_space<hbm>>) target(%arg9 : memref<80xi32, #tpu.memory_space<vmem>>) target_semaphore(%arg16 : memref<!tpu.dma_semaphore, #tpu.memory_space<semaphore_mem>>)
      } else {
      }
      %add3A_174 = arith.constant 1 : i32
      %add3A_175 = arith.addi %mul3A_117, %add3A_174 : i32
      %dma_start3A_176 = arith.constant 0 : i32
      %dma_start3A_177 = tpu.memref_slice %arg10[%add3A_175, %dma_start3A_176] : memref<125x80xi32, #tpu.memory_space<vmem>> -> memref<1x80xi32, #tpu.memory_space<vmem>>
      %dma_start3A_178 = tpu.memref_squeeze %dma_start3A_177 : memref<1x80xi32, #tpu.memory_space<vmem>> -> memref<80xi32, #tpu.memory_space<vmem>>
      %dma_start3A_179 = arith.constant 0 : i32
      %dma_start3A_180 = arith.constant 0 : i32
      %dma_start3A_181 = tpu.memref_slice %arg7[%dma_start3A_179, %dma_start3A_180] : memref<10000x128xf32, #tpu.memory_space<vmem_shared>> -> memref<10000x128xf32, #tpu.memory_space<vmem_shared>>
      tpu.enqueue_indirect_dma source(%arg12 : memref<80x128xf32, #tpu.memory_space<vmem>>) target(%dma_start3A_181 : memref<10000x128xf32, #tpu.memory_space<vmem_shared>>) offsets(%dma_start3A_178 : memref<80xi32, #tpu.memory_space<vmem>>) semaphore(%arg20 : memref<!tpu.dma_semaphore, #tpu.memory_space<semaphore_mem>>) {add = true}
    }
    %scan3A_93 = arith.constant 62 : i32
    %dma_wait3A_94 = arith.constant 123 : i32
    %dma_wait3A_95 = arith.constant 0 : i32
    %dma_wait3A_96 = tpu.memref_slice %arg10[%dma_wait3A_94, %dma_wait3A_95] : memref<125x80xi32, #tpu.memory_space<vmem>> -> memref<1x80xi32, #tpu.memory_space<vmem>>
    %dma_wait3A_97 = tpu.memref_squeeze %dma_wait3A_96 : memref<1x80xi32, #tpu.memory_space<vmem>> -> memref<80xi32, #tpu.memory_space<vmem>>
    %dma_wait3A_98 = arith.constant 0 : i32
    %dma_wait3A_99 = arith.constant 0 : i32
    %dma_wait3A_100 = tpu.memref_slice %arg7[%dma_wait3A_98, %dma_wait3A_99] : memref<10000x128xf32, #tpu.memory_space<vmem_shared>> -> memref<10000x128xf32, #tpu.memory_space<vmem_shared>>
    tpu.wait_indirect_dma semaphore(%arg20 : memref<!tpu.dma_semaphore, #tpu.memory_space<semaphore_mem>>) src(%arg12 : memref<80x128xf32, #tpu.memory_space<vmem>>) dst(%dma_wait3A_100 : memref<10000x128xf32, #tpu.memory_space<vmem_shared>>)
    %dma_wait3A_101 = arith.constant 0 : i32
    %dma_wait3A_102 = arith.constant 0 : i32
    %dma_wait3A_103 = tpu.memref_slice %arg2[%dma_wait3A_101, %dma_wait3A_102] : memref<10000x128xf32, #tpu.memory_space<hbm>> -> memref<10000x128xf32, #tpu.memory_space<hbm>>
    tpu.wait_indirect_dma semaphore(%arg17 : memref<!tpu.dma_semaphore, #tpu.memory_space<semaphore_mem>>) src(%dma_wait3A_103 : memref<10000x128xf32, #tpu.memory_space<hbm>>) dst(%arg11 : memref<80x128xf32, #tpu.memory_space<vmem>>)
    %run_scoped3A_104 = arith.constant 124 : i32
    "tpu.region"() ({
      %run_scoped3A_115 = tpu.sem_alloc : memref<!tpu.dma_semaphore, #tpu.memory_space<semaphore_mem>>
      %dma_start3A_116 = arith.constant 0 : i32
      %dma_start3A_117 = tpu.memref_slice %arg10[%run_scoped3A_104, %dma_start3A_116] : memref<125x80xi32, #tpu.memory_space<vmem>> -> memref<1x80xi32, #tpu.memory_space<vmem>>
      %dma_start3A_118 = tpu.memref_squeeze %dma_start3A_117 : memref<1x80xi32, #tpu.memory_space<vmem>> -> memref<80xi32, #tpu.memory_space<vmem>>
      %dma_start3A_119 = arith.constant 0 : i32
      %dma_start3A_120 = arith.constant 0 : i32
      %dma_start3A_121 = tpu.memref_slice %arg7[%dma_start3A_119, %dma_start3A_120] : memref<10000x128xf32, #tpu.memory_space<vmem_shared>> -> memref<10000x128xf32, #tpu.memory_space<vmem_shared>>
      tpu.enqueue_indirect_dma source(%arg11 : memref<80x128xf32, #tpu.memory_space<vmem>>) target(%dma_start3A_121 : memref<10000x128xf32, #tpu.memory_space<vmem_shared>>) offsets(%dma_start3A_118 : memref<80xi32, #tpu.memory_space<vmem>>) semaphore(%run_scoped3A_115 : memref<!tpu.dma_semaphore, #tpu.memory_space<semaphore_mem>>) {add = true}
      %dma_wait3A_122 = arith.constant 0 : i32
      %dma_wait3A_123 = tpu.memref_slice %arg10[%run_scoped3A_104, %dma_wait3A_122] : memref<125x80xi32, #tpu.memory_space<vmem>> -> memref<1x80xi32, #tpu.memory_space<vmem>>
      %dma_wait3A_124 = tpu.memref_squeeze %dma_wait3A_123 : memref<1x80xi32, #tpu.memory_space<vmem>> -> memref<80xi32, #tpu.memory_space<vmem>>
      %dma_wait3A_125 = arith.constant 0 : i32
      %dma_wait3A_126 = arith.constant 0 : i32
      %dma_wait3A_127 = tpu.memref_slice %arg7[%dma_wait3A_125, %dma_wait3A_126] : memref<10000x128xf32, #tpu.memory_space<vmem_shared>> -> memref<10000x128xf32, #tpu.memory_space<vmem_shared>>
      tpu.wait_indirect_dma semaphore(%run_scoped3A_115 : memref<!tpu.dma_semaphore, #tpu.memory_space<semaphore_mem>>) src(%arg11 : memref<80x128xf32, #tpu.memory_space<vmem>>) dst(%dma_wait3A_127 : memref<10000x128xf32, #tpu.memory_space<vmem_shared>>)
      tpu.yield
    }) : () -> ()
    %barrier3A_105 = arith.constant 0 : index
    tpu.barrier barrier_id(%barrier3A_105)
    %mul3A_106 = arith.constant 624 : i32
    %mul3A_107 = arith.muli %arg1, %mul3A_106 : i32
    %mul3A_108 = arith.constant 624 : i32
    %mul3A_109 = arith.muli %arg1, %mul3A_108 : i32
    "tpu.region"() ({
      %run_scoped3A_115 = tpu.sem_alloc : memref<!tpu.dma_semaphore, #tpu.memory_space<semaphore_mem>>
      %dma_start3A_116 = arith.constant 0 : i32
      %dma_start3A_117 = tpu.memref_slice %arg5[%arg0, %mul3A_109, %dma_start3A_116] : memref<2x10000x128xf32, #tpu.memory_space<hbm>> -> memref<1x624x128xf32, #tpu.memory_space<hbm>>
      %dma_start3A_118 = tpu.memref_squeeze %dma_start3A_117 : memref<1x624x128xf32, #tpu.memory_space<hbm>> -> memref<624x128xf32, #tpu.memory_space<hbm>>
      %dma_start3A_119 = arith.constant 0 : i32
      %dma_start3A_120 = tpu.memref_slice %arg7[%mul3A_107, %dma_start3A_119] : memref<10000x128xf32, #tpu.memory_space<vmem_shared>> -> memref<624x128xf32, #tpu.memory_space<vmem_shared>>
      tpu.enqueue_dma source(%dma_start3A_120 : memref<624x128xf32, #tpu.memory_space<vmem_shared>>) target(%dma_start3A_118 : memref<624x128xf32, #tpu.memory_space<hbm>>) target_semaphore(%run_scoped3A_115 : memref<!tpu.dma_semaphore, #tpu.memory_space<semaphore_mem>>)
      %dma_wait3A_121 = arith.constant 0 : i32
      %dma_wait3A_122 = tpu.memref_slice %arg5[%arg0, %mul3A_109, %dma_wait3A_121] : memref<2x10000x128xf32, #tpu.memory_space<hbm>> -> memref<1x624x128xf32, #tpu.memory_space<hbm>>
      %dma_wait3A_123 = tpu.memref_squeeze %dma_wait3A_122 : memref<1x624x128xf32, #tpu.memory_space<hbm>> -> memref<624x128xf32, #tpu.memory_space<hbm>>
      %dma_wait3A_124 = arith.constant 0 : i32
      %dma_wait3A_125 = tpu.memref_slice %arg7[%mul3A_107, %dma_wait3A_124] : memref<10000x128xf32, #tpu.memory_space<vmem_shared>> -> memref<624x128xf32, #tpu.memory_space<vmem_shared>>
      tpu.wait_dma2 semaphore(%run_scoped3A_115 : memref<!tpu.dma_semaphore, #tpu.memory_space<semaphore_mem>>) src(%dma_wait3A_125 : memref<624x128xf32, #tpu.memory_space<vmem_shared>>) dst(%dma_wait3A_123 : memref<624x128xf32, #tpu.memory_space<hbm>>)
      tpu.yield
    }) : () -> ()
    %eq3A_110 = arith.constant 15 : i32
    %eq3A_111 = arith.cmpi eq, %arg1, %eq3A_110 : i32
    %convert_element_type3A_112 = arith.extui %eq3A_111 : i1 to i32
    %cond3A_113 = arith.constant 0 : i32
    %cond3A_114 = arith.cmpi ne, %convert_element_type3A_112, %cond3A_113 : i32
    scf.if %cond3A_114 {
      "tpu.region"() ({
        %run_scoped3A_115 = tpu.sem_alloc : memref<!tpu.dma_semaphore, #tpu.memory_space<semaphore_mem>>
        %dma_start3A_116 = arith.constant 9984 : i32
        %dma_start3A_117 = arith.constant 0 : i32
        %dma_start3A_118 = tpu.memref_slice %arg5[%arg0, %dma_start3A_116, %dma_start3A_117] : memref<2x10000x128xf32, #tpu.memory_space<hbm>> -> memref<1x16x128xf32, #tpu.memory_space<hbm>>
        %dma_start3A_119 = tpu.memref_squeeze %dma_start3A_118 : memref<1x16x128xf32, #tpu.memory_space<hbm>> -> memref<16x128xf32, #tpu.memory_space<hbm>>
        %dma_start3A_120 = arith.constant 9984 : i32
        %dma_start3A_121 = arith.constant 0 : i32
        %dma_start3A_122 = tpu.memref_slice %arg7[%dma_start3A_120, %dma_start3A_121] : memref<10000x128xf32, #tpu.memory_space<vmem_shared>> -> memref<16x128xf32, #tpu.memory_space<vmem_shared>>
        tpu.enqueue_dma source(%dma_start3A_122 : memref<16x128xf32, #tpu.memory_space<vmem_shared>>) target(%dma_start3A_119 : memref<16x128xf32, #tpu.memory_space<hbm>>) target_semaphore(%run_scoped3A_115 : memref<!tpu.dma_semaphore, #tpu.memory_space<semaphore_mem>>)
        %dma_wait3A_123 = arith.constant 9984 : i32
        %dma_wait3A_124 = arith.constant 0 : i32
        %dma_wait3A_125 = tpu.memref_slice %arg5[%arg0, %dma_wait3A_123, %dma_wait3A_124] : memref<2x10000x128xf32, #tpu.memory_space<hbm>> -> memref<1x16x128xf32, #tpu.memory_space<hbm>>
        %dma_wait3A_126 = tpu.memref_squeeze %dma_wait3A_125 : memref<1x16x128xf32, #tpu.memory_space<hbm>> -> memref<16x128xf32, #tpu.memory_space<hbm>>
        %dma_wait3A_127 = arith.constant 9984 : i32
        %dma_wait3A_128 = arith.constant 0 : i32
        %dma_wait3A_129 = tpu.memref_slice %arg7[%dma_wait3A_127, %dma_wait3A_128] : memref<10000x128xf32, #tpu.memory_space<vmem_shared>> -> memref<16x128xf32, #tpu.memory_space<vmem_shared>>
        tpu.wait_dma2 semaphore(%run_scoped3A_115 : memref<!tpu.dma_semaphore, #tpu.memory_space<semaphore_mem>>) src(%dma_wait3A_129 : memref<16x128xf32, #tpu.memory_space<vmem_shared>>) dst(%dma_wait3A_126 : memref<16x128xf32, #tpu.memory_space<hbm>>)
        tpu.yield
      }) : () -> ()
    } else {
    }
    return
  }
}

module attributes {stable_mosaic.version = 14 : i64} {
  func.func @_tc_layer_body(%arg0: i32, %arg1: memref<2000x128xf32, #tpu.memory_space<vmem>>, %arg2: memref<2x2000x128xf32, #tpu.memory_space<vmem>>, %arg3: memref<2x2000x16xf32, #tpu.memory_space<vmem>>, %arg4: memref<128x128xf32, #tpu.memory_space<vmem>>, %arg5: memref<1x128xf32, #tpu.memory_space<vmem>>, %arg6: memref<128x128xf32, #tpu.memory_space<vmem>>, %arg7: memref<2000x128xf32, #tpu.memory_space<vmem>>) attributes {dimension_semantics = [#tpu.dimension_semantics<arbitrary>], iteration_bounds = array<i64: 5>, scalar_prefetch = 0 : i64, scratch_operands = 0 : i64, tpu.core_type = #tpu.core_type<tc>, window_params = [{transform_indices = @transform_0, window_bounds = array<i64: 2000, 128>}, {transform_indices = @transform_1, window_bounds = array<i64: 2, 2000, 128>}, {transform_indices = @transform_2, window_bounds = array<i64: 2, 2000, 16>}, {pipeline_mode = #tpu.pipeline_mode<synchronous>, transform_indices = @transform_3, window_bounds = array<i64: 128, 128>}, {pipeline_mode = #tpu.pipeline_mode<synchronous>, transform_indices = @transform_4, window_bounds = array<i64: 1, 128>}, {pipeline_mode = #tpu.pipeline_mode<synchronous>, transform_indices = @transform_5, window_bounds = array<i64: 128, 128>}, {transform_indices = @transform_6, window_bounds = array<i64: 2000, 128>}]} {
    %get3A = arith.constant 0 : index
    %get3A_0 = arith.constant 0 : index
    %get3A_1 = arith.constant 0 : index
    %get3A_2 = vector.load %arg2[%get3A, %get3A_0, %get3A_1] : memref<2x2000x128xf32, #tpu.memory_space<vmem>>, vector<1x2000x128xf32>
    %get3A_3 = vector.shape_cast %get3A_2 : vector<1x2000x128xf32> to vector<2000x128xf32>
    %get3A_4 = arith.constant 1 : index
    %get3A_5 = arith.constant 0 : index
    %get3A_6 = arith.constant 0 : index
    %get3A_7 = vector.load %arg2[%get3A_4, %get3A_5, %get3A_6] : memref<2x2000x128xf32, #tpu.memory_space<vmem>>, vector<1x2000x128xf32>
    %get3A_8 = vector.shape_cast %get3A_7 : vector<1x2000x128xf32> to vector<2000x128xf32>
    %add3A = arith.addf %get3A_3, %get3A_8 : vector<2000x128xf32>
    %get3A_9 = arith.constant 0 : index
    %get3A_10 = arith.constant 0 : index
    %get3A_11 = arith.constant 0 : index
    %get3A_12 = vector.load %arg3[%get3A_9, %get3A_10, %get3A_11] : memref<2x2000x16xf32, #tpu.memory_space<vmem>>, vector<1x2000x16xf32>
    %get3A_13 = vector.shape_cast %get3A_12 : vector<1x2000x16xf32> to vector<2000x16xf32>
    %get3A_14 = arith.constant 1 : index
    %get3A_15 = arith.constant 0 : index
    %get3A_16 = arith.constant 0 : index
    %get3A_17 = vector.load %arg3[%get3A_14, %get3A_15, %get3A_16] : memref<2x2000x16xf32, #tpu.memory_space<vmem>>, vector<1x2000x16xf32>
    %get3A_18 = vector.shape_cast %get3A_17 : vector<1x2000x16xf32> to vector<2000x16xf32>
    %add3A_19 = arith.addf %get3A_13, %get3A_18 : vector<2000x16xf32>
    %slice3A = vector.extract_strided_slice %add3A_19 {offsets = [0, 0], sizes = [2000, 1], strides = [1, 1]} : vector<2000x16xf32> to vector<2000x1xf32>
    %max3A = arith.constant 1.000000e+00 : f32
    %max3A_20 = vector.broadcast %max3A : f32 to vector<2000x1xf32>
    %max3A_21 = arith.maximumf %slice3A, %max3A_20 : vector<2000x1xf32>
    %div3A = vector.broadcast %max3A_21 : vector<2000x1xf32> to vector<2000x128xf32>
    %div3A_22 = arith.divf %add3A, %div3A : vector<2000x128xf32>
    %get3A_23 = arith.constant 0 : index
    %get3A_24 = arith.constant 0 : index
    %get3A_25 = vector.load %arg4[%get3A_23, %get3A_24] : memref<128x128xf32, #tpu.memory_space<vmem>>, vector<128x128xf32>
    %dot_general3A = arith.constant dense<0.000000e+00> : vector<2000x128xf32>
    %dot_general3A_26 = tpu.matmul %div3A_22, %get3A_25, %dot_general3A {dimension_numbers = #tpu.dot_dimension_numbers<[1], [1], [0], [0], [0, 0, 1, 0], [], []>, transpose_lhs_hint = false} : vector<2000x128xf32>, vector<128x128xf32>, vector<2000x128xf32> -> vector<2000x128xf32>
    %get3A_27 = arith.constant 0 : index
    %get3A_28 = arith.constant 0 : index
    %get3A_29 = vector.load %arg5[%get3A_27, %get3A_28] : memref<1x128xf32, #tpu.memory_space<vmem>>, vector<1x128xf32>
    %add3A_30 = vector.broadcast %get3A_29 : vector<1x128xf32> to vector<2000x128xf32>
    %add3A_31 = arith.addf %dot_general3A_26, %add3A_30 : vector<2000x128xf32>
    %get3A_32 = arith.constant 0 : index
    %get3A_33 = arith.constant 0 : index
    %get3A_34 = vector.load %arg1[%get3A_32, %get3A_33] : memref<2000x128xf32, #tpu.memory_space<vmem>>, vector<2000x128xf32>
    %get3A_35 = arith.constant 0 : index
    %get3A_36 = arith.constant 0 : index
    %get3A_37 = vector.load %arg6[%get3A_35, %get3A_36] : memref<128x128xf32, #tpu.memory_space<vmem>>, vector<128x128xf32>
    %dot_general3A_38 = arith.constant dense<0.000000e+00> : vector<2000x128xf32>
    %dot_general3A_39 = tpu.matmul %get3A_34, %get3A_37, %dot_general3A_38 {dimension_numbers = #tpu.dot_dimension_numbers<[1], [1], [0], [0], [0, 0, 1, 0], [], []>, transpose_lhs_hint = false} : vector<2000x128xf32>, vector<128x128xf32>, vector<2000x128xf32> -> vector<2000x128xf32>
    %add3A_40 = arith.addf %add3A_31, %dot_general3A_39 : vector<2000x128xf32>
    %max3A_41 = arith.constant 0.000000e+00 : f32
    %max3A_42 = vector.broadcast %max3A_41 : f32 to vector<2000x128xf32>
    %max3A_43 = arith.maximumf %add3A_40, %max3A_42 : vector<2000x128xf32>
    %swap3A = arith.constant 0 : index
    %swap3A_44 = arith.constant 0 : index
    %swap3A_45 = vector.load %arg7[%swap3A, %swap3A_44] : memref<2000x128xf32, #tpu.memory_space<vmem>>, vector<2000x128xf32>
    tpu.vector_store %arg7[%swap3A, %swap3A_44], %max3A_43 {strides = array<i32>} : memref<2000x128xf32, #tpu.memory_space<vmem>>, vector<2000x128xf32>,
    return
  }
  func.func @transform_0(%arg0: i32) -> (i32, i32) {
    %c0_i32 = arith.constant 0 : i32
    %c0_i32_0 = arith.constant 0 : i32
    return %arg0, %c0_i32 : i32, i32
  }
  func.func @transform_1(%arg0: i32) -> (i32, i32, i32) {
    %c0_i32 = arith.constant 0 : i32
    %c0_i32_0 = arith.constant 0 : i32
    %c0_i32_1 = arith.constant 0 : i32
    return %c0_i32, %arg0, %c0_i32_0 : i32, i32, i32
  }
  func.func @transform_2(%arg0: i32) -> (i32, i32, i32) {
    %c0_i32 = arith.constant 0 : i32
    %c0_i32_0 = arith.constant 0 : i32
    %c0_i32_1 = arith.constant 0 : i32
    return %c0_i32, %arg0, %c0_i32_0 : i32, i32, i32
  }
  func.func @transform_3(%arg0: i32) -> (i32, i32) {
    %c0_i32 = arith.constant 0 : i32
    %c0_i32_0 = arith.constant 0 : i32
    %c0_i32_1 = arith.constant 0 : i32
    return %c0_i32, %c0_i32_0 : i32, i32
  }
  func.func @transform_4(%arg0: i32) -> (i32, i32) {
    %c0_i32 = arith.constant 0 : i32
    %c0_i32_0 = arith.constant 0 : i32
    %c0_i32_1 = arith.constant 0 : i32
    return %c0_i32, %c0_i32_0 : i32, i32
  }
  func.func @transform_5(%arg0: i32) -> (i32, i32) {
    %c0_i32 = arith.constant 0 : i32
    %c0_i32_0 = arith.constant 0 : i32
    %c0_i32_1 = arith.constant 0 : i32
    return %c0_i32, %c0_i32_0 : i32, i32
  }
  func.func @transform_6(%arg0: i32) -> (i32, i32) {
    %c0_i32 = arith.constant 0 : i32
    %c0_i32_0 = arith.constant 0 : i32
    return %arg0, %c0_i32 : i32, i32
  }
}

module attributes {stable_mosaic.version = 14 : i64} {
  func.func @_tc_final_body(%arg0: i32, %arg1: memref<2000x128xf32, #tpu.memory_space<vmem>>, %arg2: memref<2x2000x128xf32, #tpu.memory_space<vmem>>, %arg3: memref<2x2000x16xf32, #tpu.memory_space<vmem>>, %arg4: memref<1x1x2000xi32, #tpu.memory_space<vmem>>, %arg5: memref<128x128xf32, #tpu.memory_space<vmem>>, %arg6: memref<1x128xf32, #tpu.memory_space<vmem>>, %arg7: memref<128x128xf32, #tpu.memory_space<vmem>>, %arg8: memref<128x128xf32, #tpu.memory_space<vmem>>, %arg9: memref<1x128xf32, #tpu.memory_space<vmem>>, %arg10: memref<64x128xf32, #tpu.memory_space<vmem>>, %arg11: memref<64x128xf32, #tpu.memory_space<vmem>>, %arg12: memref<64x128xf32, #tpu.memory_space<vmem>>) attributes {dimension_semantics = [#tpu.dimension_semantics<arbitrary>], iteration_bounds = array<i64: 5>, scalar_prefetch = 0 : i64, scratch_operands = 2 : i64, tpu.core_type = #tpu.core_type<tc>, window_params = [{transform_indices = @transform_0, window_bounds = array<i64: 2000, 128>}, {transform_indices = @transform_1, window_bounds = array<i64: 2, 2000, 128>}, {transform_indices = @transform_2, window_bounds = array<i64: 2, 2000, 16>}, {transform_indices = @transform_3, window_bounds = array<i64: 1, 1, 2000>}, {pipeline_mode = #tpu.pipeline_mode<synchronous>, transform_indices = @transform_4, window_bounds = array<i64: 128, 128>}, {pipeline_mode = #tpu.pipeline_mode<synchronous>, transform_indices = @transform_5, window_bounds = array<i64: 1, 128>}, {pipeline_mode = #tpu.pipeline_mode<synchronous>, transform_indices = @transform_6, window_bounds = array<i64: 128, 128>}, {pipeline_mode = #tpu.pipeline_mode<synchronous>, transform_indices = @transform_7, window_bounds = array<i64: 128, 128>}, {pipeline_mode = #tpu.pipeline_mode<synchronous>, transform_indices = @transform_8, window_bounds = array<i64: 1, 128>}, {pipeline_mode = #tpu.pipeline_mode<synchronous>, transform_indices = @transform_9, window_bounds = array<i64: 64, 128>}]} {
    %get3A = arith.constant 0 : index
    %get3A_0 = arith.constant 0 : index
    %get3A_1 = arith.constant 0 : index
    %get3A_2 = vector.load %arg2[%get3A, %get3A_0, %get3A_1] : memref<2x2000x128xf32, #tpu.memory_space<vmem>>, vector<1x2000x128xf32>
    %get3A_3 = vector.shape_cast %get3A_2 : vector<1x2000x128xf32> to vector<2000x128xf32>
    %get3A_4 = arith.constant 1 : index
    %get3A_5 = arith.constant 0 : index
    %get3A_6 = arith.constant 0 : index
    %get3A_7 = vector.load %arg2[%get3A_4, %get3A_5, %get3A_6] : memref<2x2000x128xf32, #tpu.memory_space<vmem>>, vector<1x2000x128xf32>
    %get3A_8 = vector.shape_cast %get3A_7 : vector<1x2000x128xf32> to vector<2000x128xf32>
    %add3A = arith.addf %get3A_3, %get3A_8 : vector<2000x128xf32>
    %get3A_9 = arith.constant 0 : index
    %get3A_10 = arith.constant 0 : index
    %get3A_11 = arith.constant 0 : index
    %get3A_12 = vector.load %arg3[%get3A_9, %get3A_10, %get3A_11] : memref<2x2000x16xf32, #tpu.memory_space<vmem>>, vector<1x2000x16xf32>
    %get3A_13 = vector.shape_cast %get3A_12 : vector<1x2000x16xf32> to vector<2000x16xf32>
    %get3A_14 = arith.constant 1 : index
    %get3A_15 = arith.constant 0 : index
    %get3A_16 = arith.constant 0 : index
    %get3A_17 = vector.load %arg3[%get3A_14, %get3A_15, %get3A_16] : memref<2x2000x16xf32, #tpu.memory_space<vmem>>, vector<1x2000x16xf32>
    %get3A_18 = vector.shape_cast %get3A_17 : vector<1x2000x16xf32> to vector<2000x16xf32>
    %add3A_19 = arith.addf %get3A_13, %get3A_18 : vector<2000x16xf32>
    %slice3A = vector.extract_strided_slice %add3A_19 {offsets = [0, 0], sizes = [2000, 1], strides = [1, 1]} : vector<2000x16xf32> to vector<2000x1xf32>
    %max3A = arith.constant 1.000000e+00 : f32
    %max3A_20 = vector.broadcast %max3A : f32 to vector<2000x1xf32>
    %max3A_21 = arith.maximumf %slice3A, %max3A_20 : vector<2000x1xf32>
    %div3A = vector.broadcast %max3A_21 : vector<2000x1xf32> to vector<2000x128xf32>
    %div3A_22 = arith.divf %add3A, %div3A : vector<2000x128xf32>
    %get3A_23 = arith.constant 0 : index
    %get3A_24 = arith.constant 0 : index
    %get3A_25 = vector.load %arg5[%get3A_23, %get3A_24] : memref<128x128xf32, #tpu.memory_space<vmem>>, vector<128x128xf32>
    %dot_general3A = arith.constant dense<0.000000e+00> : vector<2000x128xf32>
    %dot_general3A_26 = tpu.matmul %div3A_22, %get3A_25, %dot_general3A {dimension_numbers = #tpu.dot_dimension_numbers<[1], [1], [0], [0], [0, 0, 1, 0], [], []>, transpose_lhs_hint = false} : vector<2000x128xf32>, vector<128x128xf32>, vector<2000x128xf32> -> vector<2000x128xf32>
    %get3A_27 = arith.constant 0 : index
    %get3A_28 = arith.constant 0 : index
    %get3A_29 = vector.load %arg6[%get3A_27, %get3A_28] : memref<1x128xf32, #tpu.memory_space<vmem>>, vector<1x128xf32>
    %add3A_30 = vector.broadcast %get3A_29 : vector<1x128xf32> to vector<2000x128xf32>
    %add3A_31 = arith.addf %dot_general3A_26, %add3A_30 : vector<2000x128xf32>
    %get3A_32 = arith.constant 0 : index
    %get3A_33 = arith.constant 0 : index
    %get3A_34 = vector.load %arg1[%get3A_32, %get3A_33] : memref<2000x128xf32, #tpu.memory_space<vmem>>, vector<2000x128xf32>
    %get3A_35 = arith.constant 0 : index
    %get3A_36 = arith.constant 0 : index
    %get3A_37 = vector.load %arg7[%get3A_35, %get3A_36] : memref<128x128xf32, #tpu.memory_space<vmem>>, vector<128x128xf32>
    %dot_general3A_38 = arith.constant dense<0.000000e+00> : vector<2000x128xf32>
    %dot_general3A_39 = tpu.matmul %get3A_34, %get3A_37, %dot_general3A_38 {dimension_numbers = #tpu.dot_dimension_numbers<[1], [1], [0], [0], [0, 0, 1, 0], [], []>, transpose_lhs_hint = false} : vector<2000x128xf32>, vector<128x128xf32>, vector<2000x128xf32> -> vector<2000x128xf32>
    %add3A_40 = arith.addf %add3A_31, %dot_general3A_39 : vector<2000x128xf32>
    %max3A_41 = arith.constant 0.000000e+00 : f32
    %max3A_42 = vector.broadcast %max3A_41 : f32 to vector<2000x128xf32>
    %max3A_43 = arith.maximumf %add3A_40, %max3A_42 : vector<2000x128xf32>
    %get3A_44 = arith.constant 0 : index
    %get3A_45 = arith.constant 0 : index
    %get3A_46 = arith.constant 0 : index
    %get3A_47 = vector.load %arg4[%get3A_44, %get3A_45, %get3A_46] : memref<1x1x2000xi32, #tpu.memory_space<vmem>>, vector<1x1x2000xi32>
    %get3A_48 = vector.shape_cast %get3A_47 : vector<1x1x2000xi32> to vector<1x2000xi32>
    %iota3A = tpu.iota {dimensions = array<i32: 0>} : vector<64x2000xi32>
    %eq3A = vector.broadcast %get3A_48 : vector<1x2000xi32> to vector<64x2000xi32>
    %eq3A_49 = arith.cmpi eq, %eq3A, %iota3A : vector<64x2000xi32>
    %convert_element_type3A = arith.extui %eq3A_49 : vector<64x2000xi1> to vector<64x2000xi32>
    %convert_element_type3A_50 = arith.sitofp %convert_element_type3A : vector<64x2000xi32> to vector<64x2000xf32>
    %dot_general3A_51 = arith.constant dense<0.000000e+00> : vector<64x128xf32>
    %dot_general3A_52 = tpu.matmul %convert_element_type3A_50, %max3A_43, %dot_general3A_51 {dimension_numbers = #tpu.dot_dimension_numbers<[1], [0], [0], [1], [0, 0, 1, 1], [], []>, transpose_lhs_hint = false} : vector<64x2000xf32>, vector<2000x128xf32>, vector<64x128xf32> -> vector<64x128xf32>
    %broadcast_in_dim3A = arith.constant 1.000000e+00 : f32
    %broadcast_in_dim3A_53 = vector.broadcast %broadcast_in_dim3A : f32 to vector<2000x128xf32>
    %dot_general3A_54 = arith.constant dense<0.000000e+00> : vector<64x128xf32>
    %dot_general3A_55 = tpu.matmul %convert_element_type3A_50, %broadcast_in_dim3A_53, %dot_general3A_54 {dimension_numbers = #tpu.dot_dimension_numbers<[1], [0], [0], [1], [0, 0, 1, 1], [], []>, transpose_lhs_hint = false} : vector<64x2000xf32>, vector<2000x128xf32>, vector<64x128xf32> -> vector<64x128xf32>
    %eq3A_56 = arith.constant 0 : i32
    %eq3A_57 = arith.cmpi eq, %arg0, %eq3A_56 : i32
    %convert_element_type3A_58 = arith.extui %eq3A_57 : i1 to i32
    %cond3A = arith.constant 0 : i32
    %cond3A_59 = arith.cmpi ne, %convert_element_type3A_58, %cond3A : i32
    scf.if %cond3A_59 {
      %swap3A = arith.constant 0 : index
      %swap3A_69 = arith.constant 0 : index
      %swap3A_70 = vector.load %arg11[%swap3A, %swap3A_69] : memref<64x128xf32, #tpu.memory_space<vmem>>, vector<64x128xf32>
      tpu.vector_store %arg11[%swap3A, %swap3A_69], %dot_general3A_52 {strides = array<i32>} : memref<64x128xf32, #tpu.memory_space<vmem>>, vector<64x128xf32>,
      %swap3A_71 = arith.constant 0 : index
      %swap3A_72 = arith.constant 0 : index
      %swap3A_73 = vector.load %arg12[%swap3A_71, %swap3A_72] : memref<64x128xf32, #tpu.memory_space<vmem>>, vector<64x128xf32>
      tpu.vector_store %arg12[%swap3A_71, %swap3A_72], %dot_general3A_55 {strides = array<i32>} : memref<64x128xf32, #tpu.memory_space<vmem>>, vector<64x128xf32>,
    } else {
    }
    %ne3A = arith.constant 0 : i32
    %ne3A_60 = arith.cmpi ne, %arg0, %ne3A : i32
    %convert_element_type3A_61 = arith.extui %ne3A_60 : i1 to i32
    %cond3A_62 = arith.constant 0 : i32
    %cond3A_63 = arith.cmpi ne, %convert_element_type3A_61, %cond3A_62 : i32
    scf.if %cond3A_63 {
      %get3A_69 = arith.constant 0 : index
      %get3A_70 = arith.constant 0 : index
      %get3A_71 = vector.load %arg11[%get3A_69, %get3A_70] : memref<64x128xf32, #tpu.memory_space<vmem>>, vector<64x128xf32>
      %add3A_72 = arith.addf %get3A_71, %dot_general3A_52 : vector<64x128xf32>
      %swap3A = arith.constant 0 : index
      %swap3A_73 = arith.constant 0 : index
      %swap3A_74 = vector.load %arg11[%swap3A, %swap3A_73] : memref<64x128xf32, #tpu.memory_space<vmem>>, vector<64x128xf32>
      tpu.vector_store %arg11[%swap3A, %swap3A_73], %add3A_72 {strides = array<i32>} : memref<64x128xf32, #tpu.memory_space<vmem>>, vector<64x128xf32>,
      %get3A_75 = arith.constant 0 : index
      %get3A_76 = arith.constant 0 : index
      %get3A_77 = vector.load %arg12[%get3A_75, %get3A_76] : memref<64x128xf32, #tpu.memory_space<vmem>>, vector<64x128xf32>
      %add3A_78 = arith.addf %get3A_77, %dot_general3A_55 : vector<64x128xf32>
      %swap3A_79 = arith.constant 0 : index
      %swap3A_80 = arith.constant 0 : index
      %swap3A_81 = vector.load %arg12[%swap3A_79, %swap3A_80] : memref<64x128xf32, #tpu.memory_space<vmem>>, vector<64x128xf32>
      tpu.vector_store %arg12[%swap3A_79, %swap3A_80], %add3A_78 {strides = array<i32>} : memref<64x128xf32, #tpu.memory_space<vmem>>, vector<64x128xf32>,
    } else {
    }
    %eq3A_64 = arith.constant 4 : i32
    %eq3A_65 = arith.cmpi eq, %arg0, %eq3A_64 : i32
    %convert_element_type3A_66 = arith.extui %eq3A_65 : i1 to i32
    %cond3A_67 = arith.constant 0 : i32
    %cond3A_68 = arith.cmpi ne, %convert_element_type3A_66, %cond3A_67 : i32
    scf.if %cond3A_68 {
      %get3A_69 = arith.constant 0 : index
      %get3A_70 = arith.constant 0 : index
      %get3A_71 = vector.load %arg11[%get3A_69, %get3A_70] : memref<64x128xf32, #tpu.memory_space<vmem>>, vector<64x128xf32>
      %get3A_72 = arith.constant 0 : index
      %get3A_73 = arith.constant 0 : index
      %get3A_74 = vector.load %arg12[%get3A_72, %get3A_73] : memref<64x128xf32, #tpu.memory_space<vmem>>, vector<64x128xf32>
      %max3A_75 = arith.constant 1.000000e+00 : f32
      %max3A_76 = vector.broadcast %max3A_75 : f32 to vector<64x128xf32>
      %max3A_77 = arith.maximumf %get3A_74, %max3A_76 : vector<64x128xf32>
      %div3A_78 = arith.divf %get3A_71, %max3A_77 : vector<64x128xf32>
      %get3A_79 = arith.constant 0 : index
      %get3A_80 = arith.constant 0 : index
      %get3A_81 = vector.load %arg8[%get3A_79, %get3A_80] : memref<128x128xf32, #tpu.memory_space<vmem>>, vector<128x128xf32>
      %dot_general3A_82 = arith.constant dense<0.000000e+00> : vector<64x128xf32>
      %dot_general3A_83 = tpu.matmul %div3A_78, %get3A_81, %dot_general3A_82 {dimension_numbers = #tpu.dot_dimension_numbers<[1], [1], [0], [0], [0, 0, 1, 0], [], []>, transpose_lhs_hint = false} : vector<64x128xf32>, vector<128x128xf32>, vector<64x128xf32> -> vector<64x128xf32>
      %get3A_84 = arith.constant 0 : index
      %get3A_85 = arith.constant 0 : index
      %get3A_86 = vector.load %arg9[%get3A_84, %get3A_85] : memref<1x128xf32, #tpu.memory_space<vmem>>, vector<1x128xf32>
      %add3A_87 = vector.broadcast %get3A_86 : vector<1x128xf32> to vector<64x128xf32>
      %add3A_88 = arith.addf %dot_general3A_83, %add3A_87 : vector<64x128xf32>
      %swap3A = arith.constant 0 : index
      %swap3A_89 = arith.constant 0 : index
      %swap3A_90 = vector.load %arg10[%swap3A, %swap3A_89] : memref<64x128xf32, #tpu.memory_space<vmem>>, vector<64x128xf32>
      tpu.vector_store %arg10[%swap3A, %swap3A_89], %add3A_88 {strides = array<i32>} : memref<64x128xf32, #tpu.memory_space<vmem>>, vector<64x128xf32>,
    } else {
    }
    return
  }
  func.func @transform_0(%arg0: i32) -> (i32, i32) {
    %c0_i32 = arith.constant 0 : i32
    %c0_i32_0 = arith.constant 0 : i32
    return %arg0, %c0_i32 : i32, i32
  }
  func.func @transform_1(%arg0: i32) -> (i32, i32, i32) {
    %c0_i32 = arith.constant 0 : i32
    %c0_i32_0 = arith.constant 0 : i32
    %c0_i32_1 = arith.constant 0 : i32
    return %c0_i32, %arg0, %c0_i32_0 : i32, i32, i32
  }
  func.func @transform_2(%arg0: i32) -> (i32, i32, i32) {
    %c0_i32 = arith.constant 0 : i32
    %c0_i32_0 = arith.constant 0 : i32
    %c0_i32_1 = arith.constant 0 : i32
    return %c0_i32, %arg0, %c0_i32_0 : i32, i32, i32
  }
  func.func @transform_3(%arg0: i32) -> (i32, i32, i32) {
    %c0_i32 = arith.constant 0 : i32
    %c0_i32_0 = arith.constant 0 : i32
    %c0_i32_1 = arith.constant 0 : i32
    return %arg0, %c0_i32, %c0_i32_0 : i32, i32, i32
  }
  func.func @transform_4(%arg0: i32) -> (i32, i32) {
    %c0_i32 = arith.constant 0 : i32
    %c0_i32_0 = arith.constant 0 : i32
    %c0_i32_1 = arith.constant 0 : i32
    return %c0_i32, %c0_i32_0 : i32, i32
  }
  func.func @transform_5(%arg0: i32) -> (i32, i32) {
    %c0_i32 = arith.constant 0 : i32
    %c0_i32_0 = arith.constant 0 : i32
    %c0_i32_1 = arith.constant 0 : i32
    return %c0_i32, %c0_i32_0 : i32, i32
  }
  func.func @transform_6(%arg0: i32) -> (i32, i32) {
    %c0_i32 = arith.constant 0 : i32
    %c0_i32_0 = arith.constant 0 : i32
    %c0_i32_1 = arith.constant 0 : i32
    return %c0_i32, %c0_i32_0 : i32, i32
  }
  func.func @transform_7(%arg0: i32) -> (i32, i32) {
    %c0_i32 = arith.constant 0 : i32
    %c0_i32_0 = arith.constant 0 : i32
    %c0_i32_1 = arith.constant 0 : i32
    return %c0_i32, %c0_i32_0 : i32, i32
  }
  func.func @transform_8(%arg0: i32) -> (i32, i32) {
    %c0_i32 = arith.constant 0 : i32
    %c0_i32_0 = arith.constant 0 : i32
    %c0_i32_1 = arith.constant 0 : i32
    return %c0_i32, %c0_i32_0 : i32, i32
  }
  func.func @transform_9(%arg0: i32) -> (i32, i32) {
    %c0_i32 = arith.constant 0 : i32
    %c0_i32_0 = arith.constant 0 : i32
    %c0_i32_1 = arith.constant 0 : i32
    return %c0_i32, %c0_i32_0 : i32, i32
  }
}

</mosaic_0001>

<sc_bundles>
// kernel: kernel.6.cloned.1.call-start
scs
__scs_entry_jumppad:
0x0: {  	(pc) =	sbr.rel $0x88, $3  }
0x1: {  	(tag) =	ssettag $0x0;
	lr =	simm.s32 $0x1  }
0x2: {  	[smem:$0x3F96] =	sst lr;
	_ =	strace $0xD0000000  }
0x3: {  	_ = 	snop  }
0x4: {  	_ = 	snop  }
0x5: {  	_ = 	snop  }
0x6: {  	_ = 	snop  }
0x7: {  	_ = 	snop  }
__scs_overlays_trampoline_lowered:
0x8: {  	[smem:$0x3FA5] =	sst s0  }
0x9: {  	[smem:$0x3FA6] =	sst s1  }
0xa: {  	[smem:$0x3FA7] =	sst s2  }
0xb: {  	[smem:$0x3FA8] =	sst s3  }
0xc: {  	[smem:$0x3FA9] =	sst s4  }
0xd: {  	[smem:$0x3FAA] =	sst s5  }
0xe: {  	[smem:$0x3FAB] =	sst s6  }
0xf: {  	[smem:$0x3FAC] =	sst s7  }
0x10: {  	[smem:$0x3FAD] =	sst s8  }
0x11: {  	[smem:$0x3FAE] =	sst s9;
	s0 =	simm.s32 @!p0 $0x0  }
0x12: {  	s1 =	sld [smem:$0x3F94];
	s0 =	simm.s32 @p0 $0x1  }
0x13: {  	[smem:$0x3FAF] =	sst s0;
	s0 =	simm.s32 @!p1 $0x0  }
0x14: {  	s2 =	sld [smem:$0x3F93];
	s0 =	simm.s32 @p1 $0x1  }
0x15: {  	[smem:$0x3FB0] =	sst s0;
	s0 =	simm.s32 @!p2 $0x0  }
0x16: {  	s3 =	sld [smem:$0x3FDB];
	s0 =	simm.s32 @p2 $0x1  }
0x17: {  	s4 =	simm.s32 $0x1BF5;
	[smem:$0x3FB2] =	sst s0  }
0x18: {  	s0 =	sld [smem:$0x3F95];
	_ =	swait.ge [sflag:s4], $0x0  }
0x19: {  	s7 =	sld [smem:$0x3F96]  }
0x1a: {  	s8 =	sadd.s32 $0xFFFFE003, lr  }
0x1b: {  	s9 =	sadd.s32 $0xFFFFFEF7, lr;
	s5 =	simm.s32 $0xFFFFFFFF;
	p2 =	slt.u32 s8, $0xFFFFF086  }
0x1c: {  	p1 =	slt.u32 s9, $0xF7A;
	s5 =	simm.s32 @!p2 $0x0  }
0x1d: {  	s5 =	simm.s32 @p1 $0x1;
	p0 =	seq.s32 s7, s2  }
0x1e: {  	s7 =	smul.u32 @!p0 $0xF7A, s2;
	p2 =	seq.s32 @!p0 s5, $0x0  }
0x1f: {  	s9 =	smul.u32 $0xF7A, s1;
	s8 =	simm.s32 @!p0 $0x1BF5;
	p2 =	por !p2, p0  }
0x20: {  	[sflag:s8] =	ssyncset.s32 @!p0 $0xFFFFF086;
	s6 =	sadd.s32 @!p0 s3, s7;
	s7 =	simm.s32 @!p0 $0x108  }
0x21: {  	s3 =	sadd.s32 s3, s9;
	s6 =	sadd.s32 @!p0 $0x88, s6;
	s7 =	simm.s32 @p2 $0x1082  }
0x22: {  	[simem:s7], [sflag:s8] =	dma.local @!p0 [hbm:s6], $0xF7A  }
0x23: {  	s9 =	sor.u32 $0xD0000000, s2;
	s6 =	simm.s32 $0x108;
	_ =	swait.ge @!p0 [sflag:s8], $0x0  }
0x24: {  	s3 =	sadd.s32 $0x88, s3;
	s6 =	simm.s32 @!p1 $0x1082;
	[sflag:s4] =	ssyncset.s32 $0xFFFFF086  }
0x25: {  	[simem:s6], [sflag:s4] =	dma.local [hbm:s3], $0xF7A  }
0x26: {  	[smem:$0x3F96] =	sst s1;
	(tag) =	ssettag s2;
	_ =	strace s9  }
0x27: {  	s1 =	sld [smem:$0x3FA6]  }
0x28: {  	s2 =	sld [smem:$0x3FA7]  }
0x29: {  	s4 =	sld [smem:$0x3FA9]  }
0x2a: {  	p0 =	seq.s32 s5, $0x0;
	s5 =	sld [smem:$0x3FAA]  }
0x2b: {  	s6 =	sld [smem:$0x3FAB]  }
0x2c: {  	s7 =	sld [smem:$0x3FAC]  }
0x2d: {  	s3 =	simm.s32 $0x108;
	s8 =	sld [smem:$0x3FAD]  }
0x2e: {  	s3 =	simm.s32 @!p0 $0x1082;
	s9 =	sld [smem:$0x3FAE]  }
0x2f: {  	lr =	sadd.s32 s0, s3;
	s0 =	sld [smem:$0x3FA5]  }
0x30: {  	s3 =	sld [smem:$0x3FA8]  }
0x31: {  	[smem:$0x3FB1] =	sst s10  }
0x32: {  	s10 =	sld [smem:$0x3FAF];
	_ =	sdelay $0x3  }
0x33: {  	p0 =	seq.s32 s10, $0x1;
	s10 =	sld [smem:$0x3FB1];
	_ =	sdelay $0x3  }
0x34: {  	[smem:$0x3FB1] =	sst s10  }
0x35: {  	s10 =	sld [smem:$0x3FB0];
	_ =	sdelay $0x3  }
0x36: {  	p1 =	seq.s32 s10, $0x1;
	s10 =	sld [smem:$0x3FB1];
	_ =	sdelay $0x3  }
0x37: {  	[smem:$0x3FB1] =	sst s10  }
0x38: {  	s10 =	sld [smem:$0x3FB2]  }
0x39: {  	_ = 	snop;
	(pc) =	sbr.ind lr, $3  }
0x3a: {  	_ = 	snop  }
0x3b: {  	_ = 	snop  }
0x3c: {  	p2 =	seq.s32 s10, $0x1;
	s10 =	sld [smem:$0x3FB1]  }
0x3d: {  	_ =	shalt  }
0x3e: {  	_ =	shalt  }
0x3f: {  	_ =	shalt  }
0x40: {  	_ =	shalt  }
0x41: {  	_ =	shalt  }
0x42: {  	_ =	shalt  }
0x43: {  	_ =	shalt  }
0x44: {  	_ =	shalt  }
0x45: {  	_ =	shalt  }
0x46: {  	_ =	shalt  }
0x47: {  	_ =	shalt  }
0x48: {  	_ =	shalt  }
0x49: {  	_ =	shalt  }
0x4a: {  	_ =	shalt  }
0x4b: {  	_ =	shalt  }
0x4c: {  	_ =	shalt  }
0x4d: {  	_ =	shalt  }
0x4e: {  	_ =	shalt  }
0x4f: {  	_ =	shalt  }
0x50: {  	_ =	shalt  }
0x51: {  	_ =	shalt  }
0x52: {  	_ =	shalt  }
0x53: {  	_ =	shalt  }
0x54: {  	_ =	shalt  }
0x55: {  	_ =	shalt  }
0x56: {  	_ =	shalt  }
0x57: {  	_ =	shalt  }
0x58: {  	_ =	shalt  }
0x59: {  	_ =	shalt  }
0x5a: {  	_ =	shalt  }
0x5b: {  	_ =	shalt  }
0x5c: {  	_ =	shalt  }
0x5d: {  	_ =	shalt  }
0x5e: {  	_ =	shalt  }
0x5f: {  	_ =	shalt  }
0x60: {  	_ =	shalt  }
0x61: {  	_ =	shalt  }
0x62: {  	_ =	shalt  }
0x63: {  	_ =	shalt  }
0x64: {  	_ =	shalt  }
0x65: {  	_ =	shalt  }
0x66: {  	_ =	shalt  }
0x67: {  	_ =	shalt  }
0x68: {  	_ =	shalt  }
0x69: {  	_ =	shalt  }
0x6a: {  	_ =	shalt  }
0x6b: {  	_ =	shalt  }
0x6c: {  	_ =	shalt  }
0x6d: {  	_ =	shalt  }
0x6e: {  	_ =	shalt  }
0x6f: {  	_ =	shalt  }
0x70: {  	_ =	shalt  }
0x71: {  	_ =	shalt  }
0x72: {  	_ =	shalt  }
0x73: {  	_ =	shalt  }
0x74: {  	_ =	shalt  }
0x75: {  	_ =	shalt  }
0x76: {  	_ =	shalt  }
0x77: {  	_ =	shalt  }
0x78: {  	_ =	shalt  }
0x79: {  	_ =	shalt  }
0x7a: {  	_ =	shalt  }
0x7b: {  	_ =	shalt  }
0x7c: {  	_ =	shalt  }
0x7d: {  	_ =	shalt  }
0x7e: {  	_ =	shalt  }
0x7f: {  	_ =	shalt  }
0x80: {  	_ =	shalt  }
0x81: {  	_ =	shalt  }
0x82: {  	_ =	shalt  }
0x83: {  	_ =	shalt  }
0x84: {  	_ =	shalt  }
0x85: {  	_ =	shalt  }
0x86: {  	_ =	shalt  }
0x87: {  	_ =	shalt  }
.Lfunc_end0:
.L_simem_size_0:
called_computation_lowered:
.L_overlay_start_0:
0x88: {  	s2 =	sld [smem:$0x3FD9]  }
0x89: {  	s3 =	sld [smem:$0x3FFE];
	_ =	sdelay $0x1  }
0x8a: {  	s1 =	srdreg.scid  }
0x8b: {  	s0 =	sand.u32 $0x1, s1  }
0x8c: {  	s17 =	sshll.u32 s0, $0xA;
	s2 =	sadd.s32 s3, s2  }
0x8d: {  	s2 =	sadd.s32 s2, s17  }
0x8e: {  	[smem:$0x3FBD] =	sst s2  }
0x8f: {  	_ = 	snop  }
0x90: {  	s2 =	sld [smem:$0x3FC9];
	(tm) =	ssettm $0x1  }
0x91: {  	s18 =	sld [smem:$0x3FFB];
	_ =	sdelay $0x3  }
0x92: {  	_ =	strace s18  }
0x93: {  	s3 =	sld [smem:$0x3FFC];
	_ =	sdelay $0x3  }
0x94: {  	_ =	strace s3  }
0x95: {  	s3 =	sld [smem:$0x3FFD];
	_ =	sdelay $0x3  }
0x96: {  	_ =	strace s3  }
0x97: {  	_ =	strace $0x8FFFFFFF  }
0x98: {  	s19 =	sld [smem:$0x3FDB];
	_ =	sdelay $0x1  }
0x99: {  	s4 =	simm.s32 $_scs_section_size  }
0x9a: {  	s5 =	simm.s32 $_size__tile_overlayer_lowered;
	s6 =	simm.s32 $_tile_overlayer_lowered  }
0x9b: {  	s22 =	simm.s32 $0x1BFF;
	s21 =	sshll.u32 s6, $0x1;
	s3 =	sadd.s32 s4, s19  }
0x9c: {  	s7 =	simm.s32 $0x0;
	s20 =	sshll.u32 s5, $0x1;
	s5 =	sadd.s32 s21, s3  }
0x9d: {  	[timem:s7], [sflag:s22] =	dma.local [hbm:s5], s20  }
0x9e: {  	_ =	swait.ge [sflag:s22], s20  }
0x9f: {  	s4 =	ssub.s32 $0x0, s20;
	[sflag:s22] =	ssyncset.done $0x0  }
0xa0: {  	[sflag:s22] =	ssyncadd.s32 s4;
	_ =	sdelay $0x1  }
0xa1: {  	s23 =	simm.s32 $0x1B8B  }
0xa2: {  	_ =	swait.ge [sflag:s23], $0x1  }
0xa3: {  	[sflag:s23] =	ssyncset.done $0x0  }
0xa4: {  	s25 =	simm.s32 $0x1B8E;
	s24 =	sld [smem:$0x3FFE];
	[sflag:s23] =	ssyncadd.s32 $0xFFFFFFFF  }
0xa5: {  	s26 =	simm.s32 $execute0_lowered;
	[smem:$0x3FD2] =	sst s25  }
0xa6: {  	s5 =	sshll.u32 s26, $0x1;
	_ =	strace $0x80000046;
	[dreg:$0x1] =	wrdreg $0xFFFFFFFF  }
0xa7: {  	s28 =	simm.s32 $_size_execute0_lowered;
	s3 =	sadd.s32 s3, s5;
	[dreg:$0x0] =	wrdreg $0x0  }
0xa8: {  	s5 =	sshll.u32 s28, $0x1;
	[dreg:$0x2] =	wrdreg s3  }
0xa9: {  	[dreg:$0x3] =	wrdreg s5  }
0xaa: {  	[dreg:$0x4] =	wrdreg $0xC0  }
0xab: {  	_ =	task [dreg:s7], $0x5FFFF  }
0xac: {  	[dreg:$0x1] =	wrdreg $0xFFFFFFFF  }
0xad: {  	[dreg:$0x0] =	wrdreg $0x60  }
0xae: {  	[dreg:$0x2] =	wrdreg s2  }
0xaf: {  	[dreg:$0x3] =	wrdreg s24  }
0xb0: {  	[dreg:$0x4] =	wrdreg $0x0  }
0xb1: {  	[dreg:$0x5] =	wrdreg $0x9  }
0xb2: {  	_ =	task.clear_ibuf [dreg:s7], $0x6FFFF;
	_ =	strace $0x90000046  }
0xb3: {  	s29 =	simm.s32 $0x9;
	_ =	strace $0x80000048  }
0xb4: {  	_ =	swait.ge [sflag:s29], $0x1  }
0xb5: {  	[sflag:s29] =	ssyncadd.s32 $0xFFFFFFFF  }
0xb6: {  	_ =	strace $0x90000048  }
0xb7: {  	_ =	sfence  }
0xb8: {  	s30 =	sld [smem:$0x0];
	_ =	sdelay $0x2  }
0xb9: {  	s31 =	sshll.u32 s1, $0xD;
	s1 =	sshrl.u32 s1, $0x2  }
0xba: {  	s3 =	sand.u32 $0x4000, s31;
	s1 =	sadd.s32 s1, s30  }
0xbb: {  	s0 =	sor.u32 s3, s0;
	s1 =	sshll.u32 s1, $0x11  }
0xbc: {  	s0 =	sor.u32 s1, s0  }
0xbd: {  	s0 =	sadd.s32 $0x8F2B, s0  }
0xbe: {  	[sflag:s0] =	ssyncadd.remote.s32 $0x1  }
0xbf: {  	_ =	sfence.sel $0xFFFF  }
0xc0: {  	[dreg:$0x0] =	wrdreg $0xFFFFFFFF;
	(pc) =	sbr.abs _section_cstart, $3  }
0xc1: {  	[dreg:$0x1] =	wrdreg $0xFFFFFFFF  }
0xc2: {  	_ =	task.clear_ibuf [dreg:s7], $0x2FFFF;
	_ =	strace $0x9FFFFFFF  }
0xc3: {  	(tm) =	ssettm $0x7FFFFFFF  }
tec
execute0_lowered:
.L_overlay_start_1:
0x0: {  	(tag) =	ssettag $0x1  }
0x1: {  	s1 =	rddreg [dreg:$0x0]  }
0x2: {  	s0 =	rddreg [dreg:$0x1];
	s2 =	srdreg.scid  }
0x3: {  	s14 =	stileid.u32;
	s3 =	rddreg [dreg:$0x2]  }
0x4: {  	s4 =	simm.s32 $0x0;
	s2 =	sand.u32 $0x1, s2;
	s5 =	sshll.u32 s14, $0x1  }
0x5: {  	[smem:$0x7FF] =	sst s4;
	s7 =	sor.u32 s2, s5  }
0x6: {  	s6 =	smul.u32 $0x4E000, s14;
	s15 =	ssub.s32 $0x2, s2;
	s5 =	sshll.u32 s7, $0xB  }
0x7: {  	_ =	strace $0x80000047;
	s11 =	sshrl.u32 s15, $0x1;
	s9 =	sadd.s32 s5, s0  }
0x8: {  	s16 =	sshrl.u32 s6, $0x2;
	s11 =	ssub.s32 s15, s11;
	s9 =	sadd.s32 $0x13000, s9  }
0x9: {  	s5 =	sadd.s32 s16, s3;
	s23 =	smax.u32 s11, $0x1;
	[dreg:$0x4] =	wrdreg s9  }
0xa: {  	s10 =	sadd.s32 $0x36A00, s0;
	s24 =	sadd.s32 $0x1000, s5;
	[dreg:$0xb] =	wrdreg s23  }
0xb: {  	s13 =	smul.u32 $0x13800, s14;
	s25 =	sadd.s32 $0x1800, s5;
	[dreg:$0xc] =	wrdreg s24  }
0xc: {  	s12 =	smul.u32 $0x138800, s2;
	s26 =	sadd.s32 $0x2000, s5;
	[dreg:$0xd] =	wrdreg s25  }
0xd: {  	s21 =	smul.u32 $0x4E20, s14;
	s29 =	sadd.s32 $0x2800, s5;
	[dreg:$0xe] =	wrdreg s26  }
0xe: {  	s17 =	sadd.s32 s13, s12;
	s13 =	sadd.s32 $0x4000, s5;
	[dreg:$0xf] =	wrdreg s29  }
0xf: {  	p0 =	sne.s32 s14, $0xF;
	s15 =	sadd.s32 $0x4800, s5;
	[dreg:$0x12] =	wrdreg s13  }
0x10: {  	s12 =	sshrl.u32 s12, $0x3;
	s16 =	sadd.s32 $0x5000, s5;
	[dreg:$0x13] =	wrdreg s15  }
0x11: {  	s12 =	sadd.s32 $0x27000, s12;
	s14 =	sadd.s32 $0xD800, s5;
	[dreg:$0x14] =	wrdreg s16  }
0x12: {  	s22 =	sadd.s32 s10, s12;
	[smem:$0x7F2] =	sst s14  }
0x13: {  	s9 =	sshrl.u32 s17, $0x3;
	s17 =	sadd.s32 $0x5800, s5;
	[dreg:$0xa] =	wrdreg s22  }
0x14: {  	s25 =	sadd.s32 $0x8800, s5;
	[dreg:$0x15] =	wrdreg s17  }
0x15: {  	s26 =	sadd.s32 $0x9000, s5;
	[dreg:$0x1b] =	wrdreg s25  }
0x16: {  	s29 =	sadd.s32 $0x9800, s5;
	[dreg:$0x1c] =	wrdreg s26  }
0x17: {  	s7 =	smul.u32 $0x2710, s7;
	s13 =	sadd.s32 $0xD000, s5;
	[dreg:$0x1d] =	wrdreg s29  }
0x18: {  	s8 =	sadd.s32 $0x23000, s0;
	s15 =	sadd.s32 $0xE000, s5;
	[smem:$0x7F1] =	sst s13  }
0x19: {  	s7 =	sshrl.u32 s7, $0x3;
	s16 =	sadd.s32 $0xE800, s5;
	[smem:$0x7F3] =	sst s15  }
0x1a: {  	s0 =	sadd.s32 $0x84C00, s0;
	s7 =	sadd.s32 s8, s7;
	[smem:$0x7F4] =	sst s16  }
0x1b: {  	s18 =	sadd.s32 s0, s9;
	[dreg:$0x7] =	wrdreg s7  }
0x1c: {  	s0 =	sadd.s32 s0, s12;
	[dreg:$0x5] =	wrdreg s18  }
0x1d: {  	s19 =	sadd.s32 $0xA, s7;
	[dreg:$0x6] =	wrdreg s0  }
0x1e: {  	s2 =	smul.u32 $0x2710, s2;
	s20 =	sadd.s32 s10, s9;
	[dreg:$0x8] =	wrdreg s19  }
0x1f: {  	s6 =	sadd.s32 $0x138000, s3;
	s10 =	sadd.s32 $0x3000, s5;
	[dreg:$0x9] =	wrdreg s20  }
0x20: {  	s28 =	sadd.s32 $0x800, s5;
	s12 =	sadd.s32 $0x3800, s5;
	[dreg:$0x10] =	wrdreg s10  }
0x21: {  	s30 =	sadd.s32 $0x12800, s5;
	s22 =	sadd.s32 $0x8000, s5;
	[dreg:$0x11] =	wrdreg s12  }
0x22: {  	s31 =	sadd.s32 $0x13000, s5;
	s9 =	sadd.s32 $0xB000, s5;
	[dreg:$0x1a] =	wrdreg s22  }
0x23: {  	s14 =	simm.s32 $0x13900;
	s17 =	sadd.s32 $0xF000, s5;
	[smem:$0x7ED] =	sst s9  }
0x24: {  	s25 =	sadd.s32 $0x12000, s5;
	s26 =	sadd.s32 $0x14, s7;
	[smem:$0x7F5] =	sst s17  }
0x25: {  	s29 =	sadd.s32 $0x1E, s7;
	s7 =	simm.s32 $0x8;
	[smem:$0x7FB] =	sst s25  }
0x26: {  	s13 =	simm.s32 $0x2;
	s15 =	simm.s32 $0x1A180;
	[smem:$0x7FC] =	sst s26  }
0x27: {  	s16 =	simm.s32 $0x4;
	s18 =	sadd.s32 $0x6000, s5;
	[smem:$0x7FD] =	sst s29  }
0x28: {  	s0 =	sadd.s32 s2, s21;
	s19 =	sadd.s32 $0x6800, s5;
	[dreg:$0x16] =	wrdreg s18  }
0x29: {  	s20 =	sadd.s32 $0x7000, s5;
	s21 =	sadd.s32 $0x7800, s5;
	[dreg:$0x17] =	wrdreg s19  }
0x2a: {  	s10 =	sadd.s32 $0xB800, s5;
	s12 =	sadd.s32 $0xC800, s5;
	[dreg:$0x18] =	wrdreg s20  }
0x2b: {  	s22 =	sadd.s32 $0x11800, s5;
	s9 =	simm.s32 $0x17980;
	[dreg:$0x19] =	wrdreg s21  }
0x2c: {  	s17 =	simm.s32 $0x5;
	s11 =	sadd.s32 $0x190, s0;
	[smem:$0x7EE] =	sst s10  }
0x2d: {  	s0 =	sadd.s32 $0x140, s0;
	[smem:$0x7F0] =	sst s12;
	s18 =	sadd.s32 $0xF800, s5  }
0x2e: {  	s19 =	sadd.s32 $0x10000, s5;
	s20 =	sadd.s32 $0x10800, s5;
	[smem:$0x7FA] =	sst s22  }
0x2f: {  	s21 =	sadd.s32 $0x11000, s5;
	s12 =	simm.s32 $0x13880;
	[smem:$0x7F6] =	sst s18  }
0x30: {  	s10 =	simm.s32 $0x3;
	s2 =	sshrl.u32 s11, $0x3;
	[smem:$0x7F7] =	sst s19  }
0x31: {  	s0 =	sshrl.u32 s0, $0x3;
	s11 =	sadd.s32 $0xC000, s5;
	[smem:$0x7F8] =	sst s20  }
.Ltmp0:
0x32: {  	[smem:$0x7F9] =	sst s21;
	s18 =	simm.s32 $0x7;
	(pc) =	sbr.rel .LBB2_1-.Ltmp0, $4  }
0x33: {  	s19 =	simm.s32 $0x0;
	s23 =	sadd.s32 s2, s8;
	s24 =	sadd.s32 s0, s8  }
0x34: {  	s2 =	sadd.s32 $0xA000, s5;
	s8 =	sadd.s32 $0xA800, s5;
	[smem:$0x7EF] =	sst s11  }
0x35: {  	s0 =	simm.s32 $0x1;
	s11 =	simm.s32 $0x6;
	[dreg:$0x1e] =	wrdreg s2  }
0x36: {  	v0 =	vimm.f32 $0.0e+00;
	v1 =	vimm.f32 $1.000000000e+00;
	[dreg:$0x1f] =	wrdreg s8;
	s2 =	simm.s32 $0x1C980;
	s8 =	simm.s32 $0x50  }
.LBB2_14:
0x37: {  	[spmem:s3] =	stream.indirect.scatter.add.f32 [tilespmem:s15], [sflag:$0x7], $0x80, s26, s8, $0xb8;
	[tilespmem:$0x1D180] =	vst v63  }
0x38: {  	_ =	swait.ge [sflag:s18], $0x2800  }
0x39: {  	[sflag:s18] =	ssyncset.done $0x0  }
0x3a: {  	[sflag:s18] =	ssyncadd.s32 $0xFFFFD800  }
0x3b: {  	_ =	swait.ge [sflag:s16], $0x2800  }
0x3c: {  	[sflag:s16] =	ssyncset.done $0x0  }
0x3d: {  	s25 =	simm.s32 $0x17780;
	[sflag:s16] =	ssyncadd.s32 $0xFFFFD800  }
0x3e: {  	[spmem:s3] =	stream.indirect.scatter.add.f32 [tilespmem:s9], [sflag:$0x8], $0x80, s25, s8, $0xb8;
	[tilespmem:$0x1D180] =	vst v63  }
0x3f: {  	_ =	swait.ge [sflag:s7], $0x2800  }
0x40: {  	[sflag:s7] =	ssyncset.done $0x0  }
0x41: {  	[sflag:s7] =	ssyncadd.s32 $0xFFFFD800  }
0x42: {  	[bflag:$0x0] =	sbarrier.arrive $0xFFFF  }
0x43: {  	s26 =	rddreg [dreg:$0x9]  }
0x44: {  	[hbm:s26], [sflag:s20] =	dma.local [spmem:s21], $0x2700  }
0x45: {  	_ =	swait.ge [sflag:s7], $0x2700  }
0x46: {  	[sflag:s7] =	ssyncset.done $0x0  }
0x47: {  	s21 =	rddreg [dreg:$0xa];
	[sflag:s7] =	ssyncadd.s32 $0xFFFFD900  }
0x48: {  	[hbm:s21], [sflag:s20] =	dma.local @!p0 [spmem:s22], $0x100  }
0x49: {  	s20 =	simm.s32 @!p0 $0x8  }
0x4a: {  	_ =	swait.ge @!p0 [sflag:s20], $0x100  }
0x4b: {  	s19 =	sadd.s32 $0x1, s19;
	s26 =	rddreg [dreg:$0xb]  }
0x4c: {  	p1 =	sne.s32 s19, s26  }
.Ltmp1:
0x4d: {  	_ = 	snop;
	(pc) =	sbr.rel @!p1 .LBB2_15-.Ltmp1, $3  }
0x4e: {  	_ =	sdelay $0x1  }
0x4f: {  	[sflag:s20] =	ssyncset.done @!p0 $0x0  }
0x50: {  	s28 =	smov.u32 s29;
	[sflag:s20] =	ssyncadd.s32 @!p0 $0xFFFFFF00  }
.LBB2_1:
0x51: {  	s20 =	sand.u32 $0x1E00, s4  }
0x52: {  	s21 =	sand.u32 $0x70, s4;
	s22 =	sshrl.u32 s20, $0x2  }
0x53: {  	s20 =	simm.s32 $0x40;
	s22 =	sor.u32 s21, s22;
	s21 =	simm.s32 $0x0  }
.LBB2_2:
0x54: {  	p1 =	sne.s32 s20, $0x1FC0  }
0x55: {  	[tilespmem:s22+$0x1C980] =	vst v0;
	s21 =	sadd.s32 $0x10, s21;
	s22 =	smov.u32 s20;
	s20 =	sadd.s32 $0x40, s20  }
.Ltmp2:
0x56: {  	(pc) =	sbr.rel @p1 .LBB2_2-.Ltmp2, $4  }
0x57: {  	_ = 	snop  }
0x58: {  	s22 =	sand.u32 $0x1E00, s22  }
0x59: {  	s25 =	sand.u32 $0x70, s21;
	s22 =	sshrl.u32 s22, $0x2  }
0x5a: {  	s22 =	sor.u32 s25, s22  }
0x5b: {  	[tilespmem:s22+$0x1C980] =	vst v0  }
0x5c: {  	[spmem:s5] =	stream.linear.scatter [tilespmem:s2], [sflag:$0x1], $0x800, $0x38;
	[tilespmem:$0x1D180] =	vst v63  }
0x5d: {  	s20 =	rddreg [dreg:$0xc]  }
0x5e: {  	[spmem:s28] =	stream.linear.scatter [tilespmem:s2], [sflag:$0x1], $0x800, $0x38;
	[tilespmem:$0x1D180] =	vst v63  }
0x5f: {  	s22 =	rddreg [dreg:$0xd]  }
0x60: {  	[spmem:s20] =	stream.linear.scatter [tilespmem:s2], [sflag:$0x1], $0x800, $0x38;
	[tilespmem:$0x1D180] =	vst v63  }
0x61: {  	s25 =	rddreg [dreg:$0xe]  }
0x62: {  	[spmem:s22] =	stream.linear.scatter [tilespmem:s2], [sflag:$0x1], $0x800, $0x38;
	[tilespmem:$0x1D180] =	vst v63  }
0x63: {  	s26 =	rddreg [dreg:$0xf]  }
0x64: {  	[spmem:s25] =	stream.linear.scatter [tilespmem:s2], [sflag:$0x1], $0x800, $0x38;
	[tilespmem:$0x1D180] =	vst v63  }
0x65: {  	s29 =	rddreg [dreg:$0x10]  }
0x66: {  	[spmem:s26] =	stream.linear.scatter [tilespmem:s2], [sflag:$0x1], $0x800, $0x38;
	[tilespmem:$0x1D180] =	vst v63  }
0x67: {  	s21 =	rddreg [dreg:$0x11]  }
0x68: {  	[spmem:s29] =	stream.linear.scatter [tilespmem:s2], [sflag:$0x1], $0x800, $0x38;
	[tilespmem:$0x1D180] =	vst v63  }
0x69: {  	s22 =	rddreg [dreg:$0x12]  }
0x6a: {  	[spmem:s21] =	stream.linear.scatter [tilespmem:s2], [sflag:$0x1], $0x800, $0x38;
	[tilespmem:$0x1D180] =	vst v63  }
0x6b: {  	s25 =	rddreg [dreg:$0x13]  }
0x6c: {  	[spmem:s22] =	stream.linear.scatter [tilespmem:s2], [sflag:$0x1], $0x800, $0x38;
	[tilespmem:$0x1D180] =	vst v63  }
0x6d: {  	s26 =	rddreg [dreg:$0x14]  }
0x6e: {  	[spmem:s25] =	stream.linear.scatter [tilespmem:s2], [sflag:$0x1], $0x800, $0x38;
	[tilespmem:$0x1D180] =	vst v63  }
0x6f: {  	s29 =	rddreg [dreg:$0x15]  }
0x70: {  	[spmem:s26] =	stream.linear.scatter [tilespmem:s2], [sflag:$0x1], $0x800, $0x38;
	[tilespmem:$0x1D180] =	vst v63  }
0x71: {  	s21 =	rddreg [dreg:$0x16]  }
0x72: {  	[spmem:s29] =	stream.linear.scatter [tilespmem:s2], [sflag:$0x1], $0x800, $0x38;
	[tilespmem:$0x1D180] =	vst v63  }
0x73: {  	s22 =	rddreg [dreg:$0x17]  }
0x74: {  	[spmem:s21] =	stream.linear.scatter [tilespmem:s2], [sflag:$0x1], $0x800, $0x38;
	[tilespmem:$0x1D180] =	vst v63  }
0x75: {  	s25 =	rddreg [dreg:$0x18]  }
0x76: {  	[spmem:s22] =	stream.linear.scatter [tilespmem:s2], [sflag:$0x1], $0x800, $0x38;
	[tilespmem:$0x1D180] =	vst v63  }
0x77: {  	s26 =	rddreg [dreg:$0x19]  }
0x78: {  	[spmem:s25] =	stream.linear.scatter [tilespmem:s2], [sflag:$0x1], $0x800, $0x38;
	[tilespmem:$0x1D180] =	vst v63  }
0x79: {  	s29 =	rddreg [dreg:$0x1a]  }
0x7a: {  	[spmem:s26] =	stream.linear.scatter [tilespmem:s2], [sflag:$0x1], $0x800, $0x38;
	[tilespmem:$0x1D180] =	vst v63  }
0x7b: {  	s21 =	rddreg [dreg:$0x1b]  }
0x7c: {  	[spmem:s29] =	stream.linear.scatter [tilespmem:s2], [sflag:$0x1], $0x800, $0x38;
	[tilespmem:$0x1D180] =	vst v63  }
0x7d: {  	s22 =	rddreg [dreg:$0x1c]  }
0x7e: {  	[spmem:s21] =	stream.linear.scatter [tilespmem:s2], [sflag:$0x1], $0x800, $0x38;
	[tilespmem:$0x1D180] =	vst v63  }
0x7f: {  	s25 =	rddreg [dreg:$0x1d]  }
0x80: {  	[spmem:s22] =	stream.linear.scatter [tilespmem:s2], [sflag:$0x1], $0x800, $0x38;
	[tilespmem:$0x1D180] =	vst v63  }
0x81: {  	s26 =	rddreg [dreg:$0x1e]  }
0x82: {  	[spmem:s25] =	stream.linear.scatter [tilespmem:s2], [sflag:$0x1], $0x800, $0x38;
	[tilespmem:$0x1D180] =	vst v63  }
0x83: {  	s29 =	rddreg [dreg:$0x1f]  }
0x84: {  	[spmem:s26] =	stream.linear.scatter [tilespmem:s2], [sflag:$0x1], $0x800, $0x38;
	[tilespmem:$0x1D180] =	vst v63  }
0x85: {  	s21 =	sld [smem:$0x7ED]  }
0x86: {  	[spmem:s29] =	stream.linear.scatter [tilespmem:s2], [sflag:$0x1], $0x800, $0x38;
	[tilespmem:$0x1D180] =	vst v63  }
0x87: {  	s22 =	sld [smem:$0x7EE]  }
0x88: {  	[spmem:s21] =	stream.linear.scatter [tilespmem:s2], [sflag:$0x1], $0x800, $0x38;
	[tilespmem:$0x1D180] =	vst v63  }
0x89: {  	s25 =	sld [smem:$0x7EF]  }
0x8a: {  	[spmem:s22] =	stream.linear.scatter [tilespmem:s2], [sflag:$0x1], $0x800, $0x38;
	[tilespmem:$0x1D180] =	vst v63  }
0x8b: {  	s26 =	sld [smem:$0x7F0]  }
0x8c: {  	[spmem:s25] =	stream.linear.scatter [tilespmem:s2], [sflag:$0x1], $0x800, $0x38;
	[tilespmem:$0x1D180] =	vst v63  }
0x8d: {  	s29 =	sld [smem:$0x7F1]  }
0x8e: {  	[spmem:s26] =	stream.linear.scatter [tilespmem:s2], [sflag:$0x1], $0x800, $0x38;
	[tilespmem:$0x1D180] =	vst v63  }
0x8f: {  	s21 =	sld [smem:$0x7F2]  }
0x90: {  	[spmem:s29] =	stream.linear.scatter [tilespmem:s2], [sflag:$0x1], $0x800, $0x38;
	[tilespmem:$0x1D180] =	vst v63  }
0x91: {  	s22 =	sld [smem:$0x7F3]  }
0x92: {  	[spmem:s21] =	stream.linear.scatter [tilespmem:s2], [sflag:$0x1], $0x800, $0x38;
	[tilespmem:$0x1D180] =	vst v63  }
0x93: {  	s25 =	sld [smem:$0x7F4]  }
0x94: {  	[spmem:s22] =	stream.linear.scatter [tilespmem:s2], [sflag:$0x1], $0x800, $0x38;
	[tilespmem:$0x1D180] =	vst v63  }
0x95: {  	s26 =	sld [smem:$0x7F5]  }
0x96: {  	[spmem:s25] =	stream.linear.scatter [tilespmem:s2], [sflag:$0x1], $0x800, $0x38;
	[tilespmem:$0x1D180] =	vst v63  }
0x97: {  	s29 =	sld [smem:$0x7F6]  }
0x98: {  	[spmem:s26] =	stream.linear.scatter [tilespmem:s2], [sflag:$0x1], $0x800, $0x38;
	[tilespmem:$0x1D180] =	vst v63  }
0x99: {  	s21 =	sld [smem:$0x7F7]  }
0x9a: {  	[spmem:s29] =	stream.linear.scatter [tilespmem:s2], [sflag:$0x1], $0x800, $0x38;
	[tilespmem:$0x1D180] =	vst v63  }
0x9b: {  	s22 =	sld [smem:$0x7F8]  }
0x9c: {  	[spmem:s21] =	stream.linear.scatter [tilespmem:s2], [sflag:$0x1], $0x800, $0x38;
	[tilespmem:$0x1D180] =	vst v63  }
0x9d: {  	s25 =	sld [smem:$0x7F9]  }
0x9e: {  	[spmem:s22] =	stream.linear.scatter [tilespmem:s2], [sflag:$0x1], $0x800, $0x38;
	[tilespmem:$0x1D180] =	vst v63  }
0x9f: {  	s26 =	sld [smem:$0x7FA]  }
0xa0: {  	[spmem:s25] =	stream.linear.scatter [tilespmem:s2], [sflag:$0x1], $0x800, $0x38;
	[tilespmem:$0x1D180] =	vst v63  }
0xa1: {  	s29 =	sld [smem:$0x7FB]  }
0xa2: {  	[spmem:s26] =	stream.linear.scatter [tilespmem:s2], [sflag:$0x1], $0x800, $0x38;
	[tilespmem:$0x1D180] =	vst v63  }
0xa3: {  	_ = 	snop  }
0xa4: {  	[spmem:s29] =	stream.linear.scatter [tilespmem:s2], [sflag:$0x1], $0x800, $0x38;
	[tilespmem:$0x1D180] =	vst v63  }
0xa5: {  	_ = 	snop  }
0xa6: {  	[spmem:s30] =	stream.linear.scatter [tilespmem:s2], [sflag:$0x1], $0x800, $0x38;
	[tilespmem:$0x1D180] =	vst v63  }
0xa7: {  	_ = 	snop  }
0xa8: {  	[spmem:s31] =	stream.linear.scatter [tilespmem:s2], [sflag:$0x1], $0x800, $0x38;
	[tilespmem:$0x1D180] =	vst v63  }
0xa9: {  	s20 =	simm.s32 @!p0 $0x1C980  }
0xaa: {  	[spmem:s6] =	stream.linear.scatter @!p0 [tilespmem:s20], [sflag:$0x1], $0x800, $0x38;
	[tilespmem:$0x1D180] =	vst v63  }
0xab: {  	_ =	swait.ge [sflag:s0], $0x800  }
0xac: {  	s20 =	simm.s32 $0x26;
	[sflag:s0] =	ssyncset.done $0x0  }
.LBB2_4:
0xad: {  	p1 =	sne.s32 s20, $0x1;
	s20 =	sadd.s32 $0xFFFFFFFF, s20;
	[sflag:s0] =	ssyncadd.s32 $0xFFFFF800  }
.Ltmp3:
0xae: {  	(pc) =	sbr.rel @p1 .LBB2_4-.Ltmp3, $3  }
0xaf: {  	_ =	sdelay $0x1  }
0xb0: {  	_ =	swait.ge [sflag:s0], $0x800  }
0xb1: {  	[sflag:s0] =	ssyncset.done $0x0  }
0xb2: {  	[sflag:s0] =	ssyncadd.s32 $0xFFFFF800;
	s20 =	simm.s32 @!p0 $0x1  }
0xb3: {  	_ =	swait.ge @!p0 [sflag:s20], $0x800  }
0xb4: {  	s22 =	simm.s32 $0x13980;
	[sflag:s20] =	ssyncset.done @!p0 $0x0  }
0xb5: {  	s21 =	rddreg [dreg:$0x4];
	[sflag:s20] =	ssyncadd.s32 @!p0 $0xFFFFF800;
	s20 =	simm.s32 $0x0  }
0xb6: {  	[tilespmem:s22], [sflag:$0x8] =	stream.linear.gather [hbm4b:s21+s20], $0x3E80, $0x38;
	[tilespmem:$0x1D180] =	vst v63  }
0xb7: {  	s26 =	sand.u32 $0xFE00, s20;
	_ =	swait.ge [sflag:s7], $0x3E80  }
0xb8: {  	s29 =	sand.u32 $0x70, s20;
	s25 =	sshrl.u32 s26, $0x2;
	[sflag:s7] =	ssyncset.done $0x0  }
0xb9: {  	s21 =	simm.s32 $0x40;
	s22 =	sor.u32 s29, s25;
	[sflag:s7] =	ssyncadd.s32 $0xFFFFC180  }
.LBB2_6:
0xba: {  	p1 =	sne.s32 s21, $0x9FC0  }
0xbb: {  	[tilespmem:s22+$0x17980] =	vst v1;
	s20 =	sadd.s32 $0x10, s20;
	s22 =	smov.u32 s21;
	s21 =	sadd.s32 $0x40, s21  }
.Ltmp4:
0xbc: {  	(pc) =	sbr.rel @p1 .LBB2_6-.Ltmp4, $4  }
0xbd: {  	_ = 	snop  }
0xbe: {  	s22 =	sand.u32 $0xFE00, s22  }
0xbf: {  	s25 =	sand.u32 $0x70, s20;
	s22 =	sshrl.u32 s22, $0x2  }
0xc0: {  	s22 =	sor.u32 s25, s22  }
0xc1: {  	[tilespmem:s22+$0x17980] =	vst v1  }
0xc2: {  	s20 =	simm.s32 $0x13980;
	[bflag:$0x0] =	sbarrier.arrive $0xFFFF  }
0xc3: {  	[spmem:s3] =	stream.indirect.scatter.add.f32 [tilespmem:s9], [sflag:$0x6], $0x80, s20, s8, $0xb8;
	[tilespmem:$0x1D180] =	vst v63  }
0xc4: {  	s22 =	simm.s32 $0x13A00  }
0xc5: {  	[spmem:s3] =	stream.indirect.scatter.add.f32 [tilespmem:s9], [sflag:$0x6], $0x80, s22, s8, $0xb8;
	[tilespmem:$0x1D180] =	vst v63  }
0xc6: {  	s25 =	simm.s32 $0x13A80  }
0xc7: {  	[spmem:s3] =	stream.indirect.scatter.add.f32 [tilespmem:s9], [sflag:$0x6], $0x80, s25, s8, $0xb8;
	[tilespmem:$0x1D180] =	vst v63  }
0xc8: {  	s26 =	simm.s32 $0x13B00  }
0xc9: {  	[spmem:s3] =	stream.indirect.scatter.add.f32 [tilespmem:s9], [sflag:$0x6], $0x80, s26, s8, $0xb8;
	[tilespmem:$0x1D180] =	vst v63  }
0xca: {  	s29 =	simm.s32 $0x13B80  }
0xcb: {  	[spmem:s3] =	stream.indirect.scatter.add.f32 [tilespmem:s9], [sflag:$0x6], $0x80, s29, s8, $0xb8;
	[tilespmem:$0x1D180] =	vst v63  }
0xcc: {  	_ =	swait.ge [sflag:s11], $0x2800  }
0xcd: {  	[sflag:s11] =	ssyncset.done $0x0  }
0xce: {  	[sflag:s11] =	ssyncadd.s32 $0xFFFFD800  }
0xcf: {  	_ =	swait.ge [sflag:s11], $0x2800  }
0xd0: {  	[sflag:s11] =	ssyncset.done $0x0  }
0xd1: {  	[sflag:s11] =	ssyncadd.s32 $0xFFFFD800  }
0xd2: {  	_ =	swait.ge [sflag:s11], $0x2800  }
0xd3: {  	[sflag:s11] =	ssyncset.done $0x0  }
0xd4: {  	[sflag:s11] =	ssyncadd.s32 $0xFFFFD800  }
0xd5: {  	_ =	swait.ge [sflag:s11], $0x2800  }
0xd6: {  	[sflag:s11] =	ssyncset.done $0x0  }
0xd7: {  	[sflag:s11] =	ssyncadd.s32 $0xFFFFD800  }
0xd8: {  	_ =	swait.ge [sflag:s11], $0x2800  }
0xd9: {  	s21 =	simm.s32 $0x1400;
	s20 =	simm.s32 $0x280;
	[sflag:s11] =	ssyncset.done $0x0  }
.LBB2_8:
0xda: {  	s22 =	sadd.s32 $0x13980, s20  }
0xdb: {  	[sflag:s11] =	ssyncadd.s32 $0xFFFFD800;
	s25 =	smov.u32 s21;
	s26 =	sadd.s32 $0xA00, s21  }
0xdc: {  	[spmem:s3] =	stream.indirect.scatter.add.f32 [tilespmem:s9], [sflag:$0x6], $0x80, s22, s8, $0xb8;
	[tilespmem:$0x1D180] =	vst v63  }
0xdd: {  	p1 =	sne.s32 s21, $0xF000;
	s21 =	sadd.s32 $0x13A00, s20  }
0xde: {  	[spmem:s3] =	stream.indirect.scatter.add.f32 [tilespmem:s9], [sflag:$0x6], $0x80, s21, s8, $0xb8;
	[tilespmem:$0x1D180] =	vst v63  }
0xdf: {  	s21 =	sadd.s32 $0x13A80, s20  }
0xe0: {  	[spmem:s3] =	stream.indirect.scatter.add.f32 [tilespmem:s9], [sflag:$0x6], $0x80, s21, s8, $0xb8;
	[tilespmem:$0x1D180] =	vst v63  }
0xe1: {  	s21 =	sadd.s32 $0x13B00, s20  }
0xe2: {  	[spmem:s3] =	stream.indirect.scatter.add.f32 [tilespmem:s9], [sflag:$0x6], $0x80, s21, s8, $0xb8;
	[tilespmem:$0x1D180] =	vst v63  }
0xe3: {  	s20 =	sadd.s32 $0x13B80, s20  }
0xe4: {  	[spmem:s3] =	stream.indirect.scatter.add.f32 [tilespmem:s9], [sflag:$0x6], $0x80, s20, s8, $0xb8;
	[tilespmem:$0x1D180] =	vst v63  }
0xe5: {  	_ =	swait.ge [sflag:s11], $0x2800  }
0xe6: {  	[sflag:s11] =	ssyncset.done $0x0  }
0xe7: {  	[sflag:s11] =	ssyncadd.s32 $0xFFFFD800  }
0xe8: {  	_ =	swait.ge [sflag:s11], $0x2800  }
0xe9: {  	[sflag:s11] =	ssyncset.done $0x0  }
0xea: {  	[sflag:s11] =	ssyncadd.s32 $0xFFFFD800  }
0xeb: {  	_ =	swait.ge [sflag:s11], $0x2800  }
0xec: {  	[sflag:s11] =	ssyncset.done $0x0  }
0xed: {  	[sflag:s11] =	ssyncadd.s32 $0xFFFFD800  }
.Ltmp5:
0xee: {  	_ =	swait.ge [sflag:s11], $0x2800;
	(pc) =	sbr.rel @p1 .LBB2_8-.Ltmp5, $4  }
0xef: {  	[sflag:s11] =	ssyncset.done $0x0  }
0xf0: {  	[sflag:s11] =	ssyncadd.s32 $0xFFFFD800  }
0xf1: {  	_ =	swait.ge [sflag:s11], $0x2800  }
0xf2: {  	s21 =	smov.u32 s26;
	s20 =	sshra.s32 s25, $0x2;
	[sflag:s11] =	ssyncset.done $0x0  }
0xf3: {  	s21 =	sadd.s32 $0x13980, s20;
	[sflag:s11] =	ssyncadd.s32 $0xFFFFD800  }
0xf4: {  	[spmem:s3] =	stream.indirect.scatter.add.f32 [tilespmem:s9], [sflag:$0x6], $0x80, s21, s8, $0xb8;
	[tilespmem:$0x1D180] =	vst v63  }
0xf5: {  	s25 =	sadd.s32 $0x13A00, s20  }
0xf6: {  	[spmem:s3] =	stream.indirect.scatter.add.f32 [tilespmem:s9], [sflag:$0x6], $0x80, s25, s8, $0xb8;
	[tilespmem:$0x1D180] =	vst v63  }
0xf7: {  	s26 =	sadd.s32 $0x13A80, s20  }
0xf8: {  	[spmem:s3] =	stream.indirect.scatter.add.f32 [tilespmem:s9], [sflag:$0x6], $0x80, s26, s8, $0xb8;
	[tilespmem:$0x1D180] =	vst v63  }
0xf9: {  	s22 =	sadd.s32 $0x13B00, s20  }
0xfa: {  	[spmem:s3] =	stream.indirect.scatter.add.f32 [tilespmem:s9], [sflag:$0x6], $0x80, s22, s8, $0xb8;
	[tilespmem:$0x1D180] =	vst v63  }
0xfb: {  	s25 =	sadd.s32 $0x13B80, s20  }
0xfc: {  	[spmem:s3] =	stream.indirect.scatter.add.f32 [tilespmem:s9], [sflag:$0x6], $0x80, s25, s8, $0xb8;
	[tilespmem:$0x1D180] =	vst v63  }
0xfd: {  	_ =	swait.ge [sflag:s11], $0x2800  }
0xfe: {  	[sflag:s11] =	ssyncset.done $0x0  }
0xff: {  	[sflag:s11] =	ssyncadd.s32 $0xFFFFD800  }
0x100: {  	_ =	swait.ge [sflag:s11], $0x2800  }
0x101: {  	[sflag:s11] =	ssyncset.done $0x0  }
0x102: {  	[sflag:s11] =	ssyncadd.s32 $0xFFFFD800  }
0x103: {  	_ =	swait.ge [sflag:s11], $0x2800  }
0x104: {  	[sflag:s11] =	ssyncset.done $0x0  }
0x105: {  	[sflag:s11] =	ssyncadd.s32 $0xFFFFD800  }
0x106: {  	_ =	swait.ge [sflag:s11], $0x2800  }
0x107: {  	[sflag:s11] =	ssyncset.done $0x0  }
0x108: {  	[sflag:s11] =	ssyncadd.s32 $0xFFFFD800  }
0x109: {  	_ =	swait.ge [sflag:s11], $0x2800  }
0x10a: {  	[sflag:s11] =	ssyncset.done $0x0  }
0x10b: {  	s26 =	stileid.u32;
	[sflag:s11] =	ssyncadd.s32 $0xFFFFD800  }
0x10c: {  	s20 =	sshll.u32 s26, $0x6;
	[bflag:$0x0] =	sbarrier.arrive $0xFFFF  }
0x10d: {  	s21 =	sshrl.u32 s5, $0x3;
	s20 =	sor.u32 $0x1C08, s20;
	s22 =	rddreg [dreg:$0x5]  }
0x10e: {  	[hbm:s22], [sflag:s20] =	dma.local [spmem:s21], $0x2700  }
0x10f: {  	_ =	swait.ge [sflag:s7], $0x2700  }
0x110: {  	[sflag:s7] =	ssyncset.done $0x0  }
0x111: {  	s22 =	sshrl.u32 @!p0 s6, $0x3;
	s25 =	rddreg [dreg:$0x6];
	[sflag:s7] =	ssyncadd.s32 $0xFFFFD900  }
0x112: {  	[hbm:s25], [sflag:s20] =	dma.local @!p0 [spmem:s22], $0x100  }
0x113: {  	s25 =	simm.s32 @!p0 $0x8  }
0x114: {  	_ =	swait.ge @!p0 [sflag:s25], $0x100  }
0x115: {  	[sflag:s25] =	ssyncset.done @!p0 $0x0  }
0x116: {  	[sflag:s25] =	ssyncadd.s32 @!p0 $0xFFFFFF00  }
0x117: {  	[spmem:s5] =	stream.linear.scatter [tilespmem:s2], [sflag:$0x1], $0x800, $0x38;
	[tilespmem:$0x1D180] =	vst v63  }
0x118: {  	s26 =	rddreg [dreg:$0xd]  }
0x119: {  	[spmem:s28] =	stream.linear.scatter [tilespmem:s2], [sflag:$0x1], $0x800, $0x38;
	[tilespmem:$0x1D180] =	vst v63  }
0x11a: {  	s29 =	smov.u32 s28;
	s28 =	rddreg [dreg:$0xc]  }
0x11b: {  	[spmem:s28] =	stream.linear.scatter [tilespmem:s2], [sflag:$0x1], $0x800, $0x38;
	[tilespmem:$0x1D180] =	vst v63  }
0x11c: {  	s28 =	rddreg [dreg:$0xe]  }
0x11d: {  	[spmem:s26] =	stream.linear.scatter [tilespmem:s2], [sflag:$0x1], $0x800, $0x38;
	[tilespmem:$0x1D180] =	vst v63  }
0x11e: {  	s26 =	rddreg [dreg:$0xf]  }
0x11f: {  	[spmem:s28] =	stream.linear.scatter [tilespmem:s2], [sflag:$0x1], $0x800, $0x38;
	[tilespmem:$0x1D180] =	vst v63  }
0x120: {  	s28 =	rddreg [dreg:$0x10]  }
0x121: {  	[spmem:s26] =	stream.linear.scatter [tilespmem:s2], [sflag:$0x1], $0x800, $0x38;
	[tilespmem:$0x1D180] =	vst v63  }
0x122: {  	s26 =	rddreg [dreg:$0x11]  }
0x123: {  	[spmem:s28] =	stream.linear.scatter [tilespmem:s2], [sflag:$0x1], $0x800, $0x38;
	[tilespmem:$0x1D180] =	vst v63  }
0x124: {  	s28 =	rddreg [dreg:$0x12]  }
0x125: {  	[spmem:s26] =	stream.linear.scatter [tilespmem:s2], [sflag:$0x1], $0x800, $0x38;
	[tilespmem:$0x1D180] =	vst v63  }
0x126: {  	s26 =	rddreg [dreg:$0x13]  }
0x127: {  	[spmem:s28] =	stream.linear.scatter [tilespmem:s2], [sflag:$0x1], $0x800, $0x38;
	[tilespmem:$0x1D180] =	vst v63  }
0x128: {  	s28 =	rddreg [dreg:$0x14]  }
0x129: {  	[spmem:s26] =	stream.linear.scatter [tilespmem:s2], [sflag:$0x1], $0x800, $0x38;
	[tilespmem:$0x1D180] =	vst v63  }
0x12a: {  	s26 =	rddreg [dreg:$0x15]  }
0x12b: {  	[spmem:s28] =	stream.linear.scatter [tilespmem:s2], [sflag:$0x1], $0x800, $0x38;
	[tilespmem:$0x1D180] =	vst v63  }
0x12c: {  	s28 =	rddreg [dreg:$0x16]  }
0x12d: {  	[spmem:s26] =	stream.linear.scatter [tilespmem:s2], [sflag:$0x1], $0x800, $0x38;
	[tilespmem:$0x1D180] =	vst v63  }
0x12e: {  	s26 =	rddreg [dreg:$0x17]  }
0x12f: {  	[spmem:s28] =	stream.linear.scatter [tilespmem:s2], [sflag:$0x1], $0x800, $0x38;
	[tilespmem:$0x1D180] =	vst v63  }
0x130: {  	s28 =	rddreg [dreg:$0x18]  }
0x131: {  	[spmem:s26] =	stream.linear.scatter [tilespmem:s2], [sflag:$0x1], $0x800, $0x38;
	[tilespmem:$0x1D180] =	vst v63  }
0x132: {  	s26 =	rddreg [dreg:$0x19]  }
0x133: {  	[spmem:s28] =	stream.linear.scatter [tilespmem:s2], [sflag:$0x1], $0x800, $0x38;
	[tilespmem:$0x1D180] =	vst v63  }
0x134: {  	s28 =	rddreg [dreg:$0x1a]  }
0x135: {  	[spmem:s26] =	stream.linear.scatter [tilespmem:s2], [sflag:$0x1], $0x800, $0x38;
	[tilespmem:$0x1D180] =	vst v63  }
0x136: {  	s26 =	rddreg [dreg:$0x1b]  }
0x137: {  	[spmem:s28] =	stream.linear.scatter [tilespmem:s2], [sflag:$0x1], $0x800, $0x38;
	[tilespmem:$0x1D180] =	vst v63  }
0x138: {  	s28 =	rddreg [dreg:$0x1c]  }
0x139: {  	[spmem:s26] =	stream.linear.scatter [tilespmem:s2], [sflag:$0x1], $0x800, $0x38;
	[tilespmem:$0x1D180] =	vst v63  }
0x13a: {  	s26 =	rddreg [dreg:$0x1d]  }
0x13b: {  	[spmem:s28] =	stream.linear.scatter [tilespmem:s2], [sflag:$0x1], $0x800, $0x38;
	[tilespmem:$0x1D180] =	vst v63  }
0x13c: {  	s28 =	rddreg [dreg:$0x1e]  }
0x13d: {  	[spmem:s26] =	stream.linear.scatter [tilespmem:s2], [sflag:$0x1], $0x800, $0x38;
	[tilespmem:$0x1D180] =	vst v63  }
0x13e: {  	s26 =	rddreg [dreg:$0x1f]  }
0x13f: {  	[spmem:s28] =	stream.linear.scatter [tilespmem:s2], [sflag:$0x1], $0x800, $0x38;
	[tilespmem:$0x1D180] =	vst v63  }
0x140: {  	s28 =	sld [smem:$0x7ED]  }
0x141: {  	[spmem:s26] =	stream.linear.scatter [tilespmem:s2], [sflag:$0x1], $0x800, $0x38;
	[tilespmem:$0x1D180] =	vst v63  }
0x142: {  	s26 =	sld [smem:$0x7EE]  }
0x143: {  	[spmem:s28] =	stream.linear.scatter [tilespmem:s2], [sflag:$0x1], $0x800, $0x38;
	[tilespmem:$0x1D180] =	vst v63  }
0x144: {  	s28 =	sld [smem:$0x7EF]  }
0x145: {  	[spmem:s26] =	stream.linear.scatter [tilespmem:s2], [sflag:$0x1], $0x800, $0x38;
	[tilespmem:$0x1D180] =	vst v63  }
0x146: {  	s26 =	sld [smem:$0x7F0]  }
0x147: {  	[spmem:s28] =	stream.linear.scatter [tilespmem:s2], [sflag:$0x1], $0x800, $0x38;
	[tilespmem:$0x1D180] =	vst v63  }
0x148: {  	s28 =	sld [smem:$0x7F1]  }
0x149: {  	[spmem:s26] =	stream.linear.scatter [tilespmem:s2], [sflag:$0x1], $0x800, $0x38;
	[tilespmem:$0x1D180] =	vst v63  }
0x14a: {  	s26 =	sld [smem:$0x7F2]  }
0x14b: {  	[spmem:s28] =	stream.linear.scatter [tilespmem:s2], [sflag:$0x1], $0x800, $0x38;
	[tilespmem:$0x1D180] =	vst v63  }
0x14c: {  	s28 =	sld [smem:$0x7F3]  }
0x14d: {  	[spmem:s26] =	stream.linear.scatter [tilespmem:s2], [sflag:$0x1], $0x800, $0x38;
	[tilespmem:$0x1D180] =	vst v63  }
0x14e: {  	s26 =	sld [smem:$0x7F4]  }
0x14f: {  	[spmem:s28] =	stream.linear.scatter [tilespmem:s2], [sflag:$0x1], $0x800, $0x38;
	[tilespmem:$0x1D180] =	vst v63  }
0x150: {  	s28 =	sld [smem:$0x7F5]  }
0x151: {  	[spmem:s26] =	stream.linear.scatter [tilespmem:s2], [sflag:$0x1], $0x800, $0x38;
	[tilespmem:$0x1D180] =	vst v63  }
0x152: {  	s26 =	sld [smem:$0x7F6]  }
0x153: {  	[spmem:s28] =	stream.linear.scatter [tilespmem:s2], [sflag:$0x1], $0x800, $0x38;
	[tilespmem:$0x1D180] =	vst v63  }
0x154: {  	s28 =	sld [smem:$0x7F7]  }
0x155: {  	[spmem:s26] =	stream.linear.scatter [tilespmem:s2], [sflag:$0x1], $0x800, $0x38;
	[tilespmem:$0x1D180] =	vst v63  }
0x156: {  	s26 =	sld [smem:$0x7F8]  }
0x157: {  	[spmem:s28] =	stream.linear.scatter [tilespmem:s2], [sflag:$0x1], $0x800, $0x38;
	[tilespmem:$0x1D180] =	vst v63  }
0x158: {  	s28 =	sld [smem:$0x7F9]  }
0x159: {  	[spmem:s26] =	stream.linear.scatter [tilespmem:s2], [sflag:$0x1], $0x800, $0x38;
	[tilespmem:$0x1D180] =	vst v63  }
0x15a: {  	s26 =	sld [smem:$0x7FA]  }
0x15b: {  	[spmem:s28] =	stream.linear.scatter [tilespmem:s2], [sflag:$0x1], $0x800, $0x38;
	[tilespmem:$0x1D180] =	vst v63  }
0x15c: {  	s28 =	sld [smem:$0x7FB]  }
0x15d: {  	[spmem:s26] =	stream.linear.scatter [tilespmem:s2], [sflag:$0x1], $0x800, $0x38;
	[tilespmem:$0x1D180] =	vst v63  }
0x15e: {  	_ = 	snop  }
0x15f: {  	[spmem:s28] =	stream.linear.scatter [tilespmem:s2], [sflag:$0x1], $0x800, $0x38;
	[tilespmem:$0x1D180] =	vst v63  }
0x160: {  	_ = 	snop  }
0x161: {  	[spmem:s30] =	stream.linear.scatter [tilespmem:s2], [sflag:$0x1], $0x800, $0x38;
	[tilespmem:$0x1D180] =	vst v63  }
0x162: {  	_ = 	snop  }
0x163: {  	[spmem:s31] =	stream.linear.scatter [tilespmem:s2], [sflag:$0x1], $0x800, $0x38;
	[tilespmem:$0x1D180] =	vst v63  }
0x164: {  	s25 =	simm.s32 @!p0 $0x1C980  }
0x165: {  	[spmem:s6] =	stream.linear.scatter @!p0 [tilespmem:s25], [sflag:$0x1], $0x800, $0x38;
	[tilespmem:$0x1D180] =	vst v63  }
0x166: {  	_ =	swait.ge [sflag:s0], $0x800  }
0x167: {  	s25 =	simm.s32 $0x26;
	[sflag:s0] =	ssyncset.done $0x0  }
.LBB2_10:
0x168: {  	p1 =	sne.s32 s25, $0x1;
	s25 =	sadd.s32 $0xFFFFFFFF, s25;
	[sflag:s0] =	ssyncadd.s32 $0xFFFFF800  }
.Ltmp6:
0x169: {  	(pc) =	sbr.rel @p1 .LBB2_10-.Ltmp6, $3  }
0x16a: {  	_ =	sdelay $0x1  }
0x16b: {  	_ =	swait.ge [sflag:s0], $0x800  }
0x16c: {  	[sflag:s0] =	ssyncset.done $0x0  }
0x16d: {  	[sflag:s0] =	ssyncadd.s32 $0xFFFFF800;
	s25 =	simm.s32 @!p0 $0x1  }
0x16e: {  	_ =	swait.ge @!p0 [sflag:s25], $0x800  }
0x16f: {  	[sflag:s25] =	ssyncset.done @!p0 $0x0  }
0x170: {  	[sflag:s25] =	ssyncadd.s32 @!p0 $0xFFFFF800  }
0x171: {  	[bflag:$0x0] =	sbarrier.arrive $0xFFFF  }
0x172: {  	s25 =	simm.s32 $0x0;
	s26 =	rddreg [dreg:$0x7]  }
0x173: {  	[tilespmem:s12], [sflag:$0x2] =	stream.linear.gather [hbm4b:s26+s25], $0x50, $0x38;
	[tilespmem:$0x1D180] =	vst v63  }
0x174: {  	_ =	swait.ge [sflag:s13], $0x50  }
0x175: {  	[sflag:s13] =	ssyncset.done $0x0  }
0x176: {  	[sflag:s13] =	ssyncadd.s32 $0xFFFFFFB0  }
0x177: {  	[tilespmem:s9], [sflag:$0x4] =	stream.indirect.gather [hbm4b:s1+s8], $0x80, s12, s8, $0xb8;
	[tilespmem:$0x1D180] =	vst v63  }
0x178: {  	s28 =	rddreg [dreg:$0x8]  }
0x179: {  	[tilespmem:s14], [sflag:$0x3] =	stream.linear.gather [hbm4b:s28+s25], $0x50, $0x38;
	[tilespmem:$0x1D180] =	vst v63  }
0x17a: {  	_ =	swait.ge [sflag:s10], $0x50  }
0x17b: {  	[sflag:s10] =	ssyncset.done $0x0  }
0x17c: {  	[sflag:s10] =	ssyncadd.s32 $0xFFFFFFB0  }
0x17d: {  	[tilespmem:s15], [sflag:$0x5] =	stream.indirect.gather [hbm4b:s1+s8], $0x80, s14, s8, $0xb8;
	[tilespmem:$0x1D180] =	vst v63  }
0x17e: {  	_ =	swait.ge [sflag:s16], $0x2800  }
0x17f: {  	s28 =	sld [smem:$0x7FC]  }
0x180: {  	[sflag:s16] =	ssyncset.done $0x0  }
0x181: {  	[sflag:s16] =	ssyncadd.s32 $0xFFFFD800  }
0x182: {  	[tilespmem:s12], [sflag:$0x2] =	stream.linear.gather [hbm4b:s28+s25], $0x50, $0x38;
	[tilespmem:$0x1D180] =	vst v63  }
0x183: {  	s28 =	simm.s32 $0x13980  }
0x184: {  	[spmem:s3] =	stream.indirect.scatter.add.f32 [tilespmem:s9], [sflag:$0x6], $0x80, s28, s8, $0xb8;
	[tilespmem:$0x1D180] =	vst v63  }
0x185: {  	_ =	swait.ge [sflag:s11], $0x2800  }
0x186: {  	[sflag:s11] =	ssyncset.done $0x0  }
0x187: {  	[sflag:s11] =	ssyncadd.s32 $0xFFFFD800  }
0x188: {  	_ =	swait.ge [sflag:s13], $0x50  }
0x189: {  	[sflag:s13] =	ssyncset.done $0x0  }
0x18a: {  	[sflag:s13] =	ssyncadd.s32 $0xFFFFFFB0  }
0x18b: {  	[tilespmem:s9], [sflag:$0x4] =	stream.indirect.gather [hbm4b:s1+s8], $0x80, s12, s8, $0xb8;
	[tilespmem:$0x1D180] =	vst v63  }
0x18c: {  	_ =	swait.ge [sflag:s17], $0x2800  }
0x18d: {  	s28 =	sld [smem:$0x7FD]  }
0x18e: {  	[sflag:s17] =	ssyncset.done $0x0  }
0x18f: {  	[sflag:s17] =	ssyncadd.s32 $0xFFFFD800  }
0x190: {  	[tilespmem:s14], [sflag:$0x3] =	stream.linear.gather [hbm4b:s28+s25], $0x50, $0x38;
	[tilespmem:$0x1D180] =	vst v63  }
0x191: {  	s26 =	simm.s32 $0x13B00;
	s28 =	simm.s32 $0x13A00  }
0x192: {  	[spmem:s3] =	stream.indirect.scatter.add.f32 [tilespmem:s15], [sflag:$0x7], $0x80, s28, s8, $0xb8;
	[tilespmem:$0x1D180] =	vst v63  }
.LBB2_12:
0x193: {  	_ =	swait.ge [sflag:s18], $0x2800  }
0x194: {  	[sflag:s18] =	ssyncset.done $0x0  }
0x195: {  	[sflag:s18] =	ssyncadd.s32 $0xFFFFD800  }
0x196: {  	_ =	swait.ge [sflag:s10], $0x50  }
0x197: {  	[sflag:s10] =	ssyncset.done $0x0  }
0x198: {  	[sflag:s10] =	ssyncadd.s32 $0xFFFFFFB0  }
0x199: {  	[tilespmem:s15], [sflag:$0x5] =	stream.indirect.gather [hbm4b:s1+s8], $0x80, s14, s8, $0xb8;
	[tilespmem:$0x1D180] =	vst v63  }
0x19a: {  	_ =	swait.ge [sflag:s16], $0x2800  }
0x19b: {  	[sflag:s16] =	ssyncset.done $0x0  }
0x19c: {  	s28 =	sadd.s32 s25, s24;
	[sflag:s16] =	ssyncadd.s32 $0xFFFFD800  }
0x19d: {  	[tilespmem:s12], [sflag:$0x2] =	stream.linear.gather [hbm4b:s28+s4], $0x50, $0x38;
	[tilespmem:$0x1D180] =	vst v63  }
0x19e: {  	s28 =	sadd.s32 $0xFFFFFF80, s26  }
0x19f: {  	[spmem:s3] =	stream.indirect.scatter.add.f32 [tilespmem:s9], [sflag:$0x6], $0x80, s28, s8, $0xb8;
	[tilespmem:$0x1D180] =	vst v63  }
0x1a0: {  	_ =	swait.ge [sflag:s11], $0x2800  }
0x1a1: {  	[sflag:s11] =	ssyncset.done $0x0  }
0x1a2: {  	[sflag:s11] =	ssyncadd.s32 $0xFFFFD800  }
0x1a3: {  	_ =	swait.ge [sflag:s13], $0x50  }
0x1a4: {  	p1 =	seq.s32 s25, $0x4B0;
	[sflag:s13] =	ssyncset.done $0x0  }
.Ltmp7:
0x1a5: {  	[sflag:s13] =	ssyncadd.s32 $0xFFFFFFB0;
	(pc) =	sbr.rel @p1 .LBB2_14-.Ltmp7, $4  }
0x1a6: {  	[tilespmem:s9], [sflag:$0x4] =	stream.indirect.gather [hbm4b:s1+s8], $0x80, s12, s8, $0xb8;
	[tilespmem:$0x1D180] =	vst v63  }
0x1a7: {  	_ =	swait.ge [sflag:s17], $0x2800  }
0x1a8: {  	[sflag:s17] =	ssyncset.done $0x0  }
0x1a9: {  	[sflag:s17] =	ssyncadd.s32 $0xFFFFD800  }
.Ltmp8:
0x1aa: {  	s28 =	sadd.s32 s25, s23;
	(pc) =	sbr.rel .LBB2_12-.Ltmp8, $4  }
0x1ab: {  	[tilespmem:s14], [sflag:$0x3] =	stream.linear.gather [hbm4b:s28+s4], $0x50, $0x38;
	[tilespmem:$0x1D180] =	vst v63  }
0x1ac: {  	_ = 	snop  }
0x1ad: {  	[spmem:s3] =	stream.indirect.scatter.add.f32 [tilespmem:s15], [sflag:$0x7], $0x80, s26, s8, $0xb8;
	[tilespmem:$0x1D180] =	vst v63  }
0x1ae: {  	s25 =	sadd.s32 $0x14, s25;
	s26 =	sadd.s32 $0x100, s26  }
.LBB2_15:
0x1af: {  	_ =	sfence.sel $0x180000  }
0x1b0: {  	[bflag:$0x0] =	sbarrier.arrive $0xFFFF  }
0x1b1: {  	_ =	strace $0x90000047  }
0x1b2: {  	s0 =	stileid.u32;
	[bflag:$0x2] =	sbarrier.arrive $0xFFFF  }
0x1b3: {  	p0 =	sne.s32 s0, $0x0;
	s0 =	rddreg [dreg:$0x3]  }
0x1b4: {  	s0 =	sadd.s32 @!p0 $0x100000, s0  }
0x1b5: {  	[sflag:s0] =	ssyncadd.tile.s32 @!p0 $0x1;
	_ =	shalt  }
.Lfunc_end2:
_tile_overlayer_lowered:
.L_overlay_start_2:
0x1b6: {  	(tag) =	ssettag $0x2  }
0x1b7: {  	s0 =	rddreg [dreg:$0x0];
	s2 =	stileid.u32  }
0x1b8: {  	s1 =	rddreg [dreg:$0x1];
	p0 =	sne.s32 s2, $0x0  }
0x1b9: {  	s3 =	rddreg [dreg:$0x2];
	[bflag:$0x3] =	sbarrier.arrive $0xFFFF;
	s2 =	simm.s32 @!p0 $0x1C08  }
0x1ba: {  	[timem:s3], [sflag:s2] =	dma.local @!p0 [hbm:s0], s1  }
0x1bb: {  	s0 =	simm.s32 @!p0 $0x8  }
0x1bc: {  	_ =	swait.ge @!p0 [sflag:s0], s1  }
0x1bd: {  	s1 =	ssub.s32 @!p0 $0x0, s1;
	[sflag:s0] =	ssyncset.done @!p0 $0x0  }
0x1be: {  	[sflag:s0] =	ssyncadd.s32 @!p0 s1  }
0x1bf: {  	[bflag:$0x3] =	sbarrier.arrive $0xFFFF  }
0x1c0: {  	_ =	shalt  }

// kernel: kernel.9.cloned.1.call-start
scs
__scs_entry_jumppad:
0x0: {  	(pc) =	sbr.rel $0x88, $3  }
0x1: {  	(tag) =	ssettag $0x0;
	lr =	simm.s32 $0x1  }
0x2: {  	[smem:$0x3F96] =	sst lr;
	_ =	strace $0xD0000000  }
0x3: {  	_ = 	snop  }
0x4: {  	_ = 	snop  }
0x5: {  	_ = 	snop  }
0x6: {  	_ = 	snop  }
0x7: {  	_ = 	snop  }
__scs_overlays_trampoline_lowered:
0x8: {  	[smem:$0x3FA5] =	sst s0  }
0x9: {  	[smem:$0x3FA6] =	sst s1  }
0xa: {  	[smem:$0x3FA7] =	sst s2  }
0xb: {  	[smem:$0x3FA8] =	sst s3  }
0xc: {  	[smem:$0x3FA9] =	sst s4  }
0xd: {  	[smem:$0x3FAA] =	sst s5  }
0xe: {  	[smem:$0x3FAB] =	sst s6  }
0xf: {  	[smem:$0x3FAC] =	sst s7  }
0x10: {  	[smem:$0x3FAD] =	sst s8  }
0x11: {  	[smem:$0x3FAE] =	sst s9;
	s0 =	simm.s32 @!p0 $0x0  }
0x12: {  	s1 =	sld [smem:$0x3F94];
	s0 =	simm.s32 @p0 $0x1  }
0x13: {  	[smem:$0x3FAF] =	sst s0;
	s0 =	simm.s32 @!p1 $0x0  }
0x14: {  	s2 =	sld [smem:$0x3F93];
	s0 =	simm.s32 @p1 $0x1  }
0x15: {  	[smem:$0x3FB0] =	sst s0;
	s0 =	simm.s32 @!p2 $0x0  }
0x16: {  	s3 =	sld [smem:$0x3FDB];
	s0 =	simm.s32 @p2 $0x1  }
0x17: {  	s4 =	simm.s32 $0x1BF5;
	[smem:$0x3FB2] =	sst s0  }
0x18: {  	s0 =	sld [smem:$0x3F95];
	_ =	swait.ge [sflag:s4], $0x0  }
0x19: {  	s7 =	sld [smem:$0x3F96]  }
0x1a: {  	s8 =	sadd.s32 $0xFFFFE003, lr  }
0x1b: {  	s9 =	sadd.s32 $0xFFFFFEF7, lr;
	s5 =	simm.s32 $0xFFFFFFFF;
	p2 =	slt.u32 s8, $0xFFFFF086  }
0x1c: {  	p1 =	slt.u32 s9, $0xF7A;
	s5 =	simm.s32 @!p2 $0x0  }
0x1d: {  	s5 =	simm.s32 @p1 $0x1;
	p0 =	seq.s32 s7, s2  }
0x1e: {  	s7 =	smul.u32 @!p0 $0xF7A, s2;
	p2 =	seq.s32 @!p0 s5, $0x0  }
0x1f: {  	s9 =	smul.u32 $0xF7A, s1;
	s8 =	simm.s32 @!p0 $0x1BF5;
	p2 =	por !p2, p0  }
0x20: {  	[sflag:s8] =	ssyncset.s32 @!p0 $0xFFFFF086;
	s6 =	sadd.s32 @!p0 s3, s7;
	s7 =	simm.s32 @!p0 $0x108  }
0x21: {  	s3 =	sadd.s32 s3, s9;
	s6 =	sadd.s32 @!p0 $0x88, s6;
	s7 =	simm.s32 @p2 $0x1082  }
0x22: {  	[simem:s7], [sflag:s8] =	dma.local @!p0 [hbm:s6], $0xF7A  }
0x23: {  	s9 =	sor.u32 $0xD0000000, s2;
	s6 =	simm.s32 $0x108;
	_ =	swait.ge @!p0 [sflag:s8], $0x0  }
0x24: {  	s3 =	sadd.s32 $0x88, s3;
	s6 =	simm.s32 @!p1 $0x1082;
	[sflag:s4] =	ssyncset.s32 $0xFFFFF086  }
0x25: {  	[simem:s6], [sflag:s4] =	dma.local [hbm:s3], $0xF7A  }
0x26: {  	[smem:$0x3F96] =	sst s1;
	(tag) =	ssettag s2;
	_ =	strace s9  }
0x27: {  	s1 =	sld [smem:$0x3FA6]  }
0x28: {  	s2 =	sld [smem:$0x3FA7]  }
0x29: {  	s4 =	sld [smem:$0x3FA9]  }
0x2a: {  	p0 =	seq.s32 s5, $0x0;
	s5 =	sld [smem:$0x3FAA]  }
0x2b: {  	s6 =	sld [smem:$0x3FAB]  }
0x2c: {  	s7 =	sld [smem:$0x3FAC]  }
0x2d: {  	s3 =	simm.s32 $0x108;
	s8 =	sld [smem:$0x3FAD]  }
0x2e: {  	s3 =	simm.s32 @!p0 $0x1082;
	s9 =	sld [smem:$0x3FAE]  }
0x2f: {  	lr =	sadd.s32 s0, s3;
	s0 =	sld [smem:$0x3FA5]  }
0x30: {  	s3 =	sld [smem:$0x3FA8]  }
0x31: {  	[smem:$0x3FB1] =	sst s10  }
0x32: {  	s10 =	sld [smem:$0x3FAF];
	_ =	sdelay $0x3  }
0x33: {  	p0 =	seq.s32 s10, $0x1;
	s10 =	sld [smem:$0x3FB1];
	_ =	sdelay $0x3  }
0x34: {  	[smem:$0x3FB1] =	sst s10  }
0x35: {  	s10 =	sld [smem:$0x3FB0];
	_ =	sdelay $0x3  }
0x36: {  	p1 =	seq.s32 s10, $0x1;
	s10 =	sld [smem:$0x3FB1];
	_ =	sdelay $0x3  }
0x37: {  	[smem:$0x3FB1] =	sst s10  }
0x38: {  	s10 =	sld [smem:$0x3FB2]  }
0x39: {  	_ = 	snop;
	(pc) =	sbr.ind lr, $3  }
0x3a: {  	_ = 	snop  }
0x3b: {  	_ = 	snop  }
0x3c: {  	p2 =	seq.s32 s10, $0x1;
	s10 =	sld [smem:$0x3FB1]  }
0x3d: {  	_ =	shalt  }
0x3e: {  	_ =	shalt  }
0x3f: {  	_ =	shalt  }
0x40: {  	_ =	shalt  }
0x41: {  	_ =	shalt  }
0x42: {  	_ =	shalt  }
0x43: {  	_ =	shalt  }
0x44: {  	_ =	shalt  }
0x45: {  	_ =	shalt  }
0x46: {  	_ =	shalt  }
0x47: {  	_ =	shalt  }
0x48: {  	_ =	shalt  }
0x49: {  	_ =	shalt  }
0x4a: {  	_ =	shalt  }
0x4b: {  	_ =	shalt  }
0x4c: {  	_ =	shalt  }
0x4d: {  	_ =	shalt  }
0x4e: {  	_ =	shalt  }
0x4f: {  	_ =	shalt  }
0x50: {  	_ =	shalt  }
0x51: {  	_ =	shalt  }
0x52: {  	_ =	shalt  }
0x53: {  	_ =	shalt  }
0x54: {  	_ =	shalt  }
0x55: {  	_ =	shalt  }
0x56: {  	_ =	shalt  }
0x57: {  	_ =	shalt  }
0x58: {  	_ =	shalt  }
0x59: {  	_ =	shalt  }
0x5a: {  	_ =	shalt  }
0x5b: {  	_ =	shalt  }
0x5c: {  	_ =	shalt  }
0x5d: {  	_ =	shalt  }
0x5e: {  	_ =	shalt  }
0x5f: {  	_ =	shalt  }
0x60: {  	_ =	shalt  }
0x61: {  	_ =	shalt  }
0x62: {  	_ =	shalt  }
0x63: {  	_ =	shalt  }
0x64: {  	_ =	shalt  }
0x65: {  	_ =	shalt  }
0x66: {  	_ =	shalt  }
0x67: {  	_ =	shalt  }
0x68: {  	_ =	shalt  }
0x69: {  	_ =	shalt  }
0x6a: {  	_ =	shalt  }
0x6b: {  	_ =	shalt  }
0x6c: {  	_ =	shalt  }
0x6d: {  	_ =	shalt  }
0x6e: {  	_ =	shalt  }
0x6f: {  	_ =	shalt  }
0x70: {  	_ =	shalt  }
0x71: {  	_ =	shalt  }
0x72: {  	_ =	shalt  }
0x73: {  	_ =	shalt  }
0x74: {  	_ =	shalt  }
0x75: {  	_ =	shalt  }
0x76: {  	_ =	shalt  }
0x77: {  	_ =	shalt  }
0x78: {  	_ =	shalt  }
0x79: {  	_ =	shalt  }
0x7a: {  	_ =	shalt  }
0x7b: {  	_ =	shalt  }
0x7c: {  	_ =	shalt  }
0x7d: {  	_ =	shalt  }
0x7e: {  	_ =	shalt  }
0x7f: {  	_ =	shalt  }
0x80: {  	_ =	shalt  }
0x81: {  	_ =	shalt  }
0x82: {  	_ =	shalt  }
0x83: {  	_ =	shalt  }
0x84: {  	_ =	shalt  }
0x85: {  	_ =	shalt  }
0x86: {  	_ =	shalt  }
0x87: {  	_ =	shalt  }
.Lfunc_end0:
.L_simem_size_0:
called_computation.1_lowered:
.L_overlay_start_0:
0x88: {  	s2 =	sld [smem:$0x3FD9]  }
0x89: {  	s3 =	sld [smem:$0x3FFE];
	_ =	sdelay $0x1  }
0x8a: {  	s1 =	srdreg.scid  }
0x8b: {  	s0 =	sand.u32 $0x1, s1  }
0x8c: {  	s16 =	sshll.u32 s0, $0xA;
	s2 =	sadd.s32 s3, s2  }
0x8d: {  	s2 =	sadd.s32 s2, s16  }
0x8e: {  	[smem:$0x3FBD] =	sst s2  }
0x8f: {  	_ = 	snop  }
0x90: {  	(tm) =	ssettm $0x1  }
0x91: {  	s17 =	sld [smem:$0x3FFB];
	_ =	sdelay $0x3  }
0x92: {  	_ =	strace s17  }
0x93: {  	s2 =	sld [smem:$0x3FFC];
	_ =	sdelay $0x3  }
0x94: {  	_ =	strace s2  }
0x95: {  	s2 =	sld [smem:$0x3FFD];
	_ =	sdelay $0x3  }
0x96: {  	_ =	strace s2  }
0x97: {  	_ =	strace $0x8FFFFFFF  }
0x98: {  	s18 =	sld [smem:$0x3FDB];
	_ =	sdelay $0x1  }
0x99: {  	s19 =	simm.s32 $_scs_section_size  }
0x9a: {  	s4 =	simm.s32 $_size__tile_overlayer_lowered;
	s5 =	simm.s32 $_tile_overlayer_lowered  }
0x9b: {  	s22 =	simm.s32 $0x1BFF;
	s21 =	sshll.u32 s5, $0x1;
	s2 =	sadd.s32 s19, s18  }
0x9c: {  	s6 =	simm.s32 $0x0;
	s20 =	sshll.u32 s4, $0x1;
	s4 =	sadd.s32 s21, s2  }
0x9d: {  	[timem:s6], [sflag:s22] =	dma.local [hbm:s4], s20  }
0x9e: {  	_ =	swait.ge [sflag:s22], s20  }
0x9f: {  	s3 =	ssub.s32 $0x0, s20;
	[sflag:s22] =	ssyncset.done $0x0  }
0xa0: {  	[sflag:s22] =	ssyncadd.s32 s3;
	_ =	sdelay $0x1  }
0xa1: {  	s23 =	simm.s32 $0x1B8B  }
0xa2: {  	_ =	swait.ge [sflag:s23], $0x1  }
0xa3: {  	[sflag:s23] =	ssyncset.done $0x0  }
0xa4: {  	s25 =	simm.s32 $0x1B8E;
	s24 =	sld [smem:$0x3FFE];
	[sflag:s23] =	ssyncadd.s32 $0xFFFFFFFF  }
0xa5: {  	s26 =	simm.s32 $execute0_lowered;
	[smem:$0x3FD2] =	sst s25  }
0xa6: {  	s4 =	sshll.u32 s26, $0x1;
	_ =	strace $0x80000049;
	[dreg:$0x1] =	wrdreg $0xFFFFFFFF  }
0xa7: {  	s28 =	simm.s32 $_size_execute0_lowered;
	s2 =	sadd.s32 s2, s4;
	[dreg:$0x0] =	wrdreg $0x0  }
0xa8: {  	s4 =	sshll.u32 s28, $0x1;
	[dreg:$0x2] =	wrdreg s2  }
0xa9: {  	[dreg:$0x3] =	wrdreg s4  }
0xaa: {  	[dreg:$0x4] =	wrdreg $0xC0  }
0xab: {  	_ =	task [dreg:s6], $0x5FFFF  }
0xac: {  	[dreg:$0x1] =	wrdreg $0xFFFFFFFF  }
0xad: {  	[dreg:$0x0] =	wrdreg $0x60  }
0xae: {  	[dreg:$0x2] =	wrdreg s24  }
0xaf: {  	[dreg:$0x3] =	wrdreg $0x0  }
0xb0: {  	[dreg:$0x4] =	wrdreg $0x9  }
0xb1: {  	_ =	task.clear_ibuf [dreg:s6], $0x5FFFF;
	_ =	strace $0x90000049  }
0xb2: {  	s29 =	simm.s32 $0x9;
	_ =	strace $0x8000004B  }
0xb3: {  	_ =	swait.ge [sflag:s29], $0x1  }
0xb4: {  	[sflag:s29] =	ssyncadd.s32 $0xFFFFFFFF  }
0xb5: {  	_ =	strace $0x9000004B  }
0xb6: {  	_ =	sfence  }
0xb7: {  	s30 =	sld [smem:$0x0];
	_ =	sdelay $0x2  }
0xb8: {  	s31 =	sshll.u32 s1, $0xD;
	s1 =	sshrl.u32 s1, $0x2  }
0xb9: {  	s3 =	sand.u32 $0x4000, s31;
	s1 =	sadd.s32 s1, s30  }
0xba: {  	s0 =	sor.u32 s3, s0;
	s1 =	sshll.u32 s1, $0x11  }
0xbb: {  	s0 =	sor.u32 s1, s0  }
0xbc: {  	s0 =	sadd.s32 $0x8F2B, s0  }
0xbd: {  	[sflag:s0] =	ssyncadd.remote.s32 $0x1  }
0xbe: {  	_ =	sfence.sel $0xFFFF  }
0xbf: {  	[dreg:$0x0] =	wrdreg $0xFFFFFFFF;
	(pc) =	sbr.abs _section_cstart, $3  }
0xc0: {  	[dreg:$0x1] =	wrdreg $0xFFFFFFFF  }
0xc1: {  	_ =	task.clear_ibuf [dreg:s6], $0x2FFFF;
	_ =	strace $0x9FFFFFFF  }
0xc2: {  	(tm) =	ssettm $0x7FFFFFFF  }
0xc3: {  	_ =	shalt  }
tec
execute0_lowered:
.L_overlay_start_1:
0x0: {  	(tag) =	ssettag $0x1  }
0x1: {  	s0 =	rddreg [dreg:$0x0]  }
0x2: {  	s2 =	rddreg [dreg:$0x1];
	s3 =	simm.s32 $0x0;
	s1 =	srdreg.scid  }
0x3: {  	s13 =	stileid.u32;
	[smem:$0x7FF] =	sst s3  }
0x4: {  	s1 =	sand.u32 $0x1, s1;
	s5 =	sshll.u32 s13, $0x1;
	s4 =	sadd.s32 $0x36A00, s0  }
0x5: {  	s7 =	sadd.s32 $0x23000, s0;
	s8 =	smul.u32 $0x4E000, s13;
	s5 =	sor.u32 s1, s5  }
0x6: {  	_ =	strace $0x8000004A;
	s23 =	ssub.s32 $0x2, s1;
	s6 =	sshll.u32 s5, $0xB  }
0x7: {  	s10 =	smul.u32 $0x2710, s5;
	s24 =	sshrl.u32 s23, $0x1;
	s9 =	sadd.s32 s6, s0  }
0x8: {  	s25 =	sshrl.u32 s8, $0x2;
	s12 =	ssub.s32 s23, s24;
	s9 =	sadd.s32 $0x13000, s9  }
0x9: {  	s5 =	sadd.s32 s25, s2;
	s19 =	smax.u32 s12, $0x1;
	[dreg:$0x3] =	wrdreg s9  }
0xa: {  	s26 =	smul.u32 $0x13800, s13;
	s20 =	sadd.s32 $0x800, s5;
	[dreg:$0x7] =	wrdreg s19  }
0xb: {  	s21 =	smul.u32 $0x4E20, s13;
	s22 =	sadd.s32 $0x1000, s5;
	[dreg:$0x8] =	wrdreg s20  }
0xc: {  	p0 =	sne.s32 s13, $0xF;
	s23 =	sadd.s32 $0x1800, s5;
	[dreg:$0x9] =	wrdreg s22  }
0xd: {  	s11 =	smul.u32 $0x138800, s1;
	s24 =	sadd.s32 $0x2000, s5;
	[dreg:$0xa] =	wrdreg s23  }
0xe: {  	s0 =	sadd.s32 $0xD2E00, s0;
	s25 =	sadd.s32 $0x2800, s5;
	[dreg:$0xb] =	wrdreg s24  }
0xf: {  	s8 =	sadd.s32 s26, s11;
	s26 =	sadd.s32 $0x3000, s5;
	[dreg:$0xc] =	wrdreg s25  }
0x10: {  	s14 =	sshrl.u32 s10, $0x3;
	s10 =	sadd.s32 $0x4000, s5;
	[dreg:$0xd] =	wrdreg s26  }
0x11: {  	s15 =	sshrl.u32 s11, $0x3;
	s12 =	sadd.s32 $0x4800, s5;
	[dreg:$0xf] =	wrdreg s10  }
0x12: {  	s16 =	sadd.s32 s0, s15;
	s15 =	sadd.s32 $0x5000, s5;
	[dreg:$0x10] =	wrdreg s12  }
0x13: {  	s8 =	sshrl.u32 s8, $0x3;
	s13 =	sadd.s32 $0xD000, s5;
	[dreg:$0x11] =	wrdreg s15  }
0x14: {  	s0 =	sadd.s32 s0, s8;
	[smem:$0x7F2] =	sst s13  }
0x15: {  	s18 =	sadd.s32 $0x27000, s16;
	[dreg:$0x5] =	wrdreg s0  }
0x16: {  	s9 =	sadd.s32 $0x3800, s5;
	[dreg:$0x6] =	wrdreg s18  }
0x17: {  	s16 =	sadd.s32 $0x5800, s5;
	[dreg:$0xe] =	wrdreg s9  }
0x18: {  	s19 =	sadd.s32 $0x7000, s5;
	[dreg:$0x12] =	wrdreg s16  }
0x19: {  	s20 =	sadd.s32 $0x7800, s5;
	[dreg:$0x15] =	wrdreg s19  }
0x1a: {  	s22 =	sadd.s32 $0x8800, s5;
	[dreg:$0x16] =	wrdreg s20  }
0x1b: {  	s1 =	smul.u32 $0x2710, s1;
	s25 =	sadd.s32 $0x9000, s5;
	[dreg:$0x18] =	wrdreg s22  }
0x1c: {  	s6 =	sadd.s32 $0x138000, s2;
	s26 =	sadd.s32 $0x9800, s5;
	[dreg:$0x19] =	wrdreg s25  }
0x1d: {  	s29 =	sadd.s32 $0x13000, s5;
	s8 =	sadd.s32 $0xB000, s5;
	[dreg:$0x1a] =	wrdreg s26  }
0x1e: {  	s11 =	sadd.s32 s7, s14;
	s10 =	sadd.s32 $0xC000, s5;
	[dreg:$0x1d] =	wrdreg s8  }
0x1f: {  	s12 =	sadd.s32 $0xC800, s5;
	s15 =	sadd.s32 $0xE000, s5;
	[dreg:$0x1f] =	wrdreg s10  }
0x20: {  	s13 =	simm.s32 $0x17980;
	s17 =	sadd.s32 $0xA, s11;
	[smem:$0x7F1] =	sst s12  }
0x21: {  	s0 =	sadd.s32 s1, s21;
	s18 =	sadd.s32 $0x6800, s5;
	[smem:$0x7F4] =	sst s15  }
0x22: {  	s21 =	sadd.s32 $0x8000, s5;
	s9 =	sadd.s32 $0xB800, s5;
	[dreg:$0x4] =	wrdreg s17  }
0x23: {  	s16 =	sadd.s32 $0xE800, s5;
	s19 =	sadd.s32 $0x10000, s5;
	[dreg:$0x14] =	wrdreg s18  }
0x24: {  	s20 =	sadd.s32 $0x10800, s5;
	s22 =	sadd.s32 $0x11800, s5;
	[dreg:$0x17] =	wrdreg s21  }
0x25: {  	s25 =	sadd.s32 $0x12000, s5;
	s26 =	sadd.s32 $0x12800, s5;
	[dreg:$0x1e] =	wrdreg s9  }
0x26: {  	s30 =	sadd.s32 $0x14, s11;
	s28 =	smov.u32 s11;
	[smem:$0x7F5] =	sst s16  }
0x27: {  	s31 =	sadd.s32 $0x1E, s11;
	s10 =	simm.s32 $0x13880;
	[smem:$0x7F8] =	sst s19  }
0x28: {  	s11 =	simm.s32 $0x2;
	s12 =	simm.s32 $0x50;
	[smem:$0x7F9] =	sst s20  }
0x29: {  	s15 =	simm.s32 $0x3;
	s14 =	sadd.s32 $0x190, s0;
	[smem:$0x7FB] =	sst s22  }
0x2a: {  	s0 =	sadd.s32 $0x140, s0;
	s17 =	sadd.s32 $0x6000, s5;
	[smem:$0x7FC] =	sst s25  }
0x2b: {  	s18 =	sadd.s32 $0xF800, s5;
	s21 =	sadd.s32 $0x11000, s5;
	[smem:$0x7FD] =	sst s26  }
0x2c: {  	s9 =	simm.s32 $0x8;
	s16 =	simm.s32 $0x1A180;
	s19 =	simm.s32 $0x5  }
0x2d: {  	s20 =	simm.s32 $0x7;
	s1 =	sshrl.u32 s14, $0x3;
	[dreg:$0x13] =	wrdreg s17  }
0x2e: {  	s0 =	sshrl.u32 s0, $0x3;
	s14 =	sadd.s32 $0xD800, s5;
	[smem:$0x7F7] =	sst s18  }
0x2f: {  	s17 =	sadd.s32 $0xF000, s5;
	[smem:$0x7FA] =	sst s21;
	s18 =	simm.s32 $0x6  }
.Ltmp0:
0x30: {  	s21 =	simm.s32 $0x0;
	s23 =	sadd.s32 s1, s7;
	(pc) =	sbr.rel .LBB2_1-.Ltmp0, $4  }
0x31: {  	s24 =	sadd.s32 s0, s7;
	s1 =	sadd.s32 $0xA000, s5;
	[smem:$0x7F3] =	sst s14  }
0x32: {  	s7 =	sadd.s32 $0xA800, s5;
	[smem:$0x7F6] =	sst s17;
	s0 =	simm.s32 $0x1C980  }
0x33: {  	s14 =	simm.s32 $0x13900;
	s17 =	simm.s32 $0x4;
	[dreg:$0x1b] =	wrdreg s1  }
0x34: {  	v0 =	vimm.f32 $0.0e+00;
	[dreg:$0x1c] =	wrdreg s7;
	s1 =	simm.s32 $0x1;
	s7 =	simm.s32 $0x13980  }
.LBB2_8:
0x35: {  	[spmem:s2] =	stream.indirect.scatter.add.f32 [tilespmem:s16], [sflag:$0x7], $0x80, s8, s12, $0xb8;
	[tilespmem:$0x1D180] =	vst v63  }
0x36: {  	_ =	swait.ge [sflag:s20], $0x2800  }
0x37: {  	[sflag:s20] =	ssyncset.done $0x0  }
0x38: {  	[sflag:s20] =	ssyncadd.s32 $0xFFFFD800  }
0x39: {  	_ =	swait.ge [sflag:s17], $0x2800  }
0x3a: {  	[sflag:s17] =	ssyncset.done $0x0  }
0x3b: {  	s22 =	simm.s32 $0x17780;
	[sflag:s17] =	ssyncadd.s32 $0xFFFFD800  }
0x3c: {  	[spmem:s2] =	stream.indirect.scatter.add.f32 [tilespmem:s13], [sflag:$0x8], $0x80, s22, s12, $0xb8;
	[tilespmem:$0x1D180] =	vst v63  }
0x3d: {  	_ =	swait.ge [sflag:s9], $0x2800  }
0x3e: {  	[sflag:s9] =	ssyncset.done $0x0  }
0x3f: {  	s25 =	stileid.u32;
	[sflag:s9] =	ssyncadd.s32 $0xFFFFD800  }
0x40: {  	s8 =	sshll.u32 s25, $0x6;
	[bflag:$0x0] =	sbarrier.arrive $0xFFFF  }
0x41: {  	s8 =	sor.u32 $0x1C08, s8;
	s22 =	sshrl.u32 s5, $0x3;
	s25 =	rddreg [dreg:$0x5]  }
0x42: {  	[hbm:s25], [sflag:s8] =	dma.local [spmem:s22], $0x2700  }
0x43: {  	_ =	swait.ge [sflag:s9], $0x2700  }
0x44: {  	[sflag:s9] =	ssyncset.done $0x0  }
0x45: {  	s22 =	sshrl.u32 @!p0 s6, $0x3;
	s25 =	rddreg [dreg:$0x6];
	[sflag:s9] =	ssyncadd.s32 $0xFFFFD900  }
0x46: {  	[hbm:s25], [sflag:s8] =	dma.local @!p0 [spmem:s22], $0x100  }
0x47: {  	s8 =	simm.s32 @!p0 $0x8  }
0x48: {  	_ =	swait.ge @!p0 [sflag:s8], $0x100  }
0x49: {  	s21 =	sadd.s32 $0x1, s21;
	s26 =	rddreg [dreg:$0x7]  }
0x4a: {  	p1 =	sne.s32 s21, s26  }
.Ltmp1:
0x4b: {  	_ = 	snop;
	(pc) =	sbr.rel @!p1 .LBB2_9-.Ltmp1, $3  }
0x4c: {  	_ =	sdelay $0x1  }
0x4d: {  	[sflag:s8] =	ssyncset.done @!p0 $0x0  }
0x4e: {  	[sflag:s8] =	ssyncadd.s32 @!p0 $0xFFFFFF00  }
.LBB2_1:
0x4f: {  	s8 =	sand.u32 $0x1E00, s3  }
0x50: {  	s22 =	sand.u32 $0x70, s3;
	s25 =	sshrl.u32 s8, $0x2  }
0x51: {  	s8 =	simm.s32 $0x40;
	s25 =	sor.u32 s22, s25;
	s22 =	simm.s32 $0x0  }
.LBB2_2:
0x52: {  	p1 =	sne.s32 s8, $0x1FC0  }
0x53: {  	[tilespmem:s25+$0x1C980] =	vst v0;
	s22 =	sadd.s32 $0x10, s22;
	s25 =	smov.u32 s8;
	s8 =	sadd.s32 $0x40, s8  }
.Ltmp2:
0x54: {  	(pc) =	sbr.rel @p1 .LBB2_2-.Ltmp2, $4  }
0x55: {  	_ = 	snop  }
0x56: {  	s25 =	sand.u32 $0x1E00, s25  }
0x57: {  	s26 =	sand.u32 $0x70, s22;
	s25 =	sshrl.u32 s25, $0x2  }
0x58: {  	s25 =	sor.u32 s26, s25  }
0x59: {  	[tilespmem:s25+$0x1C980] =	vst v0;
	s8 =	rddreg [dreg:$0x8]  }
0x5a: {  	[spmem:s5] =	stream.linear.scatter [tilespmem:s0], [sflag:$0x1], $0x800, $0x38;
	[tilespmem:$0x1D180] =	vst v63  }
0x5b: {  	s22 =	rddreg [dreg:$0x9]  }
0x5c: {  	[spmem:s8] =	stream.linear.scatter [tilespmem:s0], [sflag:$0x1], $0x800, $0x38;
	[tilespmem:$0x1D180] =	vst v63  }
0x5d: {  	s25 =	rddreg [dreg:$0xa]  }
0x5e: {  	[spmem:s22] =	stream.linear.scatter [tilespmem:s0], [sflag:$0x1], $0x800, $0x38;
	[tilespmem:$0x1D180] =	vst v63  }
0x5f: {  	s26 =	rddreg [dreg:$0xb]  }
0x60: {  	[spmem:s25] =	stream.linear.scatter [tilespmem:s0], [sflag:$0x1], $0x800, $0x38;
	[tilespmem:$0x1D180] =	vst v63  }
0x61: {  	s22 =	rddreg [dreg:$0xc]  }
0x62: {  	[spmem:s26] =	stream.linear.scatter [tilespmem:s0], [sflag:$0x1], $0x800, $0x38;
	[tilespmem:$0x1D180] =	vst v63  }
0x63: {  	s25 =	rddreg [dreg:$0xd]  }
0x64: {  	[spmem:s22] =	stream.linear.scatter [tilespmem:s0], [sflag:$0x1], $0x800, $0x38;
	[tilespmem:$0x1D180] =	vst v63  }
0x65: {  	s26 =	rddreg [dreg:$0xe]  }
0x66: {  	[spmem:s25] =	stream.linear.scatter [tilespmem:s0], [sflag:$0x1], $0x800, $0x38;
	[tilespmem:$0x1D180] =	vst v63  }
0x67: {  	s22 =	rddreg [dreg:$0xf]  }
0x68: {  	[spmem:s26] =	stream.linear.scatter [tilespmem:s0], [sflag:$0x1], $0x800, $0x38;
	[tilespmem:$0x1D180] =	vst v63  }
0x69: {  	s25 =	rddreg [dreg:$0x10]  }
0x6a: {  	[spmem:s22] =	stream.linear.scatter [tilespmem:s0], [sflag:$0x1], $0x800, $0x38;
	[tilespmem:$0x1D180] =	vst v63  }
0x6b: {  	s26 =	rddreg [dreg:$0x11]  }
0x6c: {  	[spmem:s25] =	stream.linear.scatter [tilespmem:s0], [sflag:$0x1], $0x800, $0x38;
	[tilespmem:$0x1D180] =	vst v63  }
0x6d: {  	s22 =	rddreg [dreg:$0x12]  }
0x6e: {  	[spmem:s26] =	stream.linear.scatter [tilespmem:s0], [sflag:$0x1], $0x800, $0x38;
	[tilespmem:$0x1D180] =	vst v63  }
0x6f: {  	s25 =	rddreg [dreg:$0x13]  }
0x70: {  	[spmem:s22] =	stream.linear.scatter [tilespmem:s0], [sflag:$0x1], $0x800, $0x38;
	[tilespmem:$0x1D180] =	vst v63  }
0x71: {  	s26 =	rddreg [dreg:$0x14]  }
0x72: {  	[spmem:s25] =	stream.linear.scatter [tilespmem:s0], [sflag:$0x1], $0x800, $0x38;
	[tilespmem:$0x1D180] =	vst v63  }
0x73: {  	s22 =	rddreg [dreg:$0x15]  }
0x74: {  	[spmem:s26] =	stream.linear.scatter [tilespmem:s0], [sflag:$0x1], $0x800, $0x38;
	[tilespmem:$0x1D180] =	vst v63  }
0x75: {  	s25 =	rddreg [dreg:$0x16]  }
0x76: {  	[spmem:s22] =	stream.linear.scatter [tilespmem:s0], [sflag:$0x1], $0x800, $0x38;
	[tilespmem:$0x1D180] =	vst v63  }
0x77: {  	s26 =	rddreg [dreg:$0x17]  }
0x78: {  	[spmem:s25] =	stream.linear.scatter [tilespmem:s0], [sflag:$0x1], $0x800, $0x38;
	[tilespmem:$0x1D180] =	vst v63  }
0x79: {  	s22 =	rddreg [dreg:$0x18]  }
0x7a: {  	[spmem:s26] =	stream.linear.scatter [tilespmem:s0], [sflag:$0x1], $0x800, $0x38;
	[tilespmem:$0x1D180] =	vst v63  }
0x7b: {  	s25 =	rddreg [dreg:$0x19]  }
0x7c: {  	[spmem:s22] =	stream.linear.scatter [tilespmem:s0], [sflag:$0x1], $0x800, $0x38;
	[tilespmem:$0x1D180] =	vst v63  }
0x7d: {  	s26 =	rddreg [dreg:$0x1a]  }
0x7e: {  	[spmem:s25] =	stream.linear.scatter [tilespmem:s0], [sflag:$0x1], $0x800, $0x38;
	[tilespmem:$0x1D180] =	vst v63  }
0x7f: {  	s22 =	rddreg [dreg:$0x1b]  }
0x80: {  	[spmem:s26] =	stream.linear.scatter [tilespmem:s0], [sflag:$0x1], $0x800, $0x38;
	[tilespmem:$0x1D180] =	vst v63  }
0x81: {  	s25 =	rddreg [dreg:$0x1c]  }
0x82: {  	[spmem:s22] =	stream.linear.scatter [tilespmem:s0], [sflag:$0x1], $0x800, $0x38;
	[tilespmem:$0x1D180] =	vst v63  }
0x83: {  	s26 =	rddreg [dreg:$0x1d]  }
0x84: {  	[spmem:s25] =	stream.linear.scatter [tilespmem:s0], [sflag:$0x1], $0x800, $0x38;
	[tilespmem:$0x1D180] =	vst v63  }
0x85: {  	s22 =	rddreg [dreg:$0x1e]  }
0x86: {  	[spmem:s26] =	stream.linear.scatter [tilespmem:s0], [sflag:$0x1], $0x800, $0x38;
	[tilespmem:$0x1D180] =	vst v63  }
0x87: {  	s25 =	rddreg [dreg:$0x1f]  }
0x88: {  	[spmem:s22] =	stream.linear.scatter [tilespmem:s0], [sflag:$0x1], $0x800, $0x38;
	[tilespmem:$0x1D180] =	vst v63  }
0x89: {  	s26 =	sld [smem:$0x7F1]  }
0x8a: {  	[spmem:s25] =	stream.linear.scatter [tilespmem:s0], [sflag:$0x1], $0x800, $0x38;
	[tilespmem:$0x1D180] =	vst v63  }
0x8b: {  	s22 =	sld [smem:$0x7F2]  }
0x8c: {  	[spmem:s26] =	stream.linear.scatter [tilespmem:s0], [sflag:$0x1], $0x800, $0x38;
	[tilespmem:$0x1D180] =	vst v63  }
0x8d: {  	s25 =	sld [smem:$0x7F3]  }
0x8e: {  	[spmem:s22] =	stream.linear.scatter [tilespmem:s0], [sflag:$0x1], $0x800, $0x38;
	[tilespmem:$0x1D180] =	vst v63  }
0x8f: {  	s26 =	sld [smem:$0x7F4]  }
0x90: {  	[spmem:s25] =	stream.linear.scatter [tilespmem:s0], [sflag:$0x1], $0x800, $0x38;
	[tilespmem:$0x1D180] =	vst v63  }
0x91: {  	s22 =	sld [smem:$0x7F5]  }
0x92: {  	[spmem:s26] =	stream.linear.scatter [tilespmem:s0], [sflag:$0x1], $0x800, $0x38;
	[tilespmem:$0x1D180] =	vst v63  }
0x93: {  	s25 =	sld [smem:$0x7F6]  }
0x94: {  	[spmem:s22] =	stream.linear.scatter [tilespmem:s0], [sflag:$0x1], $0x800, $0x38;
	[tilespmem:$0x1D180] =	vst v63  }
0x95: {  	s26 =	sld [smem:$0x7F7]  }
0x96: {  	[spmem:s25] =	stream.linear.scatter [tilespmem:s0], [sflag:$0x1], $0x800, $0x38;
	[tilespmem:$0x1D180] =	vst v63  }
0x97: {  	s22 =	sld [smem:$0x7F8]  }
0x98: {  	[spmem:s26] =	stream.linear.scatter [tilespmem:s0], [sflag:$0x1], $0x800, $0x38;
	[tilespmem:$0x1D180] =	vst v63  }
0x99: {  	s25 =	sld [smem:$0x7F9]  }
0x9a: {  	[spmem:s22] =	stream.linear.scatter [tilespmem:s0], [sflag:$0x1], $0x800, $0x38;
	[tilespmem:$0x1D180] =	vst v63  }
0x9b: {  	s26 =	sld [smem:$0x7FA]  }
0x9c: {  	[spmem:s25] =	stream.linear.scatter [tilespmem:s0], [sflag:$0x1], $0x800, $0x38;
	[tilespmem:$0x1D180] =	vst v63  }
0x9d: {  	s22 =	sld [smem:$0x7FB]  }
0x9e: {  	[spmem:s26] =	stream.linear.scatter [tilespmem:s0], [sflag:$0x1], $0x800, $0x38;
	[tilespmem:$0x1D180] =	vst v63  }
0x9f: {  	s25 =	sld [smem:$0x7FC]  }
0xa0: {  	[spmem:s22] =	stream.linear.scatter [tilespmem:s0], [sflag:$0x1], $0x800, $0x38;
	[tilespmem:$0x1D180] =	vst v63  }
0xa1: {  	s26 =	sld [smem:$0x7FD]  }
0xa2: {  	[spmem:s25] =	stream.linear.scatter [tilespmem:s0], [sflag:$0x1], $0x800, $0x38;
	[tilespmem:$0x1D180] =	vst v63  }
0xa3: {  	_ = 	snop  }
0xa4: {  	[spmem:s26] =	stream.linear.scatter [tilespmem:s0], [sflag:$0x1], $0x800, $0x38;
	[tilespmem:$0x1D180] =	vst v63  }
0xa5: {  	_ = 	snop  }
0xa6: {  	[spmem:s29] =	stream.linear.scatter [tilespmem:s0], [sflag:$0x1], $0x800, $0x38;
	[tilespmem:$0x1D180] =	vst v63  }
0xa7: {  	s8 =	simm.s32 @!p0 $0x1C980  }
0xa8: {  	[spmem:s6] =	stream.linear.scatter @!p0 [tilespmem:s8], [sflag:$0x1], $0x800, $0x38;
	[tilespmem:$0x1D180] =	vst v63  }
0xa9: {  	_ =	swait.ge [sflag:s1], $0x800  }
0xaa: {  	s8 =	simm.s32 $0x26;
	[sflag:s1] =	ssyncset.done $0x0  }
.LBB2_4:
0xab: {  	p1 =	sne.s32 s8, $0x1;
	s8 =	sadd.s32 $0xFFFFFFFF, s8;
	[sflag:s1] =	ssyncadd.s32 $0xFFFFF800  }
.Ltmp3:
0xac: {  	(pc) =	sbr.rel @p1 .LBB2_4-.Ltmp3, $3  }
0xad: {  	_ =	sdelay $0x1  }
0xae: {  	_ =	swait.ge [sflag:s1], $0x800  }
0xaf: {  	[sflag:s1] =	ssyncset.done $0x0  }
0xb0: {  	[sflag:s1] =	ssyncadd.s32 $0xFFFFF800;
	s8 =	simm.s32 @!p0 $0x1  }
0xb1: {  	_ =	swait.ge @!p0 [sflag:s8], $0x800  }
0xb2: {  	[sflag:s8] =	ssyncset.done @!p0 $0x0  }
0xb3: {  	s22 =	simm.s32 $0x0;
	s26 =	rddreg [dreg:$0x3];
	[sflag:s8] =	ssyncadd.s32 @!p0 $0xFFFFF800  }
0xb4: {  	[tilespmem:s7], [sflag:$0x8] =	stream.linear.gather [hbm4b:s26+s22], $0x3E80, $0x38;
	[tilespmem:$0x1D180] =	vst v63  }
0xb5: {  	_ =	swait.ge [sflag:s9], $0x3E80  }
0xb6: {  	[sflag:s9] =	ssyncset.done $0x0  }
0xb7: {  	[sflag:s9] =	ssyncadd.s32 $0xFFFFC180  }
0xb8: {  	[bflag:$0x0] =	sbarrier.arrive $0xFFFF  }
0xb9: {  	[tilespmem:s10], [sflag:$0x2] =	stream.linear.gather [hbm4b:s28+s22], $0x50, $0x38;
	[tilespmem:$0x1D180] =	vst v63  }
0xba: {  	_ =	swait.ge [sflag:s11], $0x50  }
0xbb: {  	[sflag:s11] =	ssyncset.done $0x0  }
0xbc: {  	[sflag:s11] =	ssyncadd.s32 $0xFFFFFFB0  }
0xbd: {  	[tilespmem:s13], [sflag:$0x4] =	stream.indirect.gather [hbm4b:s4+s12], $0x80, s10, s12, $0xb8;
	[tilespmem:$0x1D180] =	vst v63  }
0xbe: {  	s25 =	rddreg [dreg:$0x4]  }
0xbf: {  	[tilespmem:s14], [sflag:$0x3] =	stream.linear.gather [hbm4b:s25+s22], $0x50, $0x38;
	[tilespmem:$0x1D180] =	vst v63  }
0xc0: {  	_ =	swait.ge [sflag:s15], $0x50  }
0xc1: {  	[sflag:s15] =	ssyncset.done $0x0  }
0xc2: {  	[sflag:s15] =	ssyncadd.s32 $0xFFFFFFB0  }
0xc3: {  	[tilespmem:s16], [sflag:$0x5] =	stream.indirect.gather [hbm4b:s4+s12], $0x80, s14, s12, $0xb8;
	[tilespmem:$0x1D180] =	vst v63  }
0xc4: {  	_ =	swait.ge [sflag:s17], $0x2800  }
0xc5: {  	[sflag:s17] =	ssyncset.done $0x0  }
0xc6: {  	[sflag:s17] =	ssyncadd.s32 $0xFFFFD800  }
0xc7: {  	[tilespmem:s10], [sflag:$0x2] =	stream.linear.gather [hbm4b:s30+s22], $0x50, $0x38;
	[tilespmem:$0x1D180] =	vst v63  }
0xc8: {  	_ = 	snop  }
0xc9: {  	[spmem:s2] =	stream.indirect.scatter.add.f32 [tilespmem:s13], [sflag:$0x6], $0x80, s7, s12, $0xb8;
	[tilespmem:$0x1D180] =	vst v63  }
0xca: {  	_ =	swait.ge [sflag:s18], $0x2800  }
0xcb: {  	[sflag:s18] =	ssyncset.done $0x0  }
0xcc: {  	[sflag:s18] =	ssyncadd.s32 $0xFFFFD800  }
0xcd: {  	_ =	swait.ge [sflag:s11], $0x50  }
0xce: {  	[sflag:s11] =	ssyncset.done $0x0  }
0xcf: {  	[sflag:s11] =	ssyncadd.s32 $0xFFFFFFB0  }
0xd0: {  	[tilespmem:s13], [sflag:$0x4] =	stream.indirect.gather [hbm4b:s4+s12], $0x80, s10, s12, $0xb8;
	[tilespmem:$0x1D180] =	vst v63  }
0xd1: {  	_ =	swait.ge [sflag:s19], $0x2800  }
0xd2: {  	[sflag:s19] =	ssyncset.done $0x0  }
0xd3: {  	[sflag:s19] =	ssyncadd.s32 $0xFFFFD800  }
0xd4: {  	[tilespmem:s14], [sflag:$0x3] =	stream.linear.gather [hbm4b:s31+s22], $0x50, $0x38;
	[tilespmem:$0x1D180] =	vst v63  }
0xd5: {  	s8 =	simm.s32 $0x13B00;
	s26 =	simm.s32 $0x13A00  }
0xd6: {  	[spmem:s2] =	stream.indirect.scatter.add.f32 [tilespmem:s16], [sflag:$0x7], $0x80, s26, s12, $0xb8;
	[tilespmem:$0x1D180] =	vst v63  }
.LBB2_6:
0xd7: {  	_ =	swait.ge [sflag:s20], $0x2800  }
0xd8: {  	[sflag:s20] =	ssyncset.done $0x0  }
0xd9: {  	[sflag:s20] =	ssyncadd.s32 $0xFFFFD800  }
0xda: {  	_ =	swait.ge [sflag:s15], $0x50  }
0xdb: {  	[sflag:s15] =	ssyncset.done $0x0  }
0xdc: {  	[sflag:s15] =	ssyncadd.s32 $0xFFFFFFB0  }
0xdd: {  	[tilespmem:s16], [sflag:$0x5] =	stream.indirect.gather [hbm4b:s4+s12], $0x80, s14, s12, $0xb8;
	[tilespmem:$0x1D180] =	vst v63  }
0xde: {  	_ =	swait.ge [sflag:s17], $0x2800  }
0xdf: {  	[sflag:s17] =	ssyncset.done $0x0  }
0xe0: {  	s25 =	sadd.s32 s22, s24;
	[sflag:s17] =	ssyncadd.s32 $0xFFFFD800  }
0xe1: {  	[tilespmem:s10], [sflag:$0x2] =	stream.linear.gather [hbm4b:s25+s3], $0x50, $0x38;
	[tilespmem:$0x1D180] =	vst v63  }
0xe2: {  	s26 =	sadd.s32 $0xFFFFFF80, s8  }
0xe3: {  	[spmem:s2] =	stream.indirect.scatter.add.f32 [tilespmem:s13], [sflag:$0x6], $0x80, s26, s12, $0xb8;
	[tilespmem:$0x1D180] =	vst v63  }
0xe4: {  	_ =	swait.ge [sflag:s18], $0x2800  }
0xe5: {  	[sflag:s18] =	ssyncset.done $0x0  }
0xe6: {  	[sflag:s18] =	ssyncadd.s32 $0xFFFFD800  }
0xe7: {  	_ =	swait.ge [sflag:s11], $0x50  }
0xe8: {  	p1 =	seq.s32 s22, $0x4B0;
	[sflag:s11] =	ssyncset.done $0x0  }
.Ltmp4:
0xe9: {  	[sflag:s11] =	ssyncadd.s32 $0xFFFFFFB0;
	(pc) =	sbr.rel @p1 .LBB2_8-.Ltmp4, $4  }
0xea: {  	[tilespmem:s13], [sflag:$0x4] =	stream.indirect.gather [hbm4b:s4+s12], $0x80, s10, s12, $0xb8;
	[tilespmem:$0x1D180] =	vst v63  }
0xeb: {  	_ =	swait.ge [sflag:s19], $0x2800  }
0xec: {  	[sflag:s19] =	ssyncset.done $0x0  }
0xed: {  	[sflag:s19] =	ssyncadd.s32 $0xFFFFD800  }
.Ltmp5:
0xee: {  	s25 =	sadd.s32 s22, s23;
	(pc) =	sbr.rel .LBB2_6-.Ltmp5, $4  }
0xef: {  	[tilespmem:s14], [sflag:$0x3] =	stream.linear.gather [hbm4b:s25+s3], $0x50, $0x38;
	[tilespmem:$0x1D180] =	vst v63  }
0xf0: {  	_ = 	snop  }
0xf1: {  	[spmem:s2] =	stream.indirect.scatter.add.f32 [tilespmem:s16], [sflag:$0x7], $0x80, s8, s12, $0xb8;
	[tilespmem:$0x1D180] =	vst v63  }
0xf2: {  	s22 =	sadd.s32 $0x14, s22;
	s8 =	sadd.s32 $0x100, s8  }
.LBB2_9:
0xf3: {  	_ =	sfence.sel $0x180000  }
0xf4: {  	[bflag:$0x0] =	sbarrier.arrive $0xFFFF  }
0xf5: {  	_ =	strace $0x9000004A  }
0xf6: {  	s0 =	stileid.u32;
	[bflag:$0x2] =	sbarrier.arrive $0xFFFF  }
0xf7: {  	p0 =	sne.s32 s0, $0x0;
	s0 =	rddreg [dreg:$0x2]  }
0xf8: {  	s0 =	sadd.s32 @!p0 $0x100000, s0  }
0xf9: {  	[sflag:s0] =	ssyncadd.tile.s32 @!p0 $0x1;
	_ =	shalt  }
.Lfunc_end2:
_tile_overlayer_lowered:
.L_overlay_start_2:
0xfa: {  	(tag) =	ssettag $0x2  }
0xfb: {  	s0 =	rddreg [dreg:$0x0];
	s2 =	stileid.u32  }
0xfc: {  	s1 =	rddreg [dreg:$0x1];
	p0 =	sne.s32 s2, $0x0  }
0xfd: {  	s3 =	rddreg [dreg:$0x2];
	[bflag:$0x3] =	sbarrier.arrive $0xFFFF;
	s2 =	simm.s32 @!p0 $0x1C08  }
0xfe: {  	[timem:s3], [sflag:s2] =	dma.local @!p0 [hbm:s0], s1  }
0xff: {  	s0 =	simm.s32 @!p0 $0x8  }
0x100: {  	_ =	swait.ge @!p0 [sflag:s0], s1  }
0x101: {  	s1 =	ssub.s32 @!p0 $0x0, s1;
	[sflag:s0] =	ssyncset.done @!p0 $0x0  }
0x102: {  	[sflag:s0] =	ssyncadd.s32 @!p0 s1  }
0x103: {  	[bflag:$0x3] =	sbarrier.arrive $0xFFFF  }
0x104: {  	_ =	shalt  }

</sc_bundles>
